<compile_context>
chip_gen: v7x
topology: tpu7x:2x2x1
jax: 0.10.2.dev20260603
libtpu: 0.0.44.dev20260713+nightly
codegen_flags: <defaults>
</compile_context>

<pallas_src>
import functools

import jax
import jax.numpy as jnp
from jax import lax
from jax.experimental import pallas as pl
from jax.experimental.pallas import tpu as pltpu
from jax.experimental.pallas import tpu_sc as plsc

N = 10000
E = 320000
NG = 10
GCH = 16
NCHUNK = NG * GCH
EPT = NCHUNK * 128
EPC = EPT * 16
NPAD = 10240
STRIPE = NPAD // 16
R = 1000
NB = N // R


def _mesh():
    return plsc.VectorSubcoreMesh(core_axis_name="c", subcore_axis_name="s",
                                  num_cores=2, num_subcores=16)


def _agg_body(x_hbm, src_hbm, dst_hbm, zrow_hbm, agg_out,
              sidx, didx, rows0, rows1, agg_sh, sem0, sem1):
    cid = lax.axis_index("c")
    sid = lax.axis_index("s")
    base = sid * STRIPE

    pltpu.sync_copy(zrow_hbm, agg_sh.at[pl.ds(base, STRIPE)])
    plsc.subcore_barrier()

    def group(g, carry):
        pltpu.sync_copy(src_hbm.at[cid, sid, pl.ds(g * GCH, GCH)], sidx)
        pltpu.sync_copy(dst_hbm.at[cid, sid, pl.ds(g * GCH, GCH)], didx)
        pltpu.async_copy(x_hbm.at[sidx.at[0]], rows0, sem0)

        def pair(k, carry2):
            c0 = 2 * k
            pltpu.async_copy(x_hbm.at[sidx.at[c0 + 1]], rows1, sem1)
            pltpu.make_async_copy(x_hbm.at[sidx.at[c0]], rows0, sem0).wait()
            pltpu.sync_copy(rows0, agg_sh.at[didx.at[c0]], add=True)
            pltpu.async_copy(x_hbm.at[sidx.at[c0 + 2]], rows0, sem0)
            pltpu.make_async_copy(x_hbm.at[sidx.at[c0 + 1]], rows1, sem1).wait()
            pltpu.sync_copy(rows1, agg_sh.at[didx.at[c0 + 1]], add=True)
            return carry2

        lax.fori_loop(0, GCH // 2 - 1, pair, 0)
        last = GCH - 2
        pltpu.async_copy(x_hbm.at[sidx.at[last + 1]], rows1, sem1)
        pltpu.make_async_copy(x_hbm.at[sidx.at[last]], rows0, sem0).wait()
        pltpu.sync_copy(rows0, agg_sh.at[didx.at[last]], add=True)
        pltpu.make_async_copy(x_hbm.at[sidx.at[last + 1]], rows1, sem1).wait()
        pltpu.sync_copy(rows1, agg_sh.at[didx.at[last + 1]], add=True)
        return carry

    lax.fori_loop(0, NG, group, 0)
    plsc.subcore_barrier()

    for kk in range(5):
        off = base + kk * 128
        pltpu.sync_copy(agg_sh.at[pl.ds(off, 128)], rows0)
        pltpu.sync_copy(rows0, agg_out.at[cid, pl.ds(off, 128)])


def _agg_deg_body(x_hbm, src_hbm, dst_hbm, zrow_hbm, ones_hbm,
                  agg_out, deg_out, sidx, didx, rows0, rows1, agg_sh,
                  sem0, sem1):
    cid = lax.axis_index("c")
    sid = lax.axis_index("s")
    base = sid * STRIPE

    pltpu.sync_copy(zrow_hbm, agg_sh.at[pl.ds(base, STRIPE)])
    plsc.subcore_barrier()

    def group(g, carry):
        pltpu.sync_copy(src_hbm.at[cid, sid, pl.ds(g * GCH, GCH)], sidx)
        pltpu.sync_copy(dst_hbm.at[cid, sid, pl.ds(g * GCH, GCH)], didx)
        pltpu.async_copy(x_hbm.at[sidx.at[0]], rows0, sem0)

        def pair(k, carry2):
            c0 = 2 * k
            pltpu.async_copy(x_hbm.at[sidx.at[c0 + 1]], rows1, sem1)
            pltpu.make_async_copy(x_hbm.at[sidx.at[c0]], rows0, sem0).wait()
            pltpu.sync_copy(rows0, agg_sh.at[didx.at[c0]], add=True)
            pltpu.async_copy(x_hbm.at[sidx.at[c0 + 2]], rows0, sem0)
            pltpu.make_async_copy(x_hbm.at[sidx.at[c0 + 1]], rows1, sem1).wait()
            pltpu.sync_copy(rows1, agg_sh.at[didx.at[c0 + 1]], add=True)
            return carry2

        lax.fori_loop(0, GCH // 2 - 1, pair, 0)
        last = GCH - 2
        pltpu.async_copy(x_hbm.at[sidx.at[last + 1]], rows1, sem1)
        pltpu.make_async_copy(x_hbm.at[sidx.at[last]], rows0, sem0).wait()
        pltpu.sync_copy(rows0, agg_sh.at[didx.at[last]], add=True)
        pltpu.make_async_copy(x_hbm.at[sidx.at[last + 1]], rows1, sem1).wait()
        pltpu.sync_copy(rows1, agg_sh.at[didx.at[last + 1]], add=True)
        return carry

    lax.fori_loop(0, NG, group, 0)
    plsc.subcore_barrier()
    for kk in range(5):
        off = base + kk * 128
        pltpu.sync_copy(agg_sh.at[pl.ds(off, 128)], rows0)
        pltpu.sync_copy(rows0, agg_out.at[cid, pl.ds(off, 128)])
    plsc.subcore_barrier()

    pltpu.sync_copy(zrow_hbm, agg_sh.at[pl.ds(base, STRIPE)])
    pltpu.sync_copy(ones_hbm, rows0)
    plsc.subcore_barrier()

    def dgroup(g, carry):
        pltpu.sync_copy(dst_hbm.at[cid, sid, pl.ds(g * GCH, GCH)], didx)

        def chunk(c, carry2):
            pltpu.sync_copy(rows0, agg_sh.at[didx.at[c]], add=True)
            return carry2

        lax.fori_loop(0, GCH, chunk, 0)
        return carry

    lax.fori_loop(0, NG, dgroup, 0)
    plsc.subcore_barrier()
    for kk in range(5):
        off = base + kk * 128
        pltpu.sync_copy(agg_sh.at[pl.ds(off, 128)], rows1)
        pltpu.sync_copy(rows1, deg_out.at[cid, pl.ds(off, 128)])


@functools.lru_cache(maxsize=None)
def _make_agg():
    scratch = [
        pltpu.VMEM((GCH, 128), jnp.int32),
        pltpu.VMEM((GCH, 128), jnp.int32),
        pltpu.VMEM((128, 128), jnp.float32),
        pltpu.VMEM((128, 128), jnp.float32),
        pltpu.VMEM_SHARED((NPAD, 128), jnp.float32),
        pltpu.SemaphoreType.DMA,
        pltpu.SemaphoreType.DMA,
    ]
    return pl.kernel(_agg_body,
                     out_type=jax.ShapeDtypeStruct((2, NPAD, 128), jnp.float32),
                     mesh=_mesh(), scratch_types=scratch, name="sc_edge_agg")


@functools.lru_cache(maxsize=None)
def _make_agg_deg():
    scratch = [
        pltpu.VMEM((GCH, 128), jnp.int32),
        pltpu.VMEM((GCH, 128), jnp.int32),
        pltpu.VMEM((128, 128), jnp.float32),
        pltpu.VMEM((128, 128), jnp.float32),
        pltpu.VMEM_SHARED((NPAD, 128), jnp.float32),
        pltpu.SemaphoreType.DMA,
        pltpu.SemaphoreType.DMA,
    ]
    out_type = [jax.ShapeDtypeStruct((2, NPAD, 128), jnp.float32),
                jax.ShapeDtypeStruct((2, NPAD, 128), jnp.float32)]
    return pl.kernel(_agg_deg_body, out_type=out_type,
                     mesh=_mesh(), scratch_types=scratch, name="sc_agg_deg")


def _prep_edges(edge_writes, edge_written_by):
    sw = edge_writes[0].astype(jnp.int32)
    dw = edge_writes[1].astype(jnp.int32)
    sb = edge_written_by[0].astype(jnp.int32)
    db = edge_written_by[1].astype(jnp.int32)
    pad = EPC - E
    zpad = jnp.zeros((pad,), jnp.int32)
    dpad = jnp.full((pad,), N, jnp.int32)
    shape = (16, EPT)
    src0 = jnp.concatenate([sb + N, zpad]).reshape(shape)
    dst0 = jnp.concatenate([db, dpad]).reshape(shape)
    src1 = jnp.concatenate([sw, zpad]).reshape(shape)
    dst1 = jnp.concatenate([dw, dpad]).reshape(shape)
    return jnp.stack([src0, src1]), jnp.stack([dst0, dst1])



def _prep_body(h_ref, agg_ref, deg_ref, Ws_ref, bs_ref, We_ref, be_ref,
               Wk_ref, bk_ref, Wa1_ref, ba1_ref, Wa2_ref,
               att_ref):
    i = pl.program_id(1)
    h = h_ref[0]
    self_b = jnp.dot(h, Ws_ref[0], preferred_element_type=jnp.float32) + bs_ref[0]
    deg = jnp.maximum(deg_ref[0][:, 0:1], 1.0)
    d_b = jnp.dot(agg_ref[0] / deg, We_ref[0],
                  preferred_element_type=jnp.float32) + be_ref[0]
    Wk = Wk_ref[0]
    bk = bk_ref[0]
    Wa1 = Wa1_ref[...]
    ba1 = ba1_ref[...]
    Wa2 = Wa2_ref[...]

    def score(x):
        k = jnp.dot(x, Wk, preferred_element_type=jnp.float32) + bk
        t = jnp.tanh(jnp.dot(k, Wa1, preferred_element_type=jnp.float32) + ba1)
        return jnp.sum(jnp.dot(t, Wa2, preferred_element_type=jnp.float32))

    s0 = score(self_b)
    s1 = score(d_b)

    @pl.when(i == 0)
    def _():
        att_ref[...] = jnp.zeros_like(att_ref)

    att_ref[0, 0] += s0
    att_ref[0, 1] += s1


def _comb_body(act, h_ref, agg_ref, deg_ref, att_ref, Ws_ref, bs_ref,
               We_ref, be_ref, Wr_ref, br_ref, out_ref):
    s0 = jnp.max(att_ref[0, 0]) / N
    s1 = jnp.max(att_ref[0, 1]) / N
    mx = jnp.maximum(s0, s1)
    e0 = jnp.exp(s0 - mx)
    e1 = jnp.exp(s1 - mx)
    b0 = e0 / (e0 + e1)
    b1 = e1 / (e0 + e1)
    h = h_ref[0]
    self_b = jnp.dot(h, Ws_ref[0], preferred_element_type=jnp.float32) + bs_ref[0]
    deg = jnp.maximum(deg_ref[0][:, 0:1], 1.0)
    d_b = jnp.dot(agg_ref[0] / deg, We_ref[0],
                  preferred_element_type=jnp.float32) + be_ref[0]
    r = self_b * b0 + d_b * b1
    r = (r + jnp.dot(h, Wr_ref[0], preferred_element_type=jnp.float32)
         + br_ref[0]) * 0.5
    if act:
        r = jnp.where(r > 0, r, jnp.exp(r) - 1.0)
    out_ref[0] = r


def _row_spec(last):
    return pl.BlockSpec((1, R, last), lambda t, i: (t, i, 0))


def _w_spec(a, b):
    return pl.BlockSpec((1, a, b), lambda t, i: (t, 0, 0))


_prep_call = pl.pallas_call(
    _prep_body,
    grid=(2, NB),
    in_specs=[
        _row_spec(128),
        _row_spec(128),
        _row_spec(128),
        _w_spec(128, 128),
        _w_spec(1, 128),
        _w_spec(128, 128),
        _w_spec(1, 128),
        _w_spec(128, 32),
        _w_spec(1, 32),
        pl.BlockSpec((32, 32), lambda t, i: (0, 0)),
        pl.BlockSpec((1, 32), lambda t, i: (0, 0)),
        pl.BlockSpec((32, 128), lambda t, i: (0, 0)),
    ],
    out_specs=pl.BlockSpec((1, 2, 8, 128), lambda t, i: (t, 0, 0, 0)),
    out_shape=jax.ShapeDtypeStruct((2, 2, 8, 128), jnp.float32),
)


def _make_comb(act):
    return pl.pallas_call(
        functools.partial(_comb_body, act),
        grid=(2, NB),
        in_specs=[
            _row_spec(128),
            _row_spec(128),
            _row_spec(128),
            pl.BlockSpec((1, 2, 8, 128), lambda t, i: (t, 0, 0, 0)),
            _w_spec(128, 128),
            _w_spec(1, 128),
            _w_spec(128, 128),
            _w_spec(1, 128),
            _w_spec(128, 128),
            _w_spec(1, 128),
        ],
        out_specs=_row_spec(128),
        out_shape=jax.ShapeDtypeStruct((2, N, 128), jnp.float32),
    )


_comb_act = _make_comb(True)
_comb_lin = _make_comb(False)


def _stack_params(p):
    Ws = jnp.stack([p["Ws_author"], p["Ws_paper"]])
    bs = jnp.stack([p["bs_author"], p["bs_paper"]])[:, None, :]
    We = jnp.stack([p["We_written_by"], p["We_writes"]])
    be = jnp.stack([p["be_written_by"], p["be_writes"]])[:, None, :]
    Wk = jnp.stack([p["Wk_author"], p["Wk_paper"]])
    bk = jnp.stack([p["bk_author"], p["bk_paper"]])[:, None, :]
    Wr = jnp.stack([p["Wr_author"], p["Wr_paper"]])
    br = jnp.stack([p["br_author"], p["br_paper"]])[:, None, :]
    Wa2 = jnp.pad(p["Wa2"], ((0, 0), (0, 127)))
    return Ws, bs, We, be, Wk, bk, Wr, br, p["Wa1"], p["ba1"][None, :], Wa2


def kernel(h_author, h_paper, edge_writes, edge_written_by, params):
    esrc, edst = _prep_edges(edge_writes, edge_written_by)
    zrow = jnp.zeros((STRIPE, 128), jnp.float32)
    ones = jnp.ones((128, 128), jnp.float32)

    esrc = esrc.reshape(2, 16, NCHUNK, 128)
    edst = edst.reshape(2, 16, NCHUNK, 128)
    h = jnp.stack([h_author, h_paper])
    deg = None
    for l, p in enumerate(params):
        x_cat = h.reshape(2 * N, 128)
        if l == 0:
            agg, deg = _make_agg_deg()(x_cat, esrc, edst, zrow, ones)
            agg, deg = agg[:, :N], deg[:, :N]
        else:
            agg = _make_agg()(x_cat, esrc, edst, zrow)[:, :N]
        Ws, bs, We, be, Wk, bk, Wr, br, Wa1, ba1, Wa2 = _stack_params(p)
        att = _prep_call(h, agg, deg, Ws, bs, We, be, Wk, bk, Wa1, ba1, Wa2)
        comb = _comb_act if l == 0 else _comb_lin
        h = comb(h, agg, deg, att, Ws, bs, We, be, Wr, br)
    return h[0], h[1]

# --- scband reference (transcript-rebuilt; emitter-appended) ---
"""Pipeline reference for scband-ie-hgcn-63651415327130 (READ-ONLY COPY).

The authoritative reference and input builder live on the scoring server;
editing this copy changes nothing except your own understanding.
"""

import jax, jax.numpy as jnp
import numpy as np

N_A = 10000; N_P = 10000; E = 320000
D_IN = 128; D_HID = 128; D_OUT = 128; ATTN = 32; HID_ATT = 32


def _lin(key, fin, fout):
    W = jax.random.normal(key, (fin, fout), jnp.float32) * (1.0 / np.sqrt(fin))
    b = jnp.zeros((fout,), jnp.float32)
    return W, b


def setup_inputs(seed: int = 0) -> dict:
    key = jax.random.key(seed)
    ks = jax.random.split(key, 64)
    h_author = jax.random.normal(ks[0], (N_A, D_IN), jnp.float32)
    h_paper = jax.random.normal(ks[1], (N_P, D_IN), jnp.float32)
    edge_writes = jax.random.randint(ks[2], (2, E), 0, N_A, dtype=jnp.int32).astype(jnp.int64)
    edge_written_by = jax.random.randint(ks[3], (2, E), 0, N_P, dtype=jnp.int32).astype(jnp.int64)
    params = []
    ki = 4
    for l in range(2):
        fin = D_IN if l == 0 else D_HID
        fout = D_HID if l == 0 else D_OUT
        p = {}
        for t in ("author", "paper"):
            p["Ws_" + t], p["bs_" + t] = _lin(ks[ki], fin, fout); ki += 1
            p["Wk_" + t], p["bk_" + t] = _lin(ks[ki], fout, ATTN); ki += 1
            p["Wr_" + t], p["br_" + t] = _lin(ks[ki], fin, fout); ki += 1
        for e in ("writes", "written_by"):
            p["We_" + e], p["be_" + e] = _lin(ks[ki], fin, fout); ki += 1
        p["Wa1"], p["ba1"] = _lin(ks[ki], ATTN, HID_ATT); ki += 1
        p["Wa2"] = jax.random.normal(ks[ki], (HID_ATT, 1), jnp.float32) * (1.0 / np.sqrt(HID_ATT)); ki += 1
        params.append(p)
    return {"h_author": h_author, "h_paper": h_paper, "edge_writes": edge_writes,
            "edge_written_by": edge_written_by, "params": params}


def _graphconv(x_src, W, b, src, dst, n_dst):
    # DGL GraphConv norm='right': aggregate (x_src @ W) over edges, divide by in-degree (clamped to 1), add bias
    m = x_src @ W
    agg = jnp.zeros((n_dst, m.shape[1]), m.dtype).at[dst].add(m[src])
    deg = jnp.zeros((n_dst,), m.dtype).at[dst].add(1.0)
    deg = jnp.clip(deg, 1.0, None)
    return agg / deg[:, None] + b


def _sem_att(z, Wa1, ba1, Wa2):
    # z: [K, N, ATTN] -> beta: [K, 1]
    w = jnp.tanh(z @ Wa1 + ba1) @ Wa2  # [K, N, 1]
    w = w.mean(axis=1)                  # [K, 1]
    return jax.nn.softmax(w, axis=0)    # [K, 1]


def _layer(h_a, h_p, ew, ewb, p, act):
    self_a = h_a @ p["Ws_author"] + p["bs_author"]
    self_p = h_p @ p["Ws_paper"] + p["bs_paper"]
    out_a = [self_a]; out_p = [self_p]
    key_a = [self_a @ p["Wk_author"] + p["bk_author"]]
    key_p = [self_p @ p["Wk_paper"] + p["bk_paper"]]
    # canonical etype (author, writes, paper)
    d_p = _graphconv(h_a, p["We_writes"], p["be_writes"], ew[0], ew[1], h_p.shape[0])
    out_p.append(d_p); key_p.append(d_p @ p["Wk_paper"] + p["bk_paper"])
    # canonical etype (paper, written_by, author)
    d_a = _graphconv(h_p, p["We_written_by"], p["be_written_by"], ewb[0], ewb[1], h_a.shape[0])
    out_a.append(d_a); key_a.append(d_a @ p["Wk_author"] + p["bk_author"])
    res = []
    for outs, keys, t, h in ((out_a, key_a, "author", h_a), (out_p, key_p, "paper", h_p)):
        beta = _sem_att(jnp.stack(keys, axis=0), p["Wa1"], p["ba1"], p["Wa2"])  # [2,1]
        r = outs[0] * beta[0] + outs[1] * beta[1]
        r = (r + h @ p["Wr_" + t] + p["br_" + t]) / 2.0
        if act:
            r = jax.nn.elu(r)
        res.append(r)
    return res[0], res[1]


def reference(h_author, h_paper, edge_writes, edge_written_by, params):
    h_a, h_p = _layer(h_author, h_paper, edge_writes, edge_written_by, params[0], True)
    h_a, h_p = _layer(h_a, h_p, edge_writes, edge_written_by, params[1], False)
    return h_a, h_p

if __name__ == "__main__":
    import jax
    _d = setup_inputs()
    print(jax.jit(kernel)(*tuple(_d.values())))

</pallas_src>

<mosaic_0001>
#map = affine_map<(d0, d1) -> (0, 0)>
#map1 = affine_map<(d0, d1) -> (0, 0, 0, 0)>
#map2 = affine_map<(d0, d1) -> (0, 0, 0)>
module attributes {stable_mosaic.version = 14 : i64} {
  func.func @sc_agg_deg(%arg0: i32, %arg1: i32, %arg2: memref<20000x128xf32, #tpu.memory_space<hbm>>, %arg3: memref<2x16x160x128xi32, #tpu.memory_space<hbm>>, %arg4: memref<2x16x160x128xi32, #tpu.memory_space<hbm>>, %arg5: memref<640x128xf32, #tpu.memory_space<hbm>>, %arg6: memref<128x128xf32, #tpu.memory_space<hbm>>, %arg7: memref<2x10240x128xf32, #tpu.memory_space<hbm>>, %arg8: memref<2x10240x128xf32, #tpu.memory_space<hbm>>, %arg9: memref<16x128xi32, #tpu.memory_space<vmem>>, %arg10: memref<16x128xi32, #tpu.memory_space<vmem>>, %arg11: memref<128x128xf32, #tpu.memory_space<vmem>>, %arg12: memref<128x128xf32, #tpu.memory_space<vmem>>, %arg13: memref<10240x128xf32, #tpu.memory_space<vmem_shared>>, %arg14: memref<!tpu.dma_semaphore, #tpu.memory_space<semaphore_mem>>, %arg15: memref<!tpu.dma_semaphore, #tpu.memory_space<semaphore_mem>>) attributes {dimension_semantics = [#tpu.dimension_semantics<core_parallel>, #tpu.dimension_semantics<subcore_parallel>], iteration_bounds = array<i64: 2, 16>, scalar_prefetch = 0 : i64, scratch_operands = 7 : i64, tpu.core_type = #tpu.core_type<sc_vector_subcore>, window_params = [{transform_indices = #map}, {transform_indices = #map1}, {transform_indices = #map1}, {transform_indices = #map}, {transform_indices = #map}, {transform_indices = #map2}, {transform_indices = #map2}]} {
    %mul3A = arith.constant 640 : i32
    %mul3A_0 = arith.muli %arg1, %mul3A : i32
    "tpu.region"() ({
      %run_scoped3A = tpu.sem_alloc : memref<!tpu.dma_semaphore, #tpu.memory_space<semaphore_mem>>
      %dma_start3A = arith.constant 0 : i32
      %dma_start3A_35 = tpu.memref_slice %arg13[%mul3A_0, %dma_start3A] : memref<10240x128xf32, #tpu.memory_space<vmem_shared>> -> memref<640x128xf32, #tpu.memory_space<vmem_shared>>
      tpu.enqueue_dma source(%arg5 : memref<640x128xf32, #tpu.memory_space<hbm>>) target(%dma_start3A_35 : memref<640x128xf32, #tpu.memory_space<vmem_shared>>) target_semaphore(%run_scoped3A : memref<!tpu.dma_semaphore, #tpu.memory_space<semaphore_mem>>)
      %dma_wait3A = arith.constant 0 : i32
      %dma_wait3A_36 = tpu.memref_slice %arg13[%mul3A_0, %dma_wait3A] : memref<10240x128xf32, #tpu.memory_space<vmem_shared>> -> memref<640x128xf32, #tpu.memory_space<vmem_shared>>
      tpu.wait_dma2 semaphore(%run_scoped3A : memref<!tpu.dma_semaphore, #tpu.memory_space<semaphore_mem>>) src(%arg5 : memref<640x128xf32, #tpu.memory_space<hbm>>) dst(%dma_wait3A_36 : memref<640x128xf32, #tpu.memory_space<vmem_shared>>)
      tpu.yield
    }) : () -> ()
    %barrier3A = arith.constant 0 : index
    tpu.barrier barrier_id(%barrier3A)
    %scan3A = arith.constant 0 : i32
    %scan3A_1 = arith.constant 0 : i32
    %scan3A_2 = arith.constant 10 : i32
    %scan3A_3 = arith.addi %scan3A_1, %scan3A_2 : i32
    %scan3A_4 = arith.constant 1 : i32
    scf.for %scan3A_35 = %scan3A_1 to %scan3A_3 step %scan3A_4  : i32 {
      %mul3A_36 = arith.constant 16 : i32
      %mul3A_37 = arith.muli %scan3A_35, %mul3A_36 : i32
      "tpu.region"() ({
        %run_scoped3A_73 = tpu.sem_alloc : memref<!tpu.dma_semaphore, #tpu.memory_space<semaphore_mem>>
        %dma_start3A_74 = arith.constant 0 : i32
        %dma_start3A_75 = tpu.memref_slice %arg3[%arg0, %arg1, %mul3A_37, %dma_start3A_74] : memref<2x16x160x128xi32, #tpu.memory_space<hbm>> -> memref<1x1x16x128xi32, #tpu.memory_space<hbm>>
        %dma_start3A_76 = tpu.memref_squeeze %dma_start3A_75 : memref<1x1x16x128xi32, #tpu.memory_space<hbm>> -> memref<16x128xi32, #tpu.memory_space<hbm>>
        %dma_start3A_77 = arith.constant 0 : i32
        %dma_start3A_78 = tpu.memref_slice %arg3[%arg0, %arg1, %mul3A_37, %dma_start3A_77] : memref<2x16x160x128xi32, #tpu.memory_space<hbm>> -> memref<1x1x16x128xi32, #tpu.memory_space<hbm>>
        %dma_start3A_79 = tpu.memref_squeeze %dma_start3A_78 : memref<1x1x16x128xi32, #tpu.memory_space<hbm>> -> memref<16x128xi32, #tpu.memory_space<hbm>>
        tpu.enqueue_dma source(%dma_start3A_79 : memref<16x128xi32, #tpu.memory_space<hbm>>) target(%arg9 : memref<16x128xi32, #tpu.memory_space<vmem>>) target_semaphore(%run_scoped3A_73 : memref<!tpu.dma_semaphore, #tpu.memory_space<semaphore_mem>>)
        %dma_wait3A_80 = arith.constant 0 : i32
        %dma_wait3A_81 = tpu.memref_slice %arg3[%arg0, %arg1, %mul3A_37, %dma_wait3A_80] : memref<2x16x160x128xi32, #tpu.memory_space<hbm>> -> memref<1x1x16x128xi32, #tpu.memory_space<hbm>>
        %dma_wait3A_82 = tpu.memref_squeeze %dma_wait3A_81 : memref<1x1x16x128xi32, #tpu.memory_space<hbm>> -> memref<16x128xi32, #tpu.memory_space<hbm>>
        %dma_wait3A_83 = arith.constant 0 : i32
        %dma_wait3A_84 = tpu.memref_slice %arg3[%arg0, %arg1, %mul3A_37, %dma_wait3A_83] : memref<2x16x160x128xi32, #tpu.memory_space<hbm>> -> memref<1x1x16x128xi32, #tpu.memory_space<hbm>>
        %dma_wait3A_85 = tpu.memref_squeeze %dma_wait3A_84 : memref<1x1x16x128xi32, #tpu.memory_space<hbm>> -> memref<16x128xi32, #tpu.memory_space<hbm>>
        tpu.wait_dma2 semaphore(%run_scoped3A_73 : memref<!tpu.dma_semaphore, #tpu.memory_space<semaphore_mem>>) src(%dma_wait3A_85 : memref<16x128xi32, #tpu.memory_space<hbm>>) dst(%arg9 : memref<16x128xi32, #tpu.memory_space<vmem>>)
        tpu.yield
      }) : () -> ()
      %mul3A_38 = arith.constant 16 : i32
      %mul3A_39 = arith.muli %scan3A_35, %mul3A_38 : i32
      "tpu.region"() ({
        %run_scoped3A_73 = tpu.sem_alloc : memref<!tpu.dma_semaphore, #tpu.memory_space<semaphore_mem>>
        %dma_start3A_74 = arith.constant 0 : i32
        %dma_start3A_75 = tpu.memref_slice %arg4[%arg0, %arg1, %mul3A_39, %dma_start3A_74] : memref<2x16x160x128xi32, #tpu.memory_space<hbm>> -> memref<1x1x16x128xi32, #tpu.memory_space<hbm>>
        %dma_start3A_76 = tpu.memref_squeeze %dma_start3A_75 : memref<1x1x16x128xi32, #tpu.memory_space<hbm>> -> memref<16x128xi32, #tpu.memory_space<hbm>>
        %dma_start3A_77 = arith.constant 0 : i32
        %dma_start3A_78 = tpu.memref_slice %arg4[%arg0, %arg1, %mul3A_39, %dma_start3A_77] : memref<2x16x160x128xi32, #tpu.memory_space<hbm>> -> memref<1x1x16x128xi32, #tpu.memory_space<hbm>>
        %dma_start3A_79 = tpu.memref_squeeze %dma_start3A_78 : memref<1x1x16x128xi32, #tpu.memory_space<hbm>> -> memref<16x128xi32, #tpu.memory_space<hbm>>
        tpu.enqueue_dma source(%dma_start3A_79 : memref<16x128xi32, #tpu.memory_space<hbm>>) target(%arg10 : memref<16x128xi32, #tpu.memory_space<vmem>>) target_semaphore(%run_scoped3A_73 : memref<!tpu.dma_semaphore, #tpu.memory_space<semaphore_mem>>)
        %dma_wait3A_80 = arith.constant 0 : i32
        %dma_wait3A_81 = tpu.memref_slice %arg4[%arg0, %arg1, %mul3A_39, %dma_wait3A_80] : memref<2x16x160x128xi32, #tpu.memory_space<hbm>> -> memref<1x1x16x128xi32, #tpu.memory_space<hbm>>
        %dma_wait3A_82 = tpu.memref_squeeze %dma_wait3A_81 : memref<1x1x16x128xi32, #tpu.memory_space<hbm>> -> memref<16x128xi32, #tpu.memory_space<hbm>>
        %dma_wait3A_83 = arith.constant 0 : i32
        %dma_wait3A_84 = tpu.memref_slice %arg4[%arg0, %arg1, %mul3A_39, %dma_wait3A_83] : memref<2x16x160x128xi32, #tpu.memory_space<hbm>> -> memref<1x1x16x128xi32, #tpu.memory_space<hbm>>
        %dma_wait3A_85 = tpu.memref_squeeze %dma_wait3A_84 : memref<1x1x16x128xi32, #tpu.memory_space<hbm>> -> memref<16x128xi32, #tpu.memory_space<hbm>>
        tpu.wait_dma2 semaphore(%run_scoped3A_73 : memref<!tpu.dma_semaphore, #tpu.memory_space<semaphore_mem>>) src(%dma_wait3A_85 : memref<16x128xi32, #tpu.memory_space<hbm>>) dst(%arg10 : memref<16x128xi32, #tpu.memory_space<vmem>>)
        tpu.yield
      }) : () -> ()
      %dma_start3A = arith.constant 0 : i32
      %dma_start3A_40 = arith.constant 0 : i32
      %dma_start3A_41 = tpu.memref_slice %arg9[%dma_start3A, %dma_start3A_40] : memref<16x128xi32, #tpu.memory_space<vmem>> -> memref<1x128xi32, #tpu.memory_space<vmem>>
      %dma_start3A_42 = tpu.memref_squeeze %dma_start3A_41 : memref<1x128xi32, #tpu.memory_space<vmem>> -> memref<128xi32, #tpu.memory_space<vmem>>
      %dma_start3A_43 = arith.constant 0 : i32
      %dma_start3A_44 = arith.constant 0 : i32
      %dma_start3A_45 = tpu.memref_slice %arg2[%dma_start3A_43, %dma_start3A_44] : memref<20000x128xf32, #tpu.memory_space<hbm>> -> memref<20000x128xf32, #tpu.memory_space<hbm>>
      tpu.enqueue_indirect_dma source(%dma_start3A_45 : memref<20000x128xf32, #tpu.memory_space<hbm>>) target(%arg11 : memref<128x128xf32, #tpu.memory_space<vmem>>) offsets(%dma_start3A_42 : memref<128xi32, #tpu.memory_space<vmem>>) semaphore(%arg14 : memref<!tpu.dma_semaphore, #tpu.memory_space<semaphore_mem>>)
      %scan3A_46 = arith.constant 0 : i32
      %scan3A_47 = arith.constant 0 : i32
      %scan3A_48 = arith.constant 7 : i32
      %scan3A_49 = arith.addi %scan3A_47, %scan3A_48 : i32
      %scan3A_50 = arith.constant 1 : i32
      scf.for %scan3A_73 = %scan3A_47 to %scan3A_49 step %scan3A_50  : i32 {
        %mul3A_74 = arith.constant 2 : i32
        %mul3A_75 = arith.muli %mul3A_74, %scan3A_73 : i32
        %add3A_76 = arith.constant 1 : i32
        %add3A_77 = arith.addi %mul3A_75, %add3A_76 : i32
        %dma_start3A_78 = arith.constant 0 : i32
        %dma_start3A_79 = tpu.memref_slice %arg9[%add3A_77, %dma_start3A_78] : memref<16x128xi32, #tpu.memory_space<vmem>> -> memref<1x128xi32, #tpu.memory_space<vmem>>
        %dma_start3A_80 = tpu.memref_squeeze %dma_start3A_79 : memref<1x128xi32, #tpu.memory_space<vmem>> -> memref<128xi32, #tpu.memory_space<vmem>>
        %dma_start3A_81 = arith.constant 0 : i32
        %dma_start3A_82 = arith.constant 0 : i32
        %dma_start3A_83 = tpu.memref_slice %arg2[%dma_start3A_81, %dma_start3A_82] : memref<20000x128xf32, #tpu.memory_space<hbm>> -> memref<20000x128xf32, #tpu.memory_space<hbm>>
        tpu.enqueue_indirect_dma source(%dma_start3A_83 : memref<20000x128xf32, #tpu.memory_space<hbm>>) target(%arg12 : memref<128x128xf32, #tpu.memory_space<vmem>>) offsets(%dma_start3A_80 : memref<128xi32, #tpu.memory_space<vmem>>) semaphore(%arg15 : memref<!tpu.dma_semaphore, #tpu.memory_space<semaphore_mem>>)
        %dma_wait3A_84 = arith.constant 0 : i32
        %dma_wait3A_85 = tpu.memref_slice %arg9[%mul3A_75, %dma_wait3A_84] : memref<16x128xi32, #tpu.memory_space<vmem>> -> memref<1x128xi32, #tpu.memory_space<vmem>>
        %dma_wait3A_86 = tpu.memref_squeeze %dma_wait3A_85 : memref<1x128xi32, #tpu.memory_space<vmem>> -> memref<128xi32, #tpu.memory_space<vmem>>
        %dma_wait3A_87 = arith.constant 0 : i32
        %dma_wait3A_88 = arith.constant 0 : i32
        %dma_wait3A_89 = tpu.memref_slice %arg2[%dma_wait3A_87, %dma_wait3A_88] : memref<20000x128xf32, #tpu.memory_space<hbm>> -> memref<20000x128xf32, #tpu.memory_space<hbm>>
        tpu.wait_indirect_dma semaphore(%arg14 : memref<!tpu.dma_semaphore, #tpu.memory_space<semaphore_mem>>) src(%dma_wait3A_89 : memref<20000x128xf32, #tpu.memory_space<hbm>>) dst(%arg11 : memref<128x128xf32, #tpu.memory_space<vmem>>)
        "tpu.region"() ({
          %run_scoped3A_108 = tpu.sem_alloc : memref<!tpu.dma_semaphore, #tpu.memory_space<semaphore_mem>>
          %dma_start3A_109 = arith.constant 0 : i32
          %dma_start3A_110 = tpu.memref_slice %arg10[%mul3A_75, %dma_start3A_109] : memref<16x128xi32, #tpu.memory_space<vmem>> -> memref<1x128xi32, #tpu.memory_space<vmem>>
          %dma_start3A_111 = tpu.memref_squeeze %dma_start3A_110 : memref<1x128xi32, #tpu.memory_space<vmem>> -> memref<128xi32, #tpu.memory_space<vmem>>
          %dma_start3A_112 = arith.constant 0 : i32
          %dma_start3A_113 = arith.constant 0 : i32
          %dma_start3A_114 = tpu.memref_slice %arg13[%dma_start3A_112, %dma_start3A_113] : memref<10240x128xf32, #tpu.memory_space<vmem_shared>> -> memref<10240x128xf32, #tpu.memory_space<vmem_shared>>
          tpu.enqueue_indirect_dma source(%arg11 : memref<128x128xf32, #tpu.memory_space<vmem>>) target(%dma_start3A_114 : memref<10240x128xf32, #tpu.memory_space<vmem_shared>>) offsets(%dma_start3A_111 : memref<128xi32, #tpu.memory_space<vmem>>) semaphore(%run_scoped3A_108 : memref<!tpu.dma_semaphore, #tpu.memory_space<semaphore_mem>>) {add = true}
          %dma_wait3A_115 = arith.constant 0 : i32
          %dma_wait3A_116 = tpu.memref_slice %arg10[%mul3A_75, %dma_wait3A_115] : memref<16x128xi32, #tpu.memory_space<vmem>> -> memref<1x128xi32, #tpu.memory_space<vmem>>
          %dma_wait3A_117 = tpu.memref_squeeze %dma_wait3A_116 : memref<1x128xi32, #tpu.memory_space<vmem>> -> memref<128xi32, #tpu.memory_space<vmem>>
          %dma_wait3A_118 = arith.constant 0 : i32
          %dma_wait3A_119 = arith.constant 0 : i32
          %dma_wait3A_120 = tpu.memref_slice %arg13[%dma_wait3A_118, %dma_wait3A_119] : memref<10240x128xf32, #tpu.memory_space<vmem_shared>> -> memref<10240x128xf32, #tpu.memory_space<vmem_shared>>
          tpu.wait_indirect_dma semaphore(%run_scoped3A_108 : memref<!tpu.dma_semaphore, #tpu.memory_space<semaphore_mem>>) src(%arg11 : memref<128x128xf32, #tpu.memory_space<vmem>>) dst(%dma_wait3A_120 : memref<10240x128xf32, #tpu.memory_space<vmem_shared>>)
          tpu.yield
        }) : () -> ()
        %add3A_90 = arith.constant 2 : i32
        %add3A_91 = arith.addi %mul3A_75, %add3A_90 : i32
        %dma_start3A_92 = arith.constant 0 : i32
        %dma_start3A_93 = tpu.memref_slice %arg9[%add3A_91, %dma_start3A_92] : memref<16x128xi32, #tpu.memory_space<vmem>> -> memref<1x128xi32, #tpu.memory_space<vmem>>
        %dma_start3A_94 = tpu.memref_squeeze %dma_start3A_93 : memref<1x128xi32, #tpu.memory_space<vmem>> -> memref<128xi32, #tpu.memory_space<vmem>>
        %dma_start3A_95 = arith.constant 0 : i32
        %dma_start3A_96 = arith.constant 0 : i32
        %dma_start3A_97 = tpu.memref_slice %arg2[%dma_start3A_95, %dma_start3A_96] : memref<20000x128xf32, #tpu.memory_space<hbm>> -> memref<20000x128xf32, #tpu.memory_space<hbm>>
        tpu.enqueue_indirect_dma source(%dma_start3A_97 : memref<20000x128xf32, #tpu.memory_space<hbm>>) target(%arg11 : memref<128x128xf32, #tpu.memory_space<vmem>>) offsets(%dma_start3A_94 : memref<128xi32, #tpu.memory_space<vmem>>) semaphore(%arg14 : memref<!tpu.dma_semaphore, #tpu.memory_space<semaphore_mem>>)
        %add3A_98 = arith.constant 1 : i32
        %add3A_99 = arith.addi %mul3A_75, %add3A_98 : i32
        %dma_wait3A_100 = arith.constant 0 : i32
        %dma_wait3A_101 = tpu.memref_slice %arg9[%add3A_99, %dma_wait3A_100] : memref<16x128xi32, #tpu.memory_space<vmem>> -> memref<1x128xi32, #tpu.memory_space<vmem>>
        %dma_wait3A_102 = tpu.memref_squeeze %dma_wait3A_101 : memref<1x128xi32, #tpu.memory_space<vmem>> -> memref<128xi32, #tpu.memory_space<vmem>>
        %dma_wait3A_103 = arith.constant 0 : i32
        %dma_wait3A_104 = arith.constant 0 : i32
        %dma_wait3A_105 = tpu.memref_slice %arg2[%dma_wait3A_103, %dma_wait3A_104] : memref<20000x128xf32, #tpu.memory_space<hbm>> -> memref<20000x128xf32, #tpu.memory_space<hbm>>
        tpu.wait_indirect_dma semaphore(%arg15 : memref<!tpu.dma_semaphore, #tpu.memory_space<semaphore_mem>>) src(%dma_wait3A_105 : memref<20000x128xf32, #tpu.memory_space<hbm>>) dst(%arg12 : memref<128x128xf32, #tpu.memory_space<vmem>>)
        %add3A_106 = arith.constant 1 : i32
        %add3A_107 = arith.addi %mul3A_75, %add3A_106 : i32
        "tpu.region"() ({
          %run_scoped3A_108 = tpu.sem_alloc : memref<!tpu.dma_semaphore, #tpu.memory_space<semaphore_mem>>
          %dma_start3A_109 = arith.constant 0 : i32
          %dma_start3A_110 = tpu.memref_slice %arg10[%add3A_107, %dma_start3A_109] : memref<16x128xi32, #tpu.memory_space<vmem>> -> memref<1x128xi32, #tpu.memory_space<vmem>>
          %dma_start3A_111 = tpu.memref_squeeze %dma_start3A_110 : memref<1x128xi32, #tpu.memory_space<vmem>> -> memref<128xi32, #tpu.memory_space<vmem>>
          %dma_start3A_112 = arith.constant 0 : i32
          %dma_start3A_113 = arith.constant 0 : i32
          %dma_start3A_114 = tpu.memref_slice %arg13[%dma_start3A_112, %dma_start3A_113] : memref<10240x128xf32, #tpu.memory_space<vmem_shared>> -> memref<10240x128xf32, #tpu.memory_space<vmem_shared>>
          tpu.enqueue_indirect_dma source(%arg12 : memref<128x128xf32, #tpu.memory_space<vmem>>) target(%dma_start3A_114 : memref<10240x128xf32, #tpu.memory_space<vmem_shared>>) offsets(%dma_start3A_111 : memref<128xi32, #tpu.memory_space<vmem>>) semaphore(%run_scoped3A_108 : memref<!tpu.dma_semaphore, #tpu.memory_space<semaphore_mem>>) {add = true}
          %dma_wait3A_115 = arith.constant 0 : i32
          %dma_wait3A_116 = tpu.memref_slice %arg10[%add3A_107, %dma_wait3A_115] : memref<16x128xi32, #tpu.memory_space<vmem>> -> memref<1x128xi32, #tpu.memory_space<vmem>>
          %dma_wait3A_117 = tpu.memref_squeeze %dma_wait3A_116 : memref<1x128xi32, #tpu.memory_space<vmem>> -> memref<128xi32, #tpu.memory_space<vmem>>
          %dma_wait3A_118 = arith.constant 0 : i32
          %dma_wait3A_119 = arith.constant 0 : i32
          %dma_wait3A_120 = tpu.memref_slice %arg13[%dma_wait3A_118, %dma_wait3A_119] : memref<10240x128xf32, #tpu.memory_space<vmem_shared>> -> memref<10240x128xf32, #tpu.memory_space<vmem_shared>>
          tpu.wait_indirect_dma semaphore(%run_scoped3A_108 : memref<!tpu.dma_semaphore, #tpu.memory_space<semaphore_mem>>) src(%arg12 : memref<128x128xf32, #tpu.memory_space<vmem>>) dst(%dma_wait3A_120 : memref<10240x128xf32, #tpu.memory_space<vmem_shared>>)
          tpu.yield
        }) : () -> ()
      }
      %scan3A_51 = arith.constant 7 : i32
      %dma_start3A_52 = arith.constant 15 : i32
      %dma_start3A_53 = arith.constant 0 : i32
      %dma_start3A_54 = tpu.memref_slice %arg9[%dma_start3A_52, %dma_start3A_53] : memref<16x128xi32, #tpu.memory_space<vmem>> -> memref<1x128xi32, #tpu.memory_space<vmem>>
      %dma_start3A_55 = tpu.memref_squeeze %dma_start3A_54 : memref<1x128xi32, #tpu.memory_space<vmem>> -> memref<128xi32, #tpu.memory_space<vmem>>
      %dma_start3A_56 = arith.constant 0 : i32
      %dma_start3A_57 = arith.constant 0 : i32
      %dma_start3A_58 = tpu.memref_slice %arg2[%dma_start3A_56, %dma_start3A_57] : memref<20000x128xf32, #tpu.memory_space<hbm>> -> memref<20000x128xf32, #tpu.memory_space<hbm>>
      tpu.enqueue_indirect_dma source(%dma_start3A_58 : memref<20000x128xf32, #tpu.memory_space<hbm>>) target(%arg12 : memref<128x128xf32, #tpu.memory_space<vmem>>) offsets(%dma_start3A_55 : memref<128xi32, #tpu.memory_space<vmem>>) semaphore(%arg15 : memref<!tpu.dma_semaphore, #tpu.memory_space<semaphore_mem>>)
      %dma_wait3A = arith.constant 14 : i32
      %dma_wait3A_59 = arith.constant 0 : i32
      %dma_wait3A_60 = tpu.memref_slice %arg9[%dma_wait3A, %dma_wait3A_59] : memref<16x128xi32, #tpu.memory_space<vmem>> -> memref<1x128xi32, #tpu.memory_space<vmem>>
      %dma_wait3A_61 = tpu.memref_squeeze %dma_wait3A_60 : memref<1x128xi32, #tpu.memory_space<vmem>> -> memref<128xi32, #tpu.memory_space<vmem>>
      %dma_wait3A_62 = arith.constant 0 : i32
      %dma_wait3A_63 = arith.constant 0 : i32
      %dma_wait3A_64 = tpu.memref_slice %arg2[%dma_wait3A_62, %dma_wait3A_63] : memref<20000x128xf32, #tpu.memory_space<hbm>> -> memref<20000x128xf32, #tpu.memory_space<hbm>>
      tpu.wait_indirect_dma semaphore(%arg14 : memref<!tpu.dma_semaphore, #tpu.memory_space<semaphore_mem>>) src(%dma_wait3A_64 : memref<20000x128xf32, #tpu.memory_space<hbm>>) dst(%arg11 : memref<128x128xf32, #tpu.memory_space<vmem>>)
      %run_scoped3A = arith.constant 14 : i32
      "tpu.region"() ({
        %run_scoped3A_73 = tpu.sem_alloc : memref<!tpu.dma_semaphore, #tpu.memory_space<semaphore_mem>>
        %dma_start3A_74 = arith.constant 0 : i32
        %dma_start3A_75 = tpu.memref_slice %arg10[%run_scoped3A, %dma_start3A_74] : memref<16x128xi32, #tpu.memory_space<vmem>> -> memref<1x128xi32, #tpu.memory_space<vmem>>
        %dma_start3A_76 = tpu.memref_squeeze %dma_start3A_75 : memref<1x128xi32, #tpu.memory_space<vmem>> -> memref<128xi32, #tpu.memory_space<vmem>>
        %dma_start3A_77 = arith.constant 0 : i32
        %dma_start3A_78 = arith.constant 0 : i32
        %dma_start3A_79 = tpu.memref_slice %arg13[%dma_start3A_77, %dma_start3A_78] : memref<10240x128xf32, #tpu.memory_space<vmem_shared>> -> memref<10240x128xf32, #tpu.memory_space<vmem_shared>>
        tpu.enqueue_indirect_dma source(%arg11 : memref<128x128xf32, #tpu.memory_space<vmem>>) target(%dma_start3A_79 : memref<10240x128xf32, #tpu.memory_space<vmem_shared>>) offsets(%dma_start3A_76 : memref<128xi32, #tpu.memory_space<vmem>>) semaphore(%run_scoped3A_73 : memref<!tpu.dma_semaphore, #tpu.memory_space<semaphore_mem>>) {add = true}
        %dma_wait3A_80 = arith.constant 0 : i32
        %dma_wait3A_81 = tpu.memref_slice %arg10[%run_scoped3A, %dma_wait3A_80] : memref<16x128xi32, #tpu.memory_space<vmem>> -> memref<1x128xi32, #tpu.memory_space<vmem>>
        %dma_wait3A_82 = tpu.memref_squeeze %dma_wait3A_81 : memref<1x128xi32, #tpu.memory_space<vmem>> -> memref<128xi32, #tpu.memory_space<vmem>>
        %dma_wait3A_83 = arith.constant 0 : i32
        %dma_wait3A_84 = arith.constant 0 : i32
        %dma_wait3A_85 = tpu.memref_slice %arg13[%dma_wait3A_83, %dma_wait3A_84] : memref<10240x128xf32, #tpu.memory_space<vmem_shared>> -> memref<10240x128xf32, #tpu.memory_space<vmem_shared>>
        tpu.wait_indirect_dma semaphore(%run_scoped3A_73 : memref<!tpu.dma_semaphore, #tpu.memory_space<semaphore_mem>>) src(%arg11 : memref<128x128xf32, #tpu.memory_space<vmem>>) dst(%dma_wait3A_85 : memref<10240x128xf32, #tpu.memory_space<vmem_shared>>)
        tpu.yield
      }) : () -> ()
      %dma_wait3A_65 = arith.constant 15 : i32
      %dma_wait3A_66 = arith.constant 0 : i32
      %dma_wait3A_67 = tpu.memref_slice %arg9[%dma_wait3A_65, %dma_wait3A_66] : memref<16x128xi32, #tpu.memory_space<vmem>> -> memref<1x128xi32, #tpu.memory_space<vmem>>
      %dma_wait3A_68 = tpu.memref_squeeze %dma_wait3A_67 : memref<1x128xi32, #tpu.memory_space<vmem>> -> memref<128xi32, #tpu.memory_space<vmem>>
      %dma_wait3A_69 = arith.constant 0 : i32
      %dma_wait3A_70 = arith.constant 0 : i32
      %dma_wait3A_71 = tpu.memref_slice %arg2[%dma_wait3A_69, %dma_wait3A_70] : memref<20000x128xf32, #tpu.memory_space<hbm>> -> memref<20000x128xf32, #tpu.memory_space<hbm>>
      tpu.wait_indirect_dma semaphore(%arg15 : memref<!tpu.dma_semaphore, #tpu.memory_space<semaphore_mem>>) src(%dma_wait3A_71 : memref<20000x128xf32, #tpu.memory_space<hbm>>) dst(%arg12 : memref<128x128xf32, #tpu.memory_space<vmem>>)
      %run_scoped3A_72 = arith.constant 15 : i32
      "tpu.region"() ({
        %run_scoped3A_73 = tpu.sem_alloc : memref<!tpu.dma_semaphore, #tpu.memory_space<semaphore_mem>>
        %dma_start3A_74 = arith.constant 0 : i32
        %dma_start3A_75 = tpu.memref_slice %arg10[%run_scoped3A_72, %dma_start3A_74] : memref<16x128xi32, #tpu.memory_space<vmem>> -> memref<1x128xi32, #tpu.memory_space<vmem>>
        %dma_start3A_76 = tpu.memref_squeeze %dma_start3A_75 : memref<1x128xi32, #tpu.memory_space<vmem>> -> memref<128xi32, #tpu.memory_space<vmem>>
        %dma_start3A_77 = arith.constant 0 : i32
        %dma_start3A_78 = arith.constant 0 : i32
        %dma_start3A_79 = tpu.memref_slice %arg13[%dma_start3A_77, %dma_start3A_78] : memref<10240x128xf32, #tpu.memory_space<vmem_shared>> -> memref<10240x128xf32, #tpu.memory_space<vmem_shared>>
        tpu.enqueue_indirect_dma source(%arg12 : memref<128x128xf32, #tpu.memory_space<vmem>>) target(%dma_start3A_79 : memref<10240x128xf32, #tpu.memory_space<vmem_shared>>) offsets(%dma_start3A_76 : memref<128xi32, #tpu.memory_space<vmem>>) semaphore(%run_scoped3A_73 : memref<!tpu.dma_semaphore, #tpu.memory_space<semaphore_mem>>) {add = true}
        %dma_wait3A_80 = arith.constant 0 : i32
        %dma_wait3A_81 = tpu.memref_slice %arg10[%run_scoped3A_72, %dma_wait3A_80] : memref<16x128xi32, #tpu.memory_space<vmem>> -> memref<1x128xi32, #tpu.memory_space<vmem>>
        %dma_wait3A_82 = tpu.memref_squeeze %dma_wait3A_81 : memref<1x128xi32, #tpu.memory_space<vmem>> -> memref<128xi32, #tpu.memory_space<vmem>>
        %dma_wait3A_83 = arith.constant 0 : i32
        %dma_wait3A_84 = arith.constant 0 : i32
        %dma_wait3A_85 = tpu.memref_slice %arg13[%dma_wait3A_83, %dma_wait3A_84] : memref<10240x128xf32, #tpu.memory_space<vmem_shared>> -> memref<10240x128xf32, #tpu.memory_space<vmem_shared>>
        tpu.wait_indirect_dma semaphore(%run_scoped3A_73 : memref<!tpu.dma_semaphore, #tpu.memory_space<semaphore_mem>>) src(%arg12 : memref<128x128xf32, #tpu.memory_space<vmem>>) dst(%dma_wait3A_85 : memref<10240x128xf32, #tpu.memory_space<vmem_shared>>)
        tpu.yield
      }) : () -> ()
    }
    %scan3A_5 = arith.constant 10 : i32
    %barrier3A_6 = arith.constant 0 : index
    tpu.barrier barrier_id(%barrier3A_6)
    %add3A = arith.constant 0 : i32
    %add3A_7 = arith.addi %mul3A_0, %add3A : i32
    "tpu.region"() ({
      %run_scoped3A = tpu.sem_alloc : memref<!tpu.dma_semaphore, #tpu.memory_space<semaphore_mem>>
      %dma_start3A = arith.constant 0 : i32
      %dma_start3A_35 = tpu.memref_slice %arg13[%add3A_7, %dma_start3A] : memref<10240x128xf32, #tpu.memory_space<vmem_shared>> -> memref<128x128xf32, #tpu.memory_space<vmem_shared>>
      %dma_start3A_36 = arith.constant 0 : i32
      %dma_start3A_37 = tpu.memref_slice %arg13[%add3A_7, %dma_start3A_36] : memref<10240x128xf32, #tpu.memory_space<vmem_shared>> -> memref<128x128xf32, #tpu.memory_space<vmem_shared>>
      tpu.enqueue_dma source(%dma_start3A_37 : memref<128x128xf32, #tpu.memory_space<vmem_shared>>) target(%arg11 : memref<128x128xf32, #tpu.memory_space<vmem>>) target_semaphore(%run_scoped3A : memref<!tpu.dma_semaphore, #tpu.memory_space<semaphore_mem>>)
      %dma_wait3A = arith.constant 0 : i32
      %dma_wait3A_38 = tpu.memref_slice %arg13[%add3A_7, %dma_wait3A] : memref<10240x128xf32, #tpu.memory_space<vmem_shared>> -> memref<128x128xf32, #tpu.memory_space<vmem_shared>>
      %dma_wait3A_39 = arith.constant 0 : i32
      %dma_wait3A_40 = tpu.memref_slice %arg13[%add3A_7, %dma_wait3A_39] : memref<10240x128xf32, #tpu.memory_space<vmem_shared>> -> memref<128x128xf32, #tpu.memory_space<vmem_shared>>
      tpu.wait_dma2 semaphore(%run_scoped3A : memref<!tpu.dma_semaphore, #tpu.memory_space<semaphore_mem>>) src(%dma_wait3A_40 : memref<128x128xf32, #tpu.memory_space<vmem_shared>>) dst(%arg11 : memref<128x128xf32, #tpu.memory_space<vmem>>)
      tpu.yield
    }) : () -> ()
    "tpu.region"() ({
      %run_scoped3A = tpu.sem_alloc : memref<!tpu.dma_semaphore, #tpu.memory_space<semaphore_mem>>
      %dma_start3A = arith.constant 0 : i32
      %dma_start3A_35 = tpu.memref_slice %arg7[%arg0, %add3A_7, %dma_start3A] : memref<2x10240x128xf32, #tpu.memory_space<hbm>> -> memref<1x128x128xf32, #tpu.memory_space<hbm>>
      %dma_start3A_36 = tpu.memref_squeeze %dma_start3A_35 : memref<1x128x128xf32, #tpu.memory_space<hbm>> -> memref<128x128xf32, #tpu.memory_space<hbm>>
      %dma_start3A_37 = arith.constant 0 : i32
      %dma_start3A_38 = tpu.memref_slice %arg7[%arg0, %add3A_7, %dma_start3A_37] : memref<2x10240x128xf32, #tpu.memory_space<hbm>> -> memref<1x128x128xf32, #tpu.memory_space<hbm>>
      %dma_start3A_39 = tpu.memref_squeeze %dma_start3A_38 : memref<1x128x128xf32, #tpu.memory_space<hbm>> -> memref<128x128xf32, #tpu.memory_space<hbm>>
      tpu.enqueue_dma source(%arg11 : memref<128x128xf32, #tpu.memory_space<vmem>>) target(%dma_start3A_39 : memref<128x128xf32, #tpu.memory_space<hbm>>) target_semaphore(%run_scoped3A : memref<!tpu.dma_semaphore, #tpu.memory_space<semaphore_mem>>)
      %dma_wait3A = arith.constant 0 : i32
      %dma_wait3A_40 = tpu.memref_slice %arg7[%arg0, %add3A_7, %dma_wait3A] : memref<2x10240x128xf32, #tpu.memory_space<hbm>> -> memref<1x128x128xf32, #tpu.memory_space<hbm>>
      %dma_wait3A_41 = tpu.memref_squeeze %dma_wait3A_40 : memref<1x128x128xf32, #tpu.memory_space<hbm>> -> memref<128x128xf32, #tpu.memory_space<hbm>>
      %dma_wait3A_42 = arith.constant 0 : i32
      %dma_wait3A_43 = tpu.memref_slice %arg7[%arg0, %add3A_7, %dma_wait3A_42] : memref<2x10240x128xf32, #tpu.memory_space<hbm>> -> memref<1x128x128xf32, #tpu.memory_space<hbm>>
      %dma_wait3A_44 = tpu.memref_squeeze %dma_wait3A_43 : memref<1x128x128xf32, #tpu.memory_space<hbm>> -> memref<128x128xf32, #tpu.memory_space<hbm>>
      tpu.wait_dma2 semaphore(%run_scoped3A : memref<!tpu.dma_semaphore, #tpu.memory_space<semaphore_mem>>) src(%arg11 : memref<128x128xf32, #tpu.memory_space<vmem>>) dst(%dma_wait3A_44 : memref<128x128xf32, #tpu.memory_space<hbm>>)
      tpu.yield
    }) : () -> ()
    %add3A_8 = arith.constant 128 : i32
    %add3A_9 = arith.addi %mul3A_0, %add3A_8 : i32
    "tpu.region"() ({
      %run_scoped3A = tpu.sem_alloc : memref<!tpu.dma_semaphore, #tpu.memory_space<semaphore_mem>>
      %dma_start3A = arith.constant 0 : i32
      %dma_start3A_35 = tpu.memref_slice %arg13[%add3A_9, %dma_start3A] : memref<10240x128xf32, #tpu.memory_space<vmem_shared>> -> memref<128x128xf32, #tpu.memory_space<vmem_shared>>
      %dma_start3A_36 = arith.constant 0 : i32
      %dma_start3A_37 = tpu.memref_slice %arg13[%add3A_9, %dma_start3A_36] : memref<10240x128xf32, #tpu.memory_space<vmem_shared>> -> memref<128x128xf32, #tpu.memory_space<vmem_shared>>
      tpu.enqueue_dma source(%dma_start3A_37 : memref<128x128xf32, #tpu.memory_space<vmem_shared>>) target(%arg11 : memref<128x128xf32, #tpu.memory_space<vmem>>) target_semaphore(%run_scoped3A : memref<!tpu.dma_semaphore, #tpu.memory_space<semaphore_mem>>)
      %dma_wait3A = arith.constant 0 : i32
      %dma_wait3A_38 = tpu.memref_slice %arg13[%add3A_9, %dma_wait3A] : memref<10240x128xf32, #tpu.memory_space<vmem_shared>> -> memref<128x128xf32, #tpu.memory_space<vmem_shared>>
      %dma_wait3A_39 = arith.constant 0 : i32
      %dma_wait3A_40 = tpu.memref_slice %arg13[%add3A_9, %dma_wait3A_39] : memref<10240x128xf32, #tpu.memory_space<vmem_shared>> -> memref<128x128xf32, #tpu.memory_space<vmem_shared>>
      tpu.wait_dma2 semaphore(%run_scoped3A : memref<!tpu.dma_semaphore, #tpu.memory_space<semaphore_mem>>) src(%dma_wait3A_40 : memref<128x128xf32, #tpu.memory_space<vmem_shared>>) dst(%arg11 : memref<128x128xf32, #tpu.memory_space<vmem>>)
      tpu.yield
    }) : () -> ()
    "tpu.region"() ({
      %run_scoped3A = tpu.sem_alloc : memref<!tpu.dma_semaphore, #tpu.memory_space<semaphore_mem>>
      %dma_start3A = arith.constant 0 : i32
      %dma_start3A_35 = tpu.memref_slice %arg7[%arg0, %add3A_9, %dma_start3A] : memref<2x10240x128xf32, #tpu.memory_space<hbm>> -> memref<1x128x128xf32, #tpu.memory_space<hbm>>
      %dma_start3A_36 = tpu.memref_squeeze %dma_start3A_35 : memref<1x128x128xf32, #tpu.memory_space<hbm>> -> memref<128x128xf32, #tpu.memory_space<hbm>>
      %dma_start3A_37 = arith.constant 0 : i32
      %dma_start3A_38 = tpu.memref_slice %arg7[%arg0, %add3A_9, %dma_start3A_37] : memref<2x10240x128xf32, #tpu.memory_space<hbm>> -> memref<1x128x128xf32, #tpu.memory_space<hbm>>
      %dma_start3A_39 = tpu.memref_squeeze %dma_start3A_38 : memref<1x128x128xf32, #tpu.memory_space<hbm>> -> memref<128x128xf32, #tpu.memory_space<hbm>>
      tpu.enqueue_dma source(%arg11 : memref<128x128xf32, #tpu.memory_space<vmem>>) target(%dma_start3A_39 : memref<128x128xf32, #tpu.memory_space<hbm>>) target_semaphore(%run_scoped3A : memref<!tpu.dma_semaphore, #tpu.memory_space<semaphore_mem>>)
      %dma_wait3A = arith.constant 0 : i32
      %dma_wait3A_40 = tpu.memref_slice %arg7[%arg0, %add3A_9, %dma_wait3A] : memref<2x10240x128xf32, #tpu.memory_space<hbm>> -> memref<1x128x128xf32, #tpu.memory_space<hbm>>
      %dma_wait3A_41 = tpu.memref_squeeze %dma_wait3A_40 : memref<1x128x128xf32, #tpu.memory_space<hbm>> -> memref<128x128xf32, #tpu.memory_space<hbm>>
      %dma_wait3A_42 = arith.constant 0 : i32
      %dma_wait3A_43 = tpu.memref_slice %arg7[%arg0, %add3A_9, %dma_wait3A_42] : memref<2x10240x128xf32, #tpu.memory_space<hbm>> -> memref<1x128x128xf32, #tpu.memory_space<hbm>>
      %dma_wait3A_44 = tpu.memref_squeeze %dma_wait3A_43 : memref<1x128x128xf32, #tpu.memory_space<hbm>> -> memref<128x128xf32, #tpu.memory_space<hbm>>
      tpu.wait_dma2 semaphore(%run_scoped3A : memref<!tpu.dma_semaphore, #tpu.memory_space<semaphore_mem>>) src(%arg11 : memref<128x128xf32, #tpu.memory_space<vmem>>) dst(%dma_wait3A_44 : memref<128x128xf32, #tpu.memory_space<hbm>>)
      tpu.yield
    }) : () -> ()
    %add3A_10 = arith.constant 256 : i32
    %add3A_11 = arith.addi %mul3A_0, %add3A_10 : i32
    "tpu.region"() ({
      %run_scoped3A = tpu.sem_alloc : memref<!tpu.dma_semaphore, #tpu.memory_space<semaphore_mem>>
      %dma_start3A = arith.constant 0 : i32
      %dma_start3A_35 = tpu.memref_slice %arg13[%add3A_11, %dma_start3A] : memref<10240x128xf32, #tpu.memory_space<vmem_shared>> -> memref<128x128xf32, #tpu.memory_space<vmem_shared>>
      %dma_start3A_36 = arith.constant 0 : i32
      %dma_start3A_37 = tpu.memref_slice %arg13[%add3A_11, %dma_start3A_36] : memref<10240x128xf32, #tpu.memory_space<vmem_shared>> -> memref<128x128xf32, #tpu.memory_space<vmem_shared>>
      tpu.enqueue_dma source(%dma_start3A_37 : memref<128x128xf32, #tpu.memory_space<vmem_shared>>) target(%arg11 : memref<128x128xf32, #tpu.memory_space<vmem>>) target_semaphore(%run_scoped3A : memref<!tpu.dma_semaphore, #tpu.memory_space<semaphore_mem>>)
      %dma_wait3A = arith.constant 0 : i32
      %dma_wait3A_38 = tpu.memref_slice %arg13[%add3A_11, %dma_wait3A] : memref<10240x128xf32, #tpu.memory_space<vmem_shared>> -> memref<128x128xf32, #tpu.memory_space<vmem_shared>>
      %dma_wait3A_39 = arith.constant 0 : i32
      %dma_wait3A_40 = tpu.memref_slice %arg13[%add3A_11, %dma_wait3A_39] : memref<10240x128xf32, #tpu.memory_space<vmem_shared>> -> memref<128x128xf32, #tpu.memory_space<vmem_shared>>
      tpu.wait_dma2 semaphore(%run_scoped3A : memref<!tpu.dma_semaphore, #tpu.memory_space<semaphore_mem>>) src(%dma_wait3A_40 : memref<128x128xf32, #tpu.memory_space<vmem_shared>>) dst(%arg11 : memref<128x128xf32, #tpu.memory_space<vmem>>)
      tpu.yield
    }) : () -> ()
    "tpu.region"() ({
      %run_scoped3A = tpu.sem_alloc : memref<!tpu.dma_semaphore, #tpu.memory_space<semaphore_mem>>
      %dma_start3A = arith.constant 0 : i32
      %dma_start3A_35 = tpu.memref_slice %arg7[%arg0, %add3A_11, %dma_start3A] : memref<2x10240x128xf32, #tpu.memory_space<hbm>> -> memref<1x128x128xf32, #tpu.memory_space<hbm>>
      %dma_start3A_36 = tpu.memref_squeeze %dma_start3A_35 : memref<1x128x128xf32, #tpu.memory_space<hbm>> -> memref<128x128xf32, #tpu.memory_space<hbm>>
      %dma_start3A_37 = arith.constant 0 : i32
      %dma_start3A_38 = tpu.memref_slice %arg7[%arg0, %add3A_11, %dma_start3A_37] : memref<2x10240x128xf32, #tpu.memory_space<hbm>> -> memref<1x128x128xf32, #tpu.memory_space<hbm>>
      %dma_start3A_39 = tpu.memref_squeeze %dma_start3A_38 : memref<1x128x128xf32, #tpu.memory_space<hbm>> -> memref<128x128xf32, #tpu.memory_space<hbm>>
      tpu.enqueue_dma source(%arg11 : memref<128x128xf32, #tpu.memory_space<vmem>>) target(%dma_start3A_39 : memref<128x128xf32, #tpu.memory_space<hbm>>) target_semaphore(%run_scoped3A : memref<!tpu.dma_semaphore, #tpu.memory_space<semaphore_mem>>)
      %dma_wait3A = arith.constant 0 : i32
      %dma_wait3A_40 = tpu.memref_slice %arg7[%arg0, %add3A_11, %dma_wait3A] : memref<2x10240x128xf32, #tpu.memory_space<hbm>> -> memref<1x128x128xf32, #tpu.memory_space<hbm>>
      %dma_wait3A_41 = tpu.memref_squeeze %dma_wait3A_40 : memref<1x128x128xf32, #tpu.memory_space<hbm>> -> memref<128x128xf32, #tpu.memory_space<hbm>>
      %dma_wait3A_42 = arith.constant 0 : i32
      %dma_wait3A_43 = tpu.memref_slice %arg7[%arg0, %add3A_11, %dma_wait3A_42] : memref<2x10240x128xf32, #tpu.memory_space<hbm>> -> memref<1x128x128xf32, #tpu.memory_space<hbm>>
      %dma_wait3A_44 = tpu.memref_squeeze %dma_wait3A_43 : memref<1x128x128xf32, #tpu.memory_space<hbm>> -> memref<128x128xf32, #tpu.memory_space<hbm>>
      tpu.wait_dma2 semaphore(%run_scoped3A : memref<!tpu.dma_semaphore, #tpu.memory_space<semaphore_mem>>) src(%arg11 : memref<128x128xf32, #tpu.memory_space<vmem>>) dst(%dma_wait3A_44 : memref<128x128xf32, #tpu.memory_space<hbm>>)
      tpu.yield
    }) : () -> ()
    %add3A_12 = arith.constant 384 : i32
    %add3A_13 = arith.addi %mul3A_0, %add3A_12 : i32
    "tpu.region"() ({
      %run_scoped3A = tpu.sem_alloc : memref<!tpu.dma_semaphore, #tpu.memory_space<semaphore_mem>>
      %dma_start3A = arith.constant 0 : i32
      %dma_start3A_35 = tpu.memref_slice %arg13[%add3A_13, %dma_start3A] : memref<10240x128xf32, #tpu.memory_space<vmem_shared>> -> memref<128x128xf32, #tpu.memory_space<vmem_shared>>
      %dma_start3A_36 = arith.constant 0 : i32
      %dma_start3A_37 = tpu.memref_slice %arg13[%add3A_13, %dma_start3A_36] : memref<10240x128xf32, #tpu.memory_space<vmem_shared>> -> memref<128x128xf32, #tpu.memory_space<vmem_shared>>
      tpu.enqueue_dma source(%dma_start3A_37 : memref<128x128xf32, #tpu.memory_space<vmem_shared>>) target(%arg11 : memref<128x128xf32, #tpu.memory_space<vmem>>) target_semaphore(%run_scoped3A : memref<!tpu.dma_semaphore, #tpu.memory_space<semaphore_mem>>)
      %dma_wait3A = arith.constant 0 : i32
      %dma_wait3A_38 = tpu.memref_slice %arg13[%add3A_13, %dma_wait3A] : memref<10240x128xf32, #tpu.memory_space<vmem_shared>> -> memref<128x128xf32, #tpu.memory_space<vmem_shared>>
      %dma_wait3A_39 = arith.constant 0 : i32
      %dma_wait3A_40 = tpu.memref_slice %arg13[%add3A_13, %dma_wait3A_39] : memref<10240x128xf32, #tpu.memory_space<vmem_shared>> -> memref<128x128xf32, #tpu.memory_space<vmem_shared>>
      tpu.wait_dma2 semaphore(%run_scoped3A : memref<!tpu.dma_semaphore, #tpu.memory_space<semaphore_mem>>) src(%dma_wait3A_40 : memref<128x128xf32, #tpu.memory_space<vmem_shared>>) dst(%arg11 : memref<128x128xf32, #tpu.memory_space<vmem>>)
      tpu.yield
    }) : () -> ()
    "tpu.region"() ({
      %run_scoped3A = tpu.sem_alloc : memref<!tpu.dma_semaphore, #tpu.memory_space<semaphore_mem>>
      %dma_start3A = arith.constant 0 : i32
      %dma_start3A_35 = tpu.memref_slice %arg7[%arg0, %add3A_13, %dma_start3A] : memref<2x10240x128xf32, #tpu.memory_space<hbm>> -> memref<1x128x128xf32, #tpu.memory_space<hbm>>
      %dma_start3A_36 = tpu.memref_squeeze %dma_start3A_35 : memref<1x128x128xf32, #tpu.memory_space<hbm>> -> memref<128x128xf32, #tpu.memory_space<hbm>>
      %dma_start3A_37 = arith.constant 0 : i32
      %dma_start3A_38 = tpu.memref_slice %arg7[%arg0, %add3A_13, %dma_start3A_37] : memref<2x10240x128xf32, #tpu.memory_space<hbm>> -> memref<1x128x128xf32, #tpu.memory_space<hbm>>
      %dma_start3A_39 = tpu.memref_squeeze %dma_start3A_38 : memref<1x128x128xf32, #tpu.memory_space<hbm>> -> memref<128x128xf32, #tpu.memory_space<hbm>>
      tpu.enqueue_dma source(%arg11 : memref<128x128xf32, #tpu.memory_space<vmem>>) target(%dma_start3A_39 : memref<128x128xf32, #tpu.memory_space<hbm>>) target_semaphore(%run_scoped3A : memref<!tpu.dma_semaphore, #tpu.memory_space<semaphore_mem>>)
      %dma_wait3A = arith.constant 0 : i32
      %dma_wait3A_40 = tpu.memref_slice %arg7[%arg0, %add3A_13, %dma_wait3A] : memref<2x10240x128xf32, #tpu.memory_space<hbm>> -> memref<1x128x128xf32, #tpu.memory_space<hbm>>
      %dma_wait3A_41 = tpu.memref_squeeze %dma_wait3A_40 : memref<1x128x128xf32, #tpu.memory_space<hbm>> -> memref<128x128xf32, #tpu.memory_space<hbm>>
      %dma_wait3A_42 = arith.constant 0 : i32
      %dma_wait3A_43 = tpu.memref_slice %arg7[%arg0, %add3A_13, %dma_wait3A_42] : memref<2x10240x128xf32, #tpu.memory_space<hbm>> -> memref<1x128x128xf32, #tpu.memory_space<hbm>>
      %dma_wait3A_44 = tpu.memref_squeeze %dma_wait3A_43 : memref<1x128x128xf32, #tpu.memory_space<hbm>> -> memref<128x128xf32, #tpu.memory_space<hbm>>
      tpu.wait_dma2 semaphore(%run_scoped3A : memref<!tpu.dma_semaphore, #tpu.memory_space<semaphore_mem>>) src(%arg11 : memref<128x128xf32, #tpu.memory_space<vmem>>) dst(%dma_wait3A_44 : memref<128x128xf32, #tpu.memory_space<hbm>>)
      tpu.yield
    }) : () -> ()
    %add3A_14 = arith.constant 512 : i32
    %add3A_15 = arith.addi %mul3A_0, %add3A_14 : i32
    "tpu.region"() ({
      %run_scoped3A = tpu.sem_alloc : memref<!tpu.dma_semaphore, #tpu.memory_space<semaphore_mem>>
      %dma_start3A = arith.constant 0 : i32
      %dma_start3A_35 = tpu.memref_slice %arg13[%add3A_15, %dma_start3A] : memref<10240x128xf32, #tpu.memory_space<vmem_shared>> -> memref<128x128xf32, #tpu.memory_space<vmem_shared>>
      %dma_start3A_36 = arith.constant 0 : i32
      %dma_start3A_37 = tpu.memref_slice %arg13[%add3A_15, %dma_start3A_36] : memref<10240x128xf32, #tpu.memory_space<vmem_shared>> -> memref<128x128xf32, #tpu.memory_space<vmem_shared>>
      tpu.enqueue_dma source(%dma_start3A_37 : memref<128x128xf32, #tpu.memory_space<vmem_shared>>) target(%arg11 : memref<128x128xf32, #tpu.memory_space<vmem>>) target_semaphore(%run_scoped3A : memref<!tpu.dma_semaphore, #tpu.memory_space<semaphore_mem>>)
      %dma_wait3A = arith.constant 0 : i32
      %dma_wait3A_38 = tpu.memref_slice %arg13[%add3A_15, %dma_wait3A] : memref<10240x128xf32, #tpu.memory_space<vmem_shared>> -> memref<128x128xf32, #tpu.memory_space<vmem_shared>>
      %dma_wait3A_39 = arith.constant 0 : i32
      %dma_wait3A_40 = tpu.memref_slice %arg13[%add3A_15, %dma_wait3A_39] : memref<10240x128xf32, #tpu.memory_space<vmem_shared>> -> memref<128x128xf32, #tpu.memory_space<vmem_shared>>
      tpu.wait_dma2 semaphore(%run_scoped3A : memref<!tpu.dma_semaphore, #tpu.memory_space<semaphore_mem>>) src(%dma_wait3A_40 : memref<128x128xf32, #tpu.memory_space<vmem_shared>>) dst(%arg11 : memref<128x128xf32, #tpu.memory_space<vmem>>)
      tpu.yield
    }) : () -> ()
    "tpu.region"() ({
      %run_scoped3A = tpu.sem_alloc : memref<!tpu.dma_semaphore, #tpu.memory_space<semaphore_mem>>
      %dma_start3A = arith.constant 0 : i32
      %dma_start3A_35 = tpu.memref_slice %arg7[%arg0, %add3A_15, %dma_start3A] : memref<2x10240x128xf32, #tpu.memory_space<hbm>> -> memref<1x128x128xf32, #tpu.memory_space<hbm>>
      %dma_start3A_36 = tpu.memref_squeeze %dma_start3A_35 : memref<1x128x128xf32, #tpu.memory_space<hbm>> -> memref<128x128xf32, #tpu.memory_space<hbm>>
      %dma_start3A_37 = arith.constant 0 : i32
      %dma_start3A_38 = tpu.memref_slice %arg7[%arg0, %add3A_15, %dma_start3A_37] : memref<2x10240x128xf32, #tpu.memory_space<hbm>> -> memref<1x128x128xf32, #tpu.memory_space<hbm>>
      %dma_start3A_39 = tpu.memref_squeeze %dma_start3A_38 : memref<1x128x128xf32, #tpu.memory_space<hbm>> -> memref<128x128xf32, #tpu.memory_space<hbm>>
      tpu.enqueue_dma source(%arg11 : memref<128x128xf32, #tpu.memory_space<vmem>>) target(%dma_start3A_39 : memref<128x128xf32, #tpu.memory_space<hbm>>) target_semaphore(%run_scoped3A : memref<!tpu.dma_semaphore, #tpu.memory_space<semaphore_mem>>)
      %dma_wait3A = arith.constant 0 : i32
      %dma_wait3A_40 = tpu.memref_slice %arg7[%arg0, %add3A_15, %dma_wait3A] : memref<2x10240x128xf32, #tpu.memory_space<hbm>> -> memref<1x128x128xf32, #tpu.memory_space<hbm>>
      %dma_wait3A_41 = tpu.memref_squeeze %dma_wait3A_40 : memref<1x128x128xf32, #tpu.memory_space<hbm>> -> memref<128x128xf32, #tpu.memory_space<hbm>>
      %dma_wait3A_42 = arith.constant 0 : i32
      %dma_wait3A_43 = tpu.memref_slice %arg7[%arg0, %add3A_15, %dma_wait3A_42] : memref<2x10240x128xf32, #tpu.memory_space<hbm>> -> memref<1x128x128xf32, #tpu.memory_space<hbm>>
      %dma_wait3A_44 = tpu.memref_squeeze %dma_wait3A_43 : memref<1x128x128xf32, #tpu.memory_space<hbm>> -> memref<128x128xf32, #tpu.memory_space<hbm>>
      tpu.wait_dma2 semaphore(%run_scoped3A : memref<!tpu.dma_semaphore, #tpu.memory_space<semaphore_mem>>) src(%arg11 : memref<128x128xf32, #tpu.memory_space<vmem>>) dst(%dma_wait3A_44 : memref<128x128xf32, #tpu.memory_space<hbm>>)
      tpu.yield
    }) : () -> ()
    %barrier3A_16 = arith.constant 0 : index
    tpu.barrier barrier_id(%barrier3A_16)
    "tpu.region"() ({
      %run_scoped3A = tpu.sem_alloc : memref<!tpu.dma_semaphore, #tpu.memory_space<semaphore_mem>>
      %dma_start3A = arith.constant 0 : i32
      %dma_start3A_35 = tpu.memref_slice %arg13[%mul3A_0, %dma_start3A] : memref<10240x128xf32, #tpu.memory_space<vmem_shared>> -> memref<640x128xf32, #tpu.memory_space<vmem_shared>>
      tpu.enqueue_dma source(%arg5 : memref<640x128xf32, #tpu.memory_space<hbm>>) target(%dma_start3A_35 : memref<640x128xf32, #tpu.memory_space<vmem_shared>>) target_semaphore(%run_scoped3A : memref<!tpu.dma_semaphore, #tpu.memory_space<semaphore_mem>>)
      %dma_wait3A = arith.constant 0 : i32
      %dma_wait3A_36 = tpu.memref_slice %arg13[%mul3A_0, %dma_wait3A] : memref<10240x128xf32, #tpu.memory_space<vmem_shared>> -> memref<640x128xf32, #tpu.memory_space<vmem_shared>>
      tpu.wait_dma2 semaphore(%run_scoped3A : memref<!tpu.dma_semaphore, #tpu.memory_space<semaphore_mem>>) src(%arg5 : memref<640x128xf32, #tpu.memory_space<hbm>>) dst(%dma_wait3A_36 : memref<640x128xf32, #tpu.memory_space<vmem_shared>>)
      tpu.yield
    }) : () -> ()
    "tpu.region"() ({
      %run_scoped3A = tpu.sem_alloc : memref<!tpu.dma_semaphore, #tpu.memory_space<semaphore_mem>>
      tpu.enqueue_dma source(%arg6 : memref<128x128xf32, #tpu.memory_space<hbm>>) target(%arg11 : memref<128x128xf32, #tpu.memory_space<vmem>>) target_semaphore(%run_scoped3A : memref<!tpu.dma_semaphore, #tpu.memory_space<semaphore_mem>>)
      tpu.wait_dma2 semaphore(%run_scoped3A : memref<!tpu.dma_semaphore, #tpu.memory_space<semaphore_mem>>) src(%arg6 : memref<128x128xf32, #tpu.memory_space<hbm>>) dst(%arg11 : memref<128x128xf32, #tpu.memory_space<vmem>>)
      tpu.yield
    }) : () -> ()
    %barrier3A_17 = arith.constant 0 : index
    tpu.barrier barrier_id(%barrier3A_17)
    %scan3A_18 = arith.constant 0 : i32
    %scan3A_19 = arith.constant 0 : i32
    %scan3A_20 = arith.constant 10 : i32
    %scan3A_21 = arith.addi %scan3A_19, %scan3A_20 : i32
    %scan3A_22 = arith.constant 1 : i32
    scf.for %scan3A_35 = %scan3A_19 to %scan3A_21 step %scan3A_22  : i32 {
      %mul3A_36 = arith.constant 16 : i32
      %mul3A_37 = arith.muli %scan3A_35, %mul3A_36 : i32
      "tpu.region"() ({
        %run_scoped3A = tpu.sem_alloc : memref<!tpu.dma_semaphore, #tpu.memory_space<semaphore_mem>>
        %dma_start3A = arith.constant 0 : i32
        %dma_start3A_44 = tpu.memref_slice %arg4[%arg0, %arg1, %mul3A_37, %dma_start3A] : memref<2x16x160x128xi32, #tpu.memory_space<hbm>> -> memref<1x1x16x128xi32, #tpu.memory_space<hbm>>
        %dma_start3A_45 = tpu.memref_squeeze %dma_start3A_44 : memref<1x1x16x128xi32, #tpu.memory_space<hbm>> -> memref<16x128xi32, #tpu.memory_space<hbm>>
        %dma_start3A_46 = arith.constant 0 : i32
        %dma_start3A_47 = tpu.memref_slice %arg4[%arg0, %arg1, %mul3A_37, %dma_start3A_46] : memref<2x16x160x128xi32, #tpu.memory_space<hbm>> -> memref<1x1x16x128xi32, #tpu.memory_space<hbm>>
        %dma_start3A_48 = tpu.memref_squeeze %dma_start3A_47 : memref<1x1x16x128xi32, #tpu.memory_space<hbm>> -> memref<16x128xi32, #tpu.memory_space<hbm>>
        tpu.enqueue_dma source(%dma_start3A_48 : memref<16x128xi32, #tpu.memory_space<hbm>>) target(%arg10 : memref<16x128xi32, #tpu.memory_space<vmem>>) target_semaphore(%run_scoped3A : memref<!tpu.dma_semaphore, #tpu.memory_space<semaphore_mem>>)
        %dma_wait3A = arith.constant 0 : i32
        %dma_wait3A_49 = tpu.memref_slice %arg4[%arg0, %arg1, %mul3A_37, %dma_wait3A] : memref<2x16x160x128xi32, #tpu.memory_space<hbm>> -> memref<1x1x16x128xi32, #tpu.memory_space<hbm>>
        %dma_wait3A_50 = tpu.memref_squeeze %dma_wait3A_49 : memref<1x1x16x128xi32, #tpu.memory_space<hbm>> -> memref<16x128xi32, #tpu.memory_space<hbm>>
        %dma_wait3A_51 = arith.constant 0 : i32
        %dma_wait3A_52 = tpu.memref_slice %arg4[%arg0, %arg1, %mul3A_37, %dma_wait3A_51] : memref<2x16x160x128xi32, #tpu.memory_space<hbm>> -> memref<1x1x16x128xi32, #tpu.memory_space<hbm>>
        %dma_wait3A_53 = tpu.memref_squeeze %dma_wait3A_52 : memref<1x1x16x128xi32, #tpu.memory_space<hbm>> -> memref<16x128xi32, #tpu.memory_space<hbm>>
        tpu.wait_dma2 semaphore(%run_scoped3A : memref<!tpu.dma_semaphore, #tpu.memory_space<semaphore_mem>>) src(%dma_wait3A_53 : memref<16x128xi32, #tpu.memory_space<hbm>>) dst(%arg10 : memref<16x128xi32, #tpu.memory_space<vmem>>)
        tpu.yield
      }) : () -> ()
      %scan3A_38 = arith.constant 0 : i32
      %scan3A_39 = arith.constant 0 : i32
      %scan3A_40 = arith.constant 16 : i32
      %scan3A_41 = arith.addi %scan3A_39, %scan3A_40 : i32
      %scan3A_42 = arith.constant 1 : i32
      scf.for %scan3A_44 = %scan3A_39 to %scan3A_41 step %scan3A_42  : i32 {
        "tpu.region"() ({
          %run_scoped3A = tpu.sem_alloc : memref<!tpu.dma_semaphore, #tpu.memory_space<semaphore_mem>>
          %dma_start3A = arith.constant 0 : i32
          %dma_start3A_45 = tpu.memref_slice %arg10[%scan3A_44, %dma_start3A] : memref<16x128xi32, #tpu.memory_space<vmem>> -> memref<1x128xi32, #tpu.memory_space<vmem>>
          %dma_start3A_46 = tpu.memref_squeeze %dma_start3A_45 : memref<1x128xi32, #tpu.memory_space<vmem>> -> memref<128xi32, #tpu.memory_space<vmem>>
          %dma_start3A_47 = arith.constant 0 : i32
          %dma_start3A_48 = arith.constant 0 : i32
          %dma_start3A_49 = tpu.memref_slice %arg13[%dma_start3A_47, %dma_start3A_48] : memref<10240x128xf32, #tpu.memory_space<vmem_shared>> -> memref<10240x128xf32, #tpu.memory_space<vmem_shared>>
          tpu.enqueue_indirect_dma source(%arg11 : memref<128x128xf32, #tpu.memory_space<vmem>>) target(%dma_start3A_49 : memref<10240x128xf32, #tpu.memory_space<vmem_shared>>) offsets(%dma_start3A_46 : memref<128xi32, #tpu.memory_space<vmem>>) semaphore(%run_scoped3A : memref<!tpu.dma_semaphore, #tpu.memory_space<semaphore_mem>>) {add = true}
          %dma_wait3A = arith.constant 0 : i32
          %dma_wait3A_50 = tpu.memref_slice %arg10[%scan3A_44, %dma_wait3A] : memref<16x128xi32, #tpu.memory_space<vmem>> -> memref<1x128xi32, #tpu.memory_space<vmem>>
          %dma_wait3A_51 = tpu.memref_squeeze %dma_wait3A_50 : memref<1x128xi32, #tpu.memory_space<vmem>> -> memref<128xi32, #tpu.memory_space<vmem>>
          %dma_wait3A_52 = arith.constant 0 : i32
          %dma_wait3A_53 = arith.constant 0 : i32
          %dma_wait3A_54 = tpu.memref_slice %arg13[%dma_wait3A_52, %dma_wait3A_53] : memref<10240x128xf32, #tpu.memory_space<vmem_shared>> -> memref<10240x128xf32, #tpu.memory_space<vmem_shared>>
          tpu.wait_indirect_dma semaphore(%run_scoped3A : memref<!tpu.dma_semaphore, #tpu.memory_space<semaphore_mem>>) src(%arg11 : memref<128x128xf32, #tpu.memory_space<vmem>>) dst(%dma_wait3A_54 : memref<10240x128xf32, #tpu.memory_space<vmem_shared>>)
          tpu.yield
        }) : () -> ()
      }
      %scan3A_43 = arith.constant 16 : i32
    }
    %scan3A_23 = arith.constant 10 : i32
    %barrier3A_24 = arith.constant 0 : index
    tpu.barrier barrier_id(%barrier3A_24)
    %add3A_25 = arith.constant 0 : i32
    %add3A_26 = arith.addi %mul3A_0, %add3A_25 : i32
    "tpu.region"() ({
      %run_scoped3A = tpu.sem_alloc : memref<!tpu.dma_semaphore, #tpu.memory_space<semaphore_mem>>
      %dma_start3A = arith.constant 0 : i32
      %dma_start3A_35 = tpu.memref_slice %arg13[%add3A_26, %dma_start3A] : memref<10240x128xf32, #tpu.memory_space<vmem_shared>> -> memref<128x128xf32, #tpu.memory_space<vmem_shared>>
      %dma_start3A_36 = arith.constant 0 : i32
      %dma_start3A_37 = tpu.memref_slice %arg13[%add3A_26, %dma_start3A_36] : memref<10240x128xf32, #tpu.memory_space<vmem_shared>> -> memref<128x128xf32, #tpu.memory_space<vmem_shared>>
      tpu.enqueue_dma source(%dma_start3A_37 : memref<128x128xf32, #tpu.memory_space<vmem_shared>>) target(%arg12 : memref<128x128xf32, #tpu.memory_space<vmem>>) target_semaphore(%run_scoped3A : memref<!tpu.dma_semaphore, #tpu.memory_space<semaphore_mem>>)
      %dma_wait3A = arith.constant 0 : i32
      %dma_wait3A_38 = tpu.memref_slice %arg13[%add3A_26, %dma_wait3A] : memref<10240x128xf32, #tpu.memory_space<vmem_shared>> -> memref<128x128xf32, #tpu.memory_space<vmem_shared>>
      %dma_wait3A_39 = arith.constant 0 : i32
      %dma_wait3A_40 = tpu.memref_slice %arg13[%add3A_26, %dma_wait3A_39] : memref<10240x128xf32, #tpu.memory_space<vmem_shared>> -> memref<128x128xf32, #tpu.memory_space<vmem_shared>>
      tpu.wait_dma2 semaphore(%run_scoped3A : memref<!tpu.dma_semaphore, #tpu.memory_space<semaphore_mem>>) src(%dma_wait3A_40 : memref<128x128xf32, #tpu.memory_space<vmem_shared>>) dst(%arg12 : memref<128x128xf32, #tpu.memory_space<vmem>>)
      tpu.yield
    }) : () -> ()
    "tpu.region"() ({
      %run_scoped3A = tpu.sem_alloc : memref<!tpu.dma_semaphore, #tpu.memory_space<semaphore_mem>>
      %dma_start3A = arith.constant 0 : i32
      %dma_start3A_35 = tpu.memref_slice %arg8[%arg0, %add3A_26, %dma_start3A] : memref<2x10240x128xf32, #tpu.memory_space<hbm>> -> memref<1x128x128xf32, #tpu.memory_space<hbm>>
      %dma_start3A_36 = tpu.memref_squeeze %dma_start3A_35 : memref<1x128x128xf32, #tpu.memory_space<hbm>> -> memref<128x128xf32, #tpu.memory_space<hbm>>
      %dma_start3A_37 = arith.constant 0 : i32
      %dma_start3A_38 = tpu.memref_slice %arg8[%arg0, %add3A_26, %dma_start3A_37] : memref<2x10240x128xf32, #tpu.memory_space<hbm>> -> memref<1x128x128xf32, #tpu.memory_space<hbm>>
      %dma_start3A_39 = tpu.memref_squeeze %dma_start3A_38 : memref<1x128x128xf32, #tpu.memory_space<hbm>> -> memref<128x128xf32, #tpu.memory_space<hbm>>
      tpu.enqueue_dma source(%arg12 : memref<128x128xf32, #tpu.memory_space<vmem>>) target(%dma_start3A_39 : memref<128x128xf32, #tpu.memory_space<hbm>>) target_semaphore(%run_scoped3A : memref<!tpu.dma_semaphore, #tpu.memory_space<semaphore_mem>>)
      %dma_wait3A = arith.constant 0 : i32
      %dma_wait3A_40 = tpu.memref_slice %arg8[%arg0, %add3A_26, %dma_wait3A] : memref<2x10240x128xf32, #tpu.memory_space<hbm>> -> memref<1x128x128xf32, #tpu.memory_space<hbm>>
      %dma_wait3A_41 = tpu.memref_squeeze %dma_wait3A_40 : memref<1x128x128xf32, #tpu.memory_space<hbm>> -> memref<128x128xf32, #tpu.memory_space<hbm>>
      %dma_wait3A_42 = arith.constant 0 : i32
      %dma_wait3A_43 = tpu.memref_slice %arg8[%arg0, %add3A_26, %dma_wait3A_42] : memref<2x10240x128xf32, #tpu.memory_space<hbm>> -> memref<1x128x128xf32, #tpu.memory_space<hbm>>
      %dma_wait3A_44 = tpu.memref_squeeze %dma_wait3A_43 : memref<1x128x128xf32, #tpu.memory_space<hbm>> -> memref<128x128xf32, #tpu.memory_space<hbm>>
      tpu.wait_dma2 semaphore(%run_scoped3A : memref<!tpu.dma_semaphore, #tpu.memory_space<semaphore_mem>>) src(%arg12 : memref<128x128xf32, #tpu.memory_space<vmem>>) dst(%dma_wait3A_44 : memref<128x128xf32, #tpu.memory_space<hbm>>)
      tpu.yield
    }) : () -> ()
    %add3A_27 = arith.constant 128 : i32
    %add3A_28 = arith.addi %mul3A_0, %add3A_27 : i32
    "tpu.region"() ({
      %run_scoped3A = tpu.sem_alloc : memref<!tpu.dma_semaphore, #tpu.memory_space<semaphore_mem>>
      %dma_start3A = arith.constant 0 : i32
      %dma_start3A_35 = tpu.memref_slice %arg13[%add3A_28, %dma_start3A] : memref<10240x128xf32, #tpu.memory_space<vmem_shared>> -> memref<128x128xf32, #tpu.memory_space<vmem_shared>>
      %dma_start3A_36 = arith.constant 0 : i32
      %dma_start3A_37 = tpu.memref_slice %arg13[%add3A_28, %dma_start3A_36] : memref<10240x128xf32, #tpu.memory_space<vmem_shared>> -> memref<128x128xf32, #tpu.memory_space<vmem_shared>>
      tpu.enqueue_dma source(%dma_start3A_37 : memref<128x128xf32, #tpu.memory_space<vmem_shared>>) target(%arg12 : memref<128x128xf32, #tpu.memory_space<vmem>>) target_semaphore(%run_scoped3A : memref<!tpu.dma_semaphore, #tpu.memory_space<semaphore_mem>>)
      %dma_wait3A = arith.constant 0 : i32
      %dma_wait3A_38 = tpu.memref_slice %arg13[%add3A_28, %dma_wait3A] : memref<10240x128xf32, #tpu.memory_space<vmem_shared>> -> memref<128x128xf32, #tpu.memory_space<vmem_shared>>
      %dma_wait3A_39 = arith.constant 0 : i32
      %dma_wait3A_40 = tpu.memref_slice %arg13[%add3A_28, %dma_wait3A_39] : memref<10240x128xf32, #tpu.memory_space<vmem_shared>> -> memref<128x128xf32, #tpu.memory_space<vmem_shared>>
      tpu.wait_dma2 semaphore(%run_scoped3A : memref<!tpu.dma_semaphore, #tpu.memory_space<semaphore_mem>>) src(%dma_wait3A_40 : memref<128x128xf32, #tpu.memory_space<vmem_shared>>) dst(%arg12 : memref<128x128xf32, #tpu.memory_space<vmem>>)
      tpu.yield
    }) : () -> ()
    "tpu.region"() ({
      %run_scoped3A = tpu.sem_alloc : memref<!tpu.dma_semaphore, #tpu.memory_space<semaphore_mem>>
      %dma_start3A = arith.constant 0 : i32
      %dma_start3A_35 = tpu.memref_slice %arg8[%arg0, %add3A_28, %dma_start3A] : memref<2x10240x128xf32, #tpu.memory_space<hbm>> -> memref<1x128x128xf32, #tpu.memory_space<hbm>>
      %dma_start3A_36 = tpu.memref_squeeze %dma_start3A_35 : memref<1x128x128xf32, #tpu.memory_space<hbm>> -> memref<128x128xf32, #tpu.memory_space<hbm>>
      %dma_start3A_37 = arith.constant 0 : i32
      %dma_start3A_38 = tpu.memref_slice %arg8[%arg0, %add3A_28, %dma_start3A_37] : memref<2x10240x128xf32, #tpu.memory_space<hbm>> -> memref<1x128x128xf32, #tpu.memory_space<hbm>>
      %dma_start3A_39 = tpu.memref_squeeze %dma_start3A_38 : memref<1x128x128xf32, #tpu.memory_space<hbm>> -> memref<128x128xf32, #tpu.memory_space<hbm>>
      tpu.enqueue_dma source(%arg12 : memref<128x128xf32, #tpu.memory_space<vmem>>) target(%dma_start3A_39 : memref<128x128xf32, #tpu.memory_space<hbm>>) target_semaphore(%run_scoped3A : memref<!tpu.dma_semaphore, #tpu.memory_space<semaphore_mem>>)
      %dma_wait3A = arith.constant 0 : i32
      %dma_wait3A_40 = tpu.memref_slice %arg8[%arg0, %add3A_28, %dma_wait3A] : memref<2x10240x128xf32, #tpu.memory_space<hbm>> -> memref<1x128x128xf32, #tpu.memory_space<hbm>>
      %dma_wait3A_41 = tpu.memref_squeeze %dma_wait3A_40 : memref<1x128x128xf32, #tpu.memory_space<hbm>> -> memref<128x128xf32, #tpu.memory_space<hbm>>
      %dma_wait3A_42 = arith.constant 0 : i32
      %dma_wait3A_43 = tpu.memref_slice %arg8[%arg0, %add3A_28, %dma_wait3A_42] : memref<2x10240x128xf32, #tpu.memory_space<hbm>> -> memref<1x128x128xf32, #tpu.memory_space<hbm>>
      %dma_wait3A_44 = tpu.memref_squeeze %dma_wait3A_43 : memref<1x128x128xf32, #tpu.memory_space<hbm>> -> memref<128x128xf32, #tpu.memory_space<hbm>>
      tpu.wait_dma2 semaphore(%run_scoped3A : memref<!tpu.dma_semaphore, #tpu.memory_space<semaphore_mem>>) src(%arg12 : memref<128x128xf32, #tpu.memory_space<vmem>>) dst(%dma_wait3A_44 : memref<128x128xf32, #tpu.memory_space<hbm>>)
      tpu.yield
    }) : () -> ()
    %add3A_29 = arith.constant 256 : i32
    %add3A_30 = arith.addi %mul3A_0, %add3A_29 : i32
    "tpu.region"() ({
      %run_scoped3A = tpu.sem_alloc : memref<!tpu.dma_semaphore, #tpu.memory_space<semaphore_mem>>
      %dma_start3A = arith.constant 0 : i32
      %dma_start3A_35 = tpu.memref_slice %arg13[%add3A_30, %dma_start3A] : memref<10240x128xf32, #tpu.memory_space<vmem_shared>> -> memref<128x128xf32, #tpu.memory_space<vmem_shared>>
      %dma_start3A_36 = arith.constant 0 : i32
      %dma_start3A_37 = tpu.memref_slice %arg13[%add3A_30, %dma_start3A_36] : memref<10240x128xf32, #tpu.memory_space<vmem_shared>> -> memref<128x128xf32, #tpu.memory_space<vmem_shared>>
      tpu.enqueue_dma source(%dma_start3A_37 : memref<128x128xf32, #tpu.memory_space<vmem_shared>>) target(%arg12 : memref<128x128xf32, #tpu.memory_space<vmem>>) target_semaphore(%run_scoped3A : memref<!tpu.dma_semaphore, #tpu.memory_space<semaphore_mem>>)
      %dma_wait3A = arith.constant 0 : i32
      %dma_wait3A_38 = tpu.memref_slice %arg13[%add3A_30, %dma_wait3A] : memref<10240x128xf32, #tpu.memory_space<vmem_shared>> -> memref<128x128xf32, #tpu.memory_space<vmem_shared>>
      %dma_wait3A_39 = arith.constant 0 : i32
      %dma_wait3A_40 = tpu.memref_slice %arg13[%add3A_30, %dma_wait3A_39] : memref<10240x128xf32, #tpu.memory_space<vmem_shared>> -> memref<128x128xf32, #tpu.memory_space<vmem_shared>>
      tpu.wait_dma2 semaphore(%run_scoped3A : memref<!tpu.dma_semaphore, #tpu.memory_space<semaphore_mem>>) src(%dma_wait3A_40 : memref<128x128xf32, #tpu.memory_space<vmem_shared>>) dst(%arg12 : memref<128x128xf32, #tpu.memory_space<vmem>>)
      tpu.yield
    }) : () -> ()
    "tpu.region"() ({
      %run_scoped3A = tpu.sem_alloc : memref<!tpu.dma_semaphore, #tpu.memory_space<semaphore_mem>>
      %dma_start3A = arith.constant 0 : i32
      %dma_start3A_35 = tpu.memref_slice %arg8[%arg0, %add3A_30, %dma_start3A] : memref<2x10240x128xf32, #tpu.memory_space<hbm>> -> memref<1x128x128xf32, #tpu.memory_space<hbm>>
      %dma_start3A_36 = tpu.memref_squeeze %dma_start3A_35 : memref<1x128x128xf32, #tpu.memory_space<hbm>> -> memref<128x128xf32, #tpu.memory_space<hbm>>
      %dma_start3A_37 = arith.constant 0 : i32
      %dma_start3A_38 = tpu.memref_slice %arg8[%arg0, %add3A_30, %dma_start3A_37] : memref<2x10240x128xf32, #tpu.memory_space<hbm>> -> memref<1x128x128xf32, #tpu.memory_space<hbm>>
      %dma_start3A_39 = tpu.memref_squeeze %dma_start3A_38 : memref<1x128x128xf32, #tpu.memory_space<hbm>> -> memref<128x128xf32, #tpu.memory_space<hbm>>
      tpu.enqueue_dma source(%arg12 : memref<128x128xf32, #tpu.memory_space<vmem>>) target(%dma_start3A_39 : memref<128x128xf32, #tpu.memory_space<hbm>>) target_semaphore(%run_scoped3A : memref<!tpu.dma_semaphore, #tpu.memory_space<semaphore_mem>>)
      %dma_wait3A = arith.constant 0 : i32
      %dma_wait3A_40 = tpu.memref_slice %arg8[%arg0, %add3A_30, %dma_wait3A] : memref<2x10240x128xf32, #tpu.memory_space<hbm>> -> memref<1x128x128xf32, #tpu.memory_space<hbm>>
      %dma_wait3A_41 = tpu.memref_squeeze %dma_wait3A_40 : memref<1x128x128xf32, #tpu.memory_space<hbm>> -> memref<128x128xf32, #tpu.memory_space<hbm>>
      %dma_wait3A_42 = arith.constant 0 : i32
      %dma_wait3A_43 = tpu.memref_slice %arg8[%arg0, %add3A_30, %dma_wait3A_42] : memref<2x10240x128xf32, #tpu.memory_space<hbm>> -> memref<1x128x128xf32, #tpu.memory_space<hbm>>
      %dma_wait3A_44 = tpu.memref_squeeze %dma_wait3A_43 : memref<1x128x128xf32, #tpu.memory_space<hbm>> -> memref<128x128xf32, #tpu.memory_space<hbm>>
      tpu.wait_dma2 semaphore(%run_scoped3A : memref<!tpu.dma_semaphore, #tpu.memory_space<semaphore_mem>>) src(%arg12 : memref<128x128xf32, #tpu.memory_space<vmem>>) dst(%dma_wait3A_44 : memref<128x128xf32, #tpu.memory_space<hbm>>)
      tpu.yield
    }) : () -> ()
    %add3A_31 = arith.constant 384 : i32
    %add3A_32 = arith.addi %mul3A_0, %add3A_31 : i32
    "tpu.region"() ({
      %run_scoped3A = tpu.sem_alloc : memref<!tpu.dma_semaphore, #tpu.memory_space<semaphore_mem>>
      %dma_start3A = arith.constant 0 : i32
      %dma_start3A_35 = tpu.memref_slice %arg13[%add3A_32, %dma_start3A] : memref<10240x128xf32, #tpu.memory_space<vmem_shared>> -> memref<128x128xf32, #tpu.memory_space<vmem_shared>>
      %dma_start3A_36 = arith.constant 0 : i32
      %dma_start3A_37 = tpu.memref_slice %arg13[%add3A_32, %dma_start3A_36] : memref<10240x128xf32, #tpu.memory_space<vmem_shared>> -> memref<128x128xf32, #tpu.memory_space<vmem_shared>>
      tpu.enqueue_dma source(%dma_start3A_37 : memref<128x128xf32, #tpu.memory_space<vmem_shared>>) target(%arg12 : memref<128x128xf32, #tpu.memory_space<vmem>>) target_semaphore(%run_scoped3A : memref<!tpu.dma_semaphore, #tpu.memory_space<semaphore_mem>>)
      %dma_wait3A = arith.constant 0 : i32
      %dma_wait3A_38 = tpu.memref_slice %arg13[%add3A_32, %dma_wait3A] : memref<10240x128xf32, #tpu.memory_space<vmem_shared>> -> memref<128x128xf32, #tpu.memory_space<vmem_shared>>
      %dma_wait3A_39 = arith.constant 0 : i32
      %dma_wait3A_40 = tpu.memref_slice %arg13[%add3A_32, %dma_wait3A_39] : memref<10240x128xf32, #tpu.memory_space<vmem_shared>> -> memref<128x128xf32, #tpu.memory_space<vmem_shared>>
      tpu.wait_dma2 semaphore(%run_scoped3A : memref<!tpu.dma_semaphore, #tpu.memory_space<semaphore_mem>>) src(%dma_wait3A_40 : memref<128x128xf32, #tpu.memory_space<vmem_shared>>) dst(%arg12 : memref<128x128xf32, #tpu.memory_space<vmem>>)
      tpu.yield
    }) : () -> ()
    "tpu.region"() ({
      %run_scoped3A = tpu.sem_alloc : memref<!tpu.dma_semaphore, #tpu.memory_space<semaphore_mem>>
      %dma_start3A = arith.constant 0 : i32
      %dma_start3A_35 = tpu.memref_slice %arg8[%arg0, %add3A_32, %dma_start3A] : memref<2x10240x128xf32, #tpu.memory_space<hbm>> -> memref<1x128x128xf32, #tpu.memory_space<hbm>>
      %dma_start3A_36 = tpu.memref_squeeze %dma_start3A_35 : memref<1x128x128xf32, #tpu.memory_space<hbm>> -> memref<128x128xf32, #tpu.memory_space<hbm>>
      %dma_start3A_37 = arith.constant 0 : i32
      %dma_start3A_38 = tpu.memref_slice %arg8[%arg0, %add3A_32, %dma_start3A_37] : memref<2x10240x128xf32, #tpu.memory_space<hbm>> -> memref<1x128x128xf32, #tpu.memory_space<hbm>>
      %dma_start3A_39 = tpu.memref_squeeze %dma_start3A_38 : memref<1x128x128xf32, #tpu.memory_space<hbm>> -> memref<128x128xf32, #tpu.memory_space<hbm>>
      tpu.enqueue_dma source(%arg12 : memref<128x128xf32, #tpu.memory_space<vmem>>) target(%dma_start3A_39 : memref<128x128xf32, #tpu.memory_space<hbm>>) target_semaphore(%run_scoped3A : memref<!tpu.dma_semaphore, #tpu.memory_space<semaphore_mem>>)
      %dma_wait3A = arith.constant 0 : i32
      %dma_wait3A_40 = tpu.memref_slice %arg8[%arg0, %add3A_32, %dma_wait3A] : memref<2x10240x128xf32, #tpu.memory_space<hbm>> -> memref<1x128x128xf32, #tpu.memory_space<hbm>>
      %dma_wait3A_41 = tpu.memref_squeeze %dma_wait3A_40 : memref<1x128x128xf32, #tpu.memory_space<hbm>> -> memref<128x128xf32, #tpu.memory_space<hbm>>
      %dma_wait3A_42 = arith.constant 0 : i32
      %dma_wait3A_43 = tpu.memref_slice %arg8[%arg0, %add3A_32, %dma_wait3A_42] : memref<2x10240x128xf32, #tpu.memory_space<hbm>> -> memref<1x128x128xf32, #tpu.memory_space<hbm>>
      %dma_wait3A_44 = tpu.memref_squeeze %dma_wait3A_43 : memref<1x128x128xf32, #tpu.memory_space<hbm>> -> memref<128x128xf32, #tpu.memory_space<hbm>>
      tpu.wait_dma2 semaphore(%run_scoped3A : memref<!tpu.dma_semaphore, #tpu.memory_space<semaphore_mem>>) src(%arg12 : memref<128x128xf32, #tpu.memory_space<vmem>>) dst(%dma_wait3A_44 : memref<128x128xf32, #tpu.memory_space<hbm>>)
      tpu.yield
    }) : () -> ()
    %add3A_33 = arith.constant 512 : i32
    %add3A_34 = arith.addi %mul3A_0, %add3A_33 : i32
    "tpu.region"() ({
      %run_scoped3A = tpu.sem_alloc : memref<!tpu.dma_semaphore, #tpu.memory_space<semaphore_mem>>
      %dma_start3A = arith.constant 0 : i32
      %dma_start3A_35 = tpu.memref_slice %arg13[%add3A_34, %dma_start3A] : memref<10240x128xf32, #tpu.memory_space<vmem_shared>> -> memref<128x128xf32, #tpu.memory_space<vmem_shared>>
      %dma_start3A_36 = arith.constant 0 : i32
      %dma_start3A_37 = tpu.memref_slice %arg13[%add3A_34, %dma_start3A_36] : memref<10240x128xf32, #tpu.memory_space<vmem_shared>> -> memref<128x128xf32, #tpu.memory_space<vmem_shared>>
      tpu.enqueue_dma source(%dma_start3A_37 : memref<128x128xf32, #tpu.memory_space<vmem_shared>>) target(%arg12 : memref<128x128xf32, #tpu.memory_space<vmem>>) target_semaphore(%run_scoped3A : memref<!tpu.dma_semaphore, #tpu.memory_space<semaphore_mem>>)
      %dma_wait3A = arith.constant 0 : i32
      %dma_wait3A_38 = tpu.memref_slice %arg13[%add3A_34, %dma_wait3A] : memref<10240x128xf32, #tpu.memory_space<vmem_shared>> -> memref<128x128xf32, #tpu.memory_space<vmem_shared>>
      %dma_wait3A_39 = arith.constant 0 : i32
      %dma_wait3A_40 = tpu.memref_slice %arg13[%add3A_34, %dma_wait3A_39] : memref<10240x128xf32, #tpu.memory_space<vmem_shared>> -> memref<128x128xf32, #tpu.memory_space<vmem_shared>>
      tpu.wait_dma2 semaphore(%run_scoped3A : memref<!tpu.dma_semaphore, #tpu.memory_space<semaphore_mem>>) src(%dma_wait3A_40 : memref<128x128xf32, #tpu.memory_space<vmem_shared>>) dst(%arg12 : memref<128x128xf32, #tpu.memory_space<vmem>>)
      tpu.yield
    }) : () -> ()
    "tpu.region"() ({
      %run_scoped3A = tpu.sem_alloc : memref<!tpu.dma_semaphore, #tpu.memory_space<semaphore_mem>>
      %dma_start3A = arith.constant 0 : i32
      %dma_start3A_35 = tpu.memref_slice %arg8[%arg0, %add3A_34, %dma_start3A] : memref<2x10240x128xf32, #tpu.memory_space<hbm>> -> memref<1x128x128xf32, #tpu.memory_space<hbm>>
      %dma_start3A_36 = tpu.memref_squeeze %dma_start3A_35 : memref<1x128x128xf32, #tpu.memory_space<hbm>> -> memref<128x128xf32, #tpu.memory_space<hbm>>
      %dma_start3A_37 = arith.constant 0 : i32
      %dma_start3A_38 = tpu.memref_slice %arg8[%arg0, %add3A_34, %dma_start3A_37] : memref<2x10240x128xf32, #tpu.memory_space<hbm>> -> memref<1x128x128xf32, #tpu.memory_space<hbm>>
      %dma_start3A_39 = tpu.memref_squeeze %dma_start3A_38 : memref<1x128x128xf32, #tpu.memory_space<hbm>> -> memref<128x128xf32, #tpu.memory_space<hbm>>
      tpu.enqueue_dma source(%arg12 : memref<128x128xf32, #tpu.memory_space<vmem>>) target(%dma_start3A_39 : memref<128x128xf32, #tpu.memory_space<hbm>>) target_semaphore(%run_scoped3A : memref<!tpu.dma_semaphore, #tpu.memory_space<semaphore_mem>>)
      %dma_wait3A = arith.constant 0 : i32
      %dma_wait3A_40 = tpu.memref_slice %arg8[%arg0, %add3A_34, %dma_wait3A] : memref<2x10240x128xf32, #tpu.memory_space<hbm>> -> memref<1x128x128xf32, #tpu.memory_space<hbm>>
      %dma_wait3A_41 = tpu.memref_squeeze %dma_wait3A_40 : memref<1x128x128xf32, #tpu.memory_space<hbm>> -> memref<128x128xf32, #tpu.memory_space<hbm>>
      %dma_wait3A_42 = arith.constant 0 : i32
      %dma_wait3A_43 = tpu.memref_slice %arg8[%arg0, %add3A_34, %dma_wait3A_42] : memref<2x10240x128xf32, #tpu.memory_space<hbm>> -> memref<1x128x128xf32, #tpu.memory_space<hbm>>
      %dma_wait3A_44 = tpu.memref_squeeze %dma_wait3A_43 : memref<1x128x128xf32, #tpu.memory_space<hbm>> -> memref<128x128xf32, #tpu.memory_space<hbm>>
      tpu.wait_dma2 semaphore(%run_scoped3A : memref<!tpu.dma_semaphore, #tpu.memory_space<semaphore_mem>>) src(%arg12 : memref<128x128xf32, #tpu.memory_space<vmem>>) dst(%dma_wait3A_44 : memref<128x128xf32, #tpu.memory_space<hbm>>)
      tpu.yield
    }) : () -> ()
    return
  }
}

#map = affine_map<(d0, d1) -> (0, 0)>
#map1 = affine_map<(d0, d1) -> (0, 0, 0, 0)>
#map2 = affine_map<(d0, d1) -> (0, 0, 0)>
module attributes {stable_mosaic.version = 14 : i64} {
  func.func @sc_edge_agg(%arg0: i32, %arg1: i32, %arg2: memref<20000x128xf32, #tpu.memory_space<hbm>>, %arg3: memref<2x16x160x128xi32, #tpu.memory_space<hbm>>, %arg4: memref<2x16x160x128xi32, #tpu.memory_space<hbm>>, %arg5: memref<640x128xf32, #tpu.memory_space<hbm>>, %arg6: memref<2x10240x128xf32, #tpu.memory_space<hbm>>, %arg7: memref<16x128xi32, #tpu.memory_space<vmem>>, %arg8: memref<16x128xi32, #tpu.memory_space<vmem>>, %arg9: memref<128x128xf32, #tpu.memory_space<vmem>>, %arg10: memref<128x128xf32, #tpu.memory_space<vmem>>, %arg11: memref<10240x128xf32, #tpu.memory_space<vmem_shared>>, %arg12: memref<!tpu.dma_semaphore, #tpu.memory_space<semaphore_mem>>, %arg13: memref<!tpu.dma_semaphore, #tpu.memory_space<semaphore_mem>>) attributes {dimension_semantics = [#tpu.dimension_semantics<core_parallel>, #tpu.dimension_semantics<subcore_parallel>], iteration_bounds = array<i64: 2, 16>, scalar_prefetch = 0 : i64, scratch_operands = 7 : i64, tpu.core_type = #tpu.core_type<sc_vector_subcore>, window_params = [{transform_indices = #map}, {transform_indices = #map1}, {transform_indices = #map1}, {transform_indices = #map}, {transform_indices = #map2}]} {
    %mul3A = arith.constant 640 : i32
    %mul3A_0 = arith.muli %arg1, %mul3A : i32
    "tpu.region"() ({
      %run_scoped3A = tpu.sem_alloc : memref<!tpu.dma_semaphore, #tpu.memory_space<semaphore_mem>>
      %dma_start3A = arith.constant 0 : i32
      %dma_start3A_16 = tpu.memref_slice %arg11[%mul3A_0, %dma_start3A] : memref<10240x128xf32, #tpu.memory_space<vmem_shared>> -> memref<640x128xf32, #tpu.memory_space<vmem_shared>>
      tpu.enqueue_dma source(%arg5 : memref<640x128xf32, #tpu.memory_space<hbm>>) target(%dma_start3A_16 : memref<640x128xf32, #tpu.memory_space<vmem_shared>>) target_semaphore(%run_scoped3A : memref<!tpu.dma_semaphore, #tpu.memory_space<semaphore_mem>>)
      %dma_wait3A = arith.constant 0 : i32
      %dma_wait3A_17 = tpu.memref_slice %arg11[%mul3A_0, %dma_wait3A] : memref<10240x128xf32, #tpu.memory_space<vmem_shared>> -> memref<640x128xf32, #tpu.memory_space<vmem_shared>>
      tpu.wait_dma2 semaphore(%run_scoped3A : memref<!tpu.dma_semaphore, #tpu.memory_space<semaphore_mem>>) src(%arg5 : memref<640x128xf32, #tpu.memory_space<hbm>>) dst(%dma_wait3A_17 : memref<640x128xf32, #tpu.memory_space<vmem_shared>>)
      tpu.yield
    }) : () -> ()
    %barrier3A = arith.constant 0 : index
    tpu.barrier barrier_id(%barrier3A)
    %scan3A = arith.constant 0 : i32
    %scan3A_1 = arith.constant 0 : i32
    %scan3A_2 = arith.constant 10 : i32
    %scan3A_3 = arith.addi %scan3A_1, %scan3A_2 : i32
    %scan3A_4 = arith.constant 1 : i32
    scf.for %scan3A_16 = %scan3A_1 to %scan3A_3 step %scan3A_4  : i32 {
      %mul3A_17 = arith.constant 16 : i32
      %mul3A_18 = arith.muli %scan3A_16, %mul3A_17 : i32
      "tpu.region"() ({
        %run_scoped3A_54 = tpu.sem_alloc : memref<!tpu.dma_semaphore, #tpu.memory_space<semaphore_mem>>
        %dma_start3A_55 = arith.constant 0 : i32
        %dma_start3A_56 = tpu.memref_slice %arg3[%arg0, %arg1, %mul3A_18, %dma_start3A_55] : memref<2x16x160x128xi32, #tpu.memory_space<hbm>> -> memref<1x1x16x128xi32, #tpu.memory_space<hbm>>
        %dma_start3A_57 = tpu.memref_squeeze %dma_start3A_56 : memref<1x1x16x128xi32, #tpu.memory_space<hbm>> -> memref<16x128xi32, #tpu.memory_space<hbm>>
        %dma_start3A_58 = arith.constant 0 : i32
        %dma_start3A_59 = tpu.memref_slice %arg3[%arg0, %arg1, %mul3A_18, %dma_start3A_58] : memref<2x16x160x128xi32, #tpu.memory_space<hbm>> -> memref<1x1x16x128xi32, #tpu.memory_space<hbm>>
        %dma_start3A_60 = tpu.memref_squeeze %dma_start3A_59 : memref<1x1x16x128xi32, #tpu.memory_space<hbm>> -> memref<16x128xi32, #tpu.memory_space<hbm>>
        tpu.enqueue_dma source(%dma_start3A_60 : memref<16x128xi32, #tpu.memory_space<hbm>>) target(%arg7 : memref<16x128xi32, #tpu.memory_space<vmem>>) target_semaphore(%run_scoped3A_54 : memref<!tpu.dma_semaphore, #tpu.memory_space<semaphore_mem>>)
        %dma_wait3A_61 = arith.constant 0 : i32
        %dma_wait3A_62 = tpu.memref_slice %arg3[%arg0, %arg1, %mul3A_18, %dma_wait3A_61] : memref<2x16x160x128xi32, #tpu.memory_space<hbm>> -> memref<1x1x16x128xi32, #tpu.memory_space<hbm>>
        %dma_wait3A_63 = tpu.memref_squeeze %dma_wait3A_62 : memref<1x1x16x128xi32, #tpu.memory_space<hbm>> -> memref<16x128xi32, #tpu.memory_space<hbm>>
        %dma_wait3A_64 = arith.constant 0 : i32
        %dma_wait3A_65 = tpu.memref_slice %arg3[%arg0, %arg1, %mul3A_18, %dma_wait3A_64] : memref<2x16x160x128xi32, #tpu.memory_space<hbm>> -> memref<1x1x16x128xi32, #tpu.memory_space<hbm>>
        %dma_wait3A_66 = tpu.memref_squeeze %dma_wait3A_65 : memref<1x1x16x128xi32, #tpu.memory_space<hbm>> -> memref<16x128xi32, #tpu.memory_space<hbm>>
        tpu.wait_dma2 semaphore(%run_scoped3A_54 : memref<!tpu.dma_semaphore, #tpu.memory_space<semaphore_mem>>) src(%dma_wait3A_66 : memref<16x128xi32, #tpu.memory_space<hbm>>) dst(%arg7 : memref<16x128xi32, #tpu.memory_space<vmem>>)
        tpu.yield
      }) : () -> ()
      %mul3A_19 = arith.constant 16 : i32
      %mul3A_20 = arith.muli %scan3A_16, %mul3A_19 : i32
      "tpu.region"() ({
        %run_scoped3A_54 = tpu.sem_alloc : memref<!tpu.dma_semaphore, #tpu.memory_space<semaphore_mem>>
        %dma_start3A_55 = arith.constant 0 : i32
        %dma_start3A_56 = tpu.memref_slice %arg4[%arg0, %arg1, %mul3A_20, %dma_start3A_55] : memref<2x16x160x128xi32, #tpu.memory_space<hbm>> -> memref<1x1x16x128xi32, #tpu.memory_space<hbm>>
        %dma_start3A_57 = tpu.memref_squeeze %dma_start3A_56 : memref<1x1x16x128xi32, #tpu.memory_space<hbm>> -> memref<16x128xi32, #tpu.memory_space<hbm>>
        %dma_start3A_58 = arith.constant 0 : i32
        %dma_start3A_59 = tpu.memref_slice %arg4[%arg0, %arg1, %mul3A_20, %dma_start3A_58] : memref<2x16x160x128xi32, #tpu.memory_space<hbm>> -> memref<1x1x16x128xi32, #tpu.memory_space<hbm>>
        %dma_start3A_60 = tpu.memref_squeeze %dma_start3A_59 : memref<1x1x16x128xi32, #tpu.memory_space<hbm>> -> memref<16x128xi32, #tpu.memory_space<hbm>>
        tpu.enqueue_dma source(%dma_start3A_60 : memref<16x128xi32, #tpu.memory_space<hbm>>) target(%arg8 : memref<16x128xi32, #tpu.memory_space<vmem>>) target_semaphore(%run_scoped3A_54 : memref<!tpu.dma_semaphore, #tpu.memory_space<semaphore_mem>>)
        %dma_wait3A_61 = arith.constant 0 : i32
        %dma_wait3A_62 = tpu.memref_slice %arg4[%arg0, %arg1, %mul3A_20, %dma_wait3A_61] : memref<2x16x160x128xi32, #tpu.memory_space<hbm>> -> memref<1x1x16x128xi32, #tpu.memory_space<hbm>>
        %dma_wait3A_63 = tpu.memref_squeeze %dma_wait3A_62 : memref<1x1x16x128xi32, #tpu.memory_space<hbm>> -> memref<16x128xi32, #tpu.memory_space<hbm>>
        %dma_wait3A_64 = arith.constant 0 : i32
        %dma_wait3A_65 = tpu.memref_slice %arg4[%arg0, %arg1, %mul3A_20, %dma_wait3A_64] : memref<2x16x160x128xi32, #tpu.memory_space<hbm>> -> memref<1x1x16x128xi32, #tpu.memory_space<hbm>>
        %dma_wait3A_66 = tpu.memref_squeeze %dma_wait3A_65 : memref<1x1x16x128xi32, #tpu.memory_space<hbm>> -> memref<16x128xi32, #tpu.memory_space<hbm>>
        tpu.wait_dma2 semaphore(%run_scoped3A_54 : memref<!tpu.dma_semaphore, #tpu.memory_space<semaphore_mem>>) src(%dma_wait3A_66 : memref<16x128xi32, #tpu.memory_space<hbm>>) dst(%arg8 : memref<16x128xi32, #tpu.memory_space<vmem>>)
        tpu.yield
      }) : () -> ()
      %dma_start3A = arith.constant 0 : i32
      %dma_start3A_21 = arith.constant 0 : i32
      %dma_start3A_22 = tpu.memref_slice %arg7[%dma_start3A, %dma_start3A_21] : memref<16x128xi32, #tpu.memory_space<vmem>> -> memref<1x128xi32, #tpu.memory_space<vmem>>
      %dma_start3A_23 = tpu.memref_squeeze %dma_start3A_22 : memref<1x128xi32, #tpu.memory_space<vmem>> -> memref<128xi32, #tpu.memory_space<vmem>>
      %dma_start3A_24 = arith.constant 0 : i32
      %dma_start3A_25 = arith.constant 0 : i32
      %dma_start3A_26 = tpu.memref_slice %arg2[%dma_start3A_24, %dma_start3A_25] : memref<20000x128xf32, #tpu.memory_space<hbm>> -> memref<20000x128xf32, #tpu.memory_space<hbm>>
      tpu.enqueue_indirect_dma source(%dma_start3A_26 : memref<20000x128xf32, #tpu.memory_space<hbm>>) target(%arg9 : memref<128x128xf32, #tpu.memory_space<vmem>>) offsets(%dma_start3A_23 : memref<128xi32, #tpu.memory_space<vmem>>) semaphore(%arg12 : memref<!tpu.dma_semaphore, #tpu.memory_space<semaphore_mem>>)
      %scan3A_27 = arith.constant 0 : i32
      %scan3A_28 = arith.constant 0 : i32
      %scan3A_29 = arith.constant 7 : i32
      %scan3A_30 = arith.addi %scan3A_28, %scan3A_29 : i32
      %scan3A_31 = arith.constant 1 : i32
      scf.for %scan3A_54 = %scan3A_28 to %scan3A_30 step %scan3A_31  : i32 {
        %mul3A_55 = arith.constant 2 : i32
        %mul3A_56 = arith.muli %mul3A_55, %scan3A_54 : i32
        %add3A_57 = arith.constant 1 : i32
        %add3A_58 = arith.addi %mul3A_56, %add3A_57 : i32
        %dma_start3A_59 = arith.constant 0 : i32
        %dma_start3A_60 = tpu.memref_slice %arg7[%add3A_58, %dma_start3A_59] : memref<16x128xi32, #tpu.memory_space<vmem>> -> memref<1x128xi32, #tpu.memory_space<vmem>>
        %dma_start3A_61 = tpu.memref_squeeze %dma_start3A_60 : memref<1x128xi32, #tpu.memory_space<vmem>> -> memref<128xi32, #tpu.memory_space<vmem>>
        %dma_start3A_62 = arith.constant 0 : i32
        %dma_start3A_63 = arith.constant 0 : i32
        %dma_start3A_64 = tpu.memref_slice %arg2[%dma_start3A_62, %dma_start3A_63] : memref<20000x128xf32, #tpu.memory_space<hbm>> -> memref<20000x128xf32, #tpu.memory_space<hbm>>
        tpu.enqueue_indirect_dma source(%dma_start3A_64 : memref<20000x128xf32, #tpu.memory_space<hbm>>) target(%arg10 : memref<128x128xf32, #tpu.memory_space<vmem>>) offsets(%dma_start3A_61 : memref<128xi32, #tpu.memory_space<vmem>>) semaphore(%arg13 : memref<!tpu.dma_semaphore, #tpu.memory_space<semaphore_mem>>)
        %dma_wait3A_65 = arith.constant 0 : i32
        %dma_wait3A_66 = tpu.memref_slice %arg7[%mul3A_56, %dma_wait3A_65] : memref<16x128xi32, #tpu.memory_space<vmem>> -> memref<1x128xi32, #tpu.memory_space<vmem>>
        %dma_wait3A_67 = tpu.memref_squeeze %dma_wait3A_66 : memref<1x128xi32, #tpu.memory_space<vmem>> -> memref<128xi32, #tpu.memory_space<vmem>>
        %dma_wait3A_68 = arith.constant 0 : i32
        %dma_wait3A_69 = arith.constant 0 : i32
        %dma_wait3A_70 = tpu.memref_slice %arg2[%dma_wait3A_68, %dma_wait3A_69] : memref<20000x128xf32, #tpu.memory_space<hbm>> -> memref<20000x128xf32, #tpu.memory_space<hbm>>
        tpu.wait_indirect_dma semaphore(%arg12 : memref<!tpu.dma_semaphore, #tpu.memory_space<semaphore_mem>>) src(%dma_wait3A_70 : memref<20000x128xf32, #tpu.memory_space<hbm>>) dst(%arg9 : memref<128x128xf32, #tpu.memory_space<vmem>>)
        "tpu.region"() ({
          %run_scoped3A_89 = tpu.sem_alloc : memref<!tpu.dma_semaphore, #tpu.memory_space<semaphore_mem>>
          %dma_start3A_90 = arith.constant 0 : i32
          %dma_start3A_91 = tpu.memref_slice %arg8[%mul3A_56, %dma_start3A_90] : memref<16x128xi32, #tpu.memory_space<vmem>> -> memref<1x128xi32, #tpu.memory_space<vmem>>
          %dma_start3A_92 = tpu.memref_squeeze %dma_start3A_91 : memref<1x128xi32, #tpu.memory_space<vmem>> -> memref<128xi32, #tpu.memory_space<vmem>>
          %dma_start3A_93 = arith.constant 0 : i32
          %dma_start3A_94 = arith.constant 0 : i32
          %dma_start3A_95 = tpu.memref_slice %arg11[%dma_start3A_93, %dma_start3A_94] : memref<10240x128xf32, #tpu.memory_space<vmem_shared>> -> memref<10240x128xf32, #tpu.memory_space<vmem_shared>>
          tpu.enqueue_indirect_dma source(%arg9 : memref<128x128xf32, #tpu.memory_space<vmem>>) target(%dma_start3A_95 : memref<10240x128xf32, #tpu.memory_space<vmem_shared>>) offsets(%dma_start3A_92 : memref<128xi32, #tpu.memory_space<vmem>>) semaphore(%run_scoped3A_89 : memref<!tpu.dma_semaphore, #tpu.memory_space<semaphore_mem>>) {add = true}
          %dma_wait3A_96 = arith.constant 0 : i32
          %dma_wait3A_97 = tpu.memref_slice %arg8[%mul3A_56, %dma_wait3A_96] : memref<16x128xi32, #tpu.memory_space<vmem>> -> memref<1x128xi32, #tpu.memory_space<vmem>>
          %dma_wait3A_98 = tpu.memref_squeeze %dma_wait3A_97 : memref<1x128xi32, #tpu.memory_space<vmem>> -> memref<128xi32, #tpu.memory_space<vmem>>
          %dma_wait3A_99 = arith.constant 0 : i32
          %dma_wait3A_100 = arith.constant 0 : i32
          %dma_wait3A_101 = tpu.memref_slice %arg11[%dma_wait3A_99, %dma_wait3A_100] : memref<10240x128xf32, #tpu.memory_space<vmem_shared>> -> memref<10240x128xf32, #tpu.memory_space<vmem_shared>>
          tpu.wait_indirect_dma semaphore(%run_scoped3A_89 : memref<!tpu.dma_semaphore, #tpu.memory_space<semaphore_mem>>) src(%arg9 : memref<128x128xf32, #tpu.memory_space<vmem>>) dst(%dma_wait3A_101 : memref<10240x128xf32, #tpu.memory_space<vmem_shared>>)
          tpu.yield
        }) : () -> ()
        %add3A_71 = arith.constant 2 : i32
        %add3A_72 = arith.addi %mul3A_56, %add3A_71 : i32
        %dma_start3A_73 = arith.constant 0 : i32
        %dma_start3A_74 = tpu.memref_slice %arg7[%add3A_72, %dma_start3A_73] : memref<16x128xi32, #tpu.memory_space<vmem>> -> memref<1x128xi32, #tpu.memory_space<vmem>>
        %dma_start3A_75 = tpu.memref_squeeze %dma_start3A_74 : memref<1x128xi32, #tpu.memory_space<vmem>> -> memref<128xi32, #tpu.memory_space<vmem>>
        %dma_start3A_76 = arith.constant 0 : i32
        %dma_start3A_77 = arith.constant 0 : i32
        %dma_start3A_78 = tpu.memref_slice %arg2[%dma_start3A_76, %dma_start3A_77] : memref<20000x128xf32, #tpu.memory_space<hbm>> -> memref<20000x128xf32, #tpu.memory_space<hbm>>
        tpu.enqueue_indirect_dma source(%dma_start3A_78 : memref<20000x128xf32, #tpu.memory_space<hbm>>) target(%arg9 : memref<128x128xf32, #tpu.memory_space<vmem>>) offsets(%dma_start3A_75 : memref<128xi32, #tpu.memory_space<vmem>>) semaphore(%arg12 : memref<!tpu.dma_semaphore, #tpu.memory_space<semaphore_mem>>)
        %add3A_79 = arith.constant 1 : i32
        %add3A_80 = arith.addi %mul3A_56, %add3A_79 : i32
        %dma_wait3A_81 = arith.constant 0 : i32
        %dma_wait3A_82 = tpu.memref_slice %arg7[%add3A_80, %dma_wait3A_81] : memref<16x128xi32, #tpu.memory_space<vmem>> -> memref<1x128xi32, #tpu.memory_space<vmem>>
        %dma_wait3A_83 = tpu.memref_squeeze %dma_wait3A_82 : memref<1x128xi32, #tpu.memory_space<vmem>> -> memref<128xi32, #tpu.memory_space<vmem>>
        %dma_wait3A_84 = arith.constant 0 : i32
        %dma_wait3A_85 = arith.constant 0 : i32
        %dma_wait3A_86 = tpu.memref_slice %arg2[%dma_wait3A_84, %dma_wait3A_85] : memref<20000x128xf32, #tpu.memory_space<hbm>> -> memref<20000x128xf32, #tpu.memory_space<hbm>>
        tpu.wait_indirect_dma semaphore(%arg13 : memref<!tpu.dma_semaphore, #tpu.memory_space<semaphore_mem>>) src(%dma_wait3A_86 : memref<20000x128xf32, #tpu.memory_space<hbm>>) dst(%arg10 : memref<128x128xf32, #tpu.memory_space<vmem>>)
        %add3A_87 = arith.constant 1 : i32
        %add3A_88 = arith.addi %mul3A_56, %add3A_87 : i32
        "tpu.region"() ({
          %run_scoped3A_89 = tpu.sem_alloc : memref<!tpu.dma_semaphore, #tpu.memory_space<semaphore_mem>>
          %dma_start3A_90 = arith.constant 0 : i32
          %dma_start3A_91 = tpu.memref_slice %arg8[%add3A_88, %dma_start3A_90] : memref<16x128xi32, #tpu.memory_space<vmem>> -> memref<1x128xi32, #tpu.memory_space<vmem>>
          %dma_start3A_92 = tpu.memref_squeeze %dma_start3A_91 : memref<1x128xi32, #tpu.memory_space<vmem>> -> memref<128xi32, #tpu.memory_space<vmem>>
          %dma_start3A_93 = arith.constant 0 : i32
          %dma_start3A_94 = arith.constant 0 : i32
          %dma_start3A_95 = tpu.memref_slice %arg11[%dma_start3A_93, %dma_start3A_94] : memref<10240x128xf32, #tpu.memory_space<vmem_shared>> -> memref<10240x128xf32, #tpu.memory_space<vmem_shared>>
          tpu.enqueue_indirect_dma source(%arg10 : memref<128x128xf32, #tpu.memory_space<vmem>>) target(%dma_start3A_95 : memref<10240x128xf32, #tpu.memory_space<vmem_shared>>) offsets(%dma_start3A_92 : memref<128xi32, #tpu.memory_space<vmem>>) semaphore(%run_scoped3A_89 : memref<!tpu.dma_semaphore, #tpu.memory_space<semaphore_mem>>) {add = true}
          %dma_wait3A_96 = arith.constant 0 : i32
          %dma_wait3A_97 = tpu.memref_slice %arg8[%add3A_88, %dma_wait3A_96] : memref<16x128xi32, #tpu.memory_space<vmem>> -> memref<1x128xi32, #tpu.memory_space<vmem>>
          %dma_wait3A_98 = tpu.memref_squeeze %dma_wait3A_97 : memref<1x128xi32, #tpu.memory_space<vmem>> -> memref<128xi32, #tpu.memory_space<vmem>>
          %dma_wait3A_99 = arith.constant 0 : i32
          %dma_wait3A_100 = arith.constant 0 : i32
          %dma_wait3A_101 = tpu.memref_slice %arg11[%dma_wait3A_99, %dma_wait3A_100] : memref<10240x128xf32, #tpu.memory_space<vmem_shared>> -> memref<10240x128xf32, #tpu.memory_space<vmem_shared>>
          tpu.wait_indirect_dma semaphore(%run_scoped3A_89 : memref<!tpu.dma_semaphore, #tpu.memory_space<semaphore_mem>>) src(%arg10 : memref<128x128xf32, #tpu.memory_space<vmem>>) dst(%dma_wait3A_101 : memref<10240x128xf32, #tpu.memory_space<vmem_shared>>)
          tpu.yield
        }) : () -> ()
      }
      %scan3A_32 = arith.constant 7 : i32
      %dma_start3A_33 = arith.constant 15 : i32
      %dma_start3A_34 = arith.constant 0 : i32
      %dma_start3A_35 = tpu.memref_slice %arg7[%dma_start3A_33, %dma_start3A_34] : memref<16x128xi32, #tpu.memory_space<vmem>> -> memref<1x128xi32, #tpu.memory_space<vmem>>
      %dma_start3A_36 = tpu.memref_squeeze %dma_start3A_35 : memref<1x128xi32, #tpu.memory_space<vmem>> -> memref<128xi32, #tpu.memory_space<vmem>>
      %dma_start3A_37 = arith.constant 0 : i32
      %dma_start3A_38 = arith.constant 0 : i32
      %dma_start3A_39 = tpu.memref_slice %arg2[%dma_start3A_37, %dma_start3A_38] : memref<20000x128xf32, #tpu.memory_space<hbm>> -> memref<20000x128xf32, #tpu.memory_space<hbm>>
      tpu.enqueue_indirect_dma source(%dma_start3A_39 : memref<20000x128xf32, #tpu.memory_space<hbm>>) target(%arg10 : memref<128x128xf32, #tpu.memory_space<vmem>>) offsets(%dma_start3A_36 : memref<128xi32, #tpu.memory_space<vmem>>) semaphore(%arg13 : memref<!tpu.dma_semaphore, #tpu.memory_space<semaphore_mem>>)
      %dma_wait3A = arith.constant 14 : i32
      %dma_wait3A_40 = arith.constant 0 : i32
      %dma_wait3A_41 = tpu.memref_slice %arg7[%dma_wait3A, %dma_wait3A_40] : memref<16x128xi32, #tpu.memory_space<vmem>> -> memref<1x128xi32, #tpu.memory_space<vmem>>
      %dma_wait3A_42 = tpu.memref_squeeze %dma_wait3A_41 : memref<1x128xi32, #tpu.memory_space<vmem>> -> memref<128xi32, #tpu.memory_space<vmem>>
      %dma_wait3A_43 = arith.constant 0 : i32
      %dma_wait3A_44 = arith.constant 0 : i32
      %dma_wait3A_45 = tpu.memref_slice %arg2[%dma_wait3A_43, %dma_wait3A_44] : memref<20000x128xf32, #tpu.memory_space<hbm>> -> memref<20000x128xf32, #tpu.memory_space<hbm>>
      tpu.wait_indirect_dma semaphore(%arg12 : memref<!tpu.dma_semaphore, #tpu.memory_space<semaphore_mem>>) src(%dma_wait3A_45 : memref<20000x128xf32, #tpu.memory_space<hbm>>) dst(%arg9 : memref<128x128xf32, #tpu.memory_space<vmem>>)
      %run_scoped3A = arith.constant 14 : i32
      "tpu.region"() ({
        %run_scoped3A_54 = tpu.sem_alloc : memref<!tpu.dma_semaphore, #tpu.memory_space<semaphore_mem>>
        %dma_start3A_55 = arith.constant 0 : i32
        %dma_start3A_56 = tpu.memref_slice %arg8[%run_scoped3A, %dma_start3A_55] : memref<16x128xi32, #tpu.memory_space<vmem>> -> memref<1x128xi32, #tpu.memory_space<vmem>>
        %dma_start3A_57 = tpu.memref_squeeze %dma_start3A_56 : memref<1x128xi32, #tpu.memory_space<vmem>> -> memref<128xi32, #tpu.memory_space<vmem>>
        %dma_start3A_58 = arith.constant 0 : i32
        %dma_start3A_59 = arith.constant 0 : i32
        %dma_start3A_60 = tpu.memref_slice %arg11[%dma_start3A_58, %dma_start3A_59] : memref<10240x128xf32, #tpu.memory_space<vmem_shared>> -> memref<10240x128xf32, #tpu.memory_space<vmem_shared>>
        tpu.enqueue_indirect_dma source(%arg9 : memref<128x128xf32, #tpu.memory_space<vmem>>) target(%dma_start3A_60 : memref<10240x128xf32, #tpu.memory_space<vmem_shared>>) offsets(%dma_start3A_57 : memref<128xi32, #tpu.memory_space<vmem>>) semaphore(%run_scoped3A_54 : memref<!tpu.dma_semaphore, #tpu.memory_space<semaphore_mem>>) {add = true}
        %dma_wait3A_61 = arith.constant 0 : i32
        %dma_wait3A_62 = tpu.memref_slice %arg8[%run_scoped3A, %dma_wait3A_61] : memref<16x128xi32, #tpu.memory_space<vmem>> -> memref<1x128xi32, #tpu.memory_space<vmem>>
        %dma_wait3A_63 = tpu.memref_squeeze %dma_wait3A_62 : memref<1x128xi32, #tpu.memory_space<vmem>> -> memref<128xi32, #tpu.memory_space<vmem>>
        %dma_wait3A_64 = arith.constant 0 : i32
        %dma_wait3A_65 = arith.constant 0 : i32
        %dma_wait3A_66 = tpu.memref_slice %arg11[%dma_wait3A_64, %dma_wait3A_65] : memref<10240x128xf32, #tpu.memory_space<vmem_shared>> -> memref<10240x128xf32, #tpu.memory_space<vmem_shared>>
        tpu.wait_indirect_dma semaphore(%run_scoped3A_54 : memref<!tpu.dma_semaphore, #tpu.memory_space<semaphore_mem>>) src(%arg9 : memref<128x128xf32, #tpu.memory_space<vmem>>) dst(%dma_wait3A_66 : memref<10240x128xf32, #tpu.memory_space<vmem_shared>>)
        tpu.yield
      }) : () -> ()
      %dma_wait3A_46 = arith.constant 15 : i32
      %dma_wait3A_47 = arith.constant 0 : i32
      %dma_wait3A_48 = tpu.memref_slice %arg7[%dma_wait3A_46, %dma_wait3A_47] : memref<16x128xi32, #tpu.memory_space<vmem>> -> memref<1x128xi32, #tpu.memory_space<vmem>>
      %dma_wait3A_49 = tpu.memref_squeeze %dma_wait3A_48 : memref<1x128xi32, #tpu.memory_space<vmem>> -> memref<128xi32, #tpu.memory_space<vmem>>
      %dma_wait3A_50 = arith.constant 0 : i32
      %dma_wait3A_51 = arith.constant 0 : i32
      %dma_wait3A_52 = tpu.memref_slice %arg2[%dma_wait3A_50, %dma_wait3A_51] : memref<20000x128xf32, #tpu.memory_space<hbm>> -> memref<20000x128xf32, #tpu.memory_space<hbm>>
      tpu.wait_indirect_dma semaphore(%arg13 : memref<!tpu.dma_semaphore, #tpu.memory_space<semaphore_mem>>) src(%dma_wait3A_52 : memref<20000x128xf32, #tpu.memory_space<hbm>>) dst(%arg10 : memref<128x128xf32, #tpu.memory_space<vmem>>)
      %run_scoped3A_53 = arith.constant 15 : i32
      "tpu.region"() ({
        %run_scoped3A_54 = tpu.sem_alloc : memref<!tpu.dma_semaphore, #tpu.memory_space<semaphore_mem>>
        %dma_start3A_55 = arith.constant 0 : i32
        %dma_start3A_56 = tpu.memref_slice %arg8[%run_scoped3A_53, %dma_start3A_55] : memref<16x128xi32, #tpu.memory_space<vmem>> -> memref<1x128xi32, #tpu.memory_space<vmem>>
        %dma_start3A_57 = tpu.memref_squeeze %dma_start3A_56 : memref<1x128xi32, #tpu.memory_space<vmem>> -> memref<128xi32, #tpu.memory_space<vmem>>
        %dma_start3A_58 = arith.constant 0 : i32
        %dma_start3A_59 = arith.constant 0 : i32
        %dma_start3A_60 = tpu.memref_slice %arg11[%dma_start3A_58, %dma_start3A_59] : memref<10240x128xf32, #tpu.memory_space<vmem_shared>> -> memref<10240x128xf32, #tpu.memory_space<vmem_shared>>
        tpu.enqueue_indirect_dma source(%arg10 : memref<128x128xf32, #tpu.memory_space<vmem>>) target(%dma_start3A_60 : memref<10240x128xf32, #tpu.memory_space<vmem_shared>>) offsets(%dma_start3A_57 : memref<128xi32, #tpu.memory_space<vmem>>) semaphore(%run_scoped3A_54 : memref<!tpu.dma_semaphore, #tpu.memory_space<semaphore_mem>>) {add = true}
        %dma_wait3A_61 = arith.constant 0 : i32
        %dma_wait3A_62 = tpu.memref_slice %arg8[%run_scoped3A_53, %dma_wait3A_61] : memref<16x128xi32, #tpu.memory_space<vmem>> -> memref<1x128xi32, #tpu.memory_space<vmem>>
        %dma_wait3A_63 = tpu.memref_squeeze %dma_wait3A_62 : memref<1x128xi32, #tpu.memory_space<vmem>> -> memref<128xi32, #tpu.memory_space<vmem>>
        %dma_wait3A_64 = arith.constant 0 : i32
        %dma_wait3A_65 = arith.constant 0 : i32
        %dma_wait3A_66 = tpu.memref_slice %arg11[%dma_wait3A_64, %dma_wait3A_65] : memref<10240x128xf32, #tpu.memory_space<vmem_shared>> -> memref<10240x128xf32, #tpu.memory_space<vmem_shared>>
        tpu.wait_indirect_dma semaphore(%run_scoped3A_54 : memref<!tpu.dma_semaphore, #tpu.memory_space<semaphore_mem>>) src(%arg10 : memref<128x128xf32, #tpu.memory_space<vmem>>) dst(%dma_wait3A_66 : memref<10240x128xf32, #tpu.memory_space<vmem_shared>>)
        tpu.yield
      }) : () -> ()
    }
    %scan3A_5 = arith.constant 10 : i32
    %barrier3A_6 = arith.constant 0 : index
    tpu.barrier barrier_id(%barrier3A_6)
    %add3A = arith.constant 0 : i32
    %add3A_7 = arith.addi %mul3A_0, %add3A : i32
    "tpu.region"() ({
      %run_scoped3A = tpu.sem_alloc : memref<!tpu.dma_semaphore, #tpu.memory_space<semaphore_mem>>
      %dma_start3A = arith.constant 0 : i32
      %dma_start3A_16 = tpu.memref_slice %arg11[%add3A_7, %dma_start3A] : memref<10240x128xf32, #tpu.memory_space<vmem_shared>> -> memref<128x128xf32, #tpu.memory_space<vmem_shared>>
      %dma_start3A_17 = arith.constant 0 : i32
      %dma_start3A_18 = tpu.memref_slice %arg11[%add3A_7, %dma_start3A_17] : memref<10240x128xf32, #tpu.memory_space<vmem_shared>> -> memref<128x128xf32, #tpu.memory_space<vmem_shared>>
      tpu.enqueue_dma source(%dma_start3A_18 : memref<128x128xf32, #tpu.memory_space<vmem_shared>>) target(%arg9 : memref<128x128xf32, #tpu.memory_space<vmem>>) target_semaphore(%run_scoped3A : memref<!tpu.dma_semaphore, #tpu.memory_space<semaphore_mem>>)
      %dma_wait3A = arith.constant 0 : i32
      %dma_wait3A_19 = tpu.memref_slice %arg11[%add3A_7, %dma_wait3A] : memref<10240x128xf32, #tpu.memory_space<vmem_shared>> -> memref<128x128xf32, #tpu.memory_space<vmem_shared>>
      %dma_wait3A_20 = arith.constant 0 : i32
      %dma_wait3A_21 = tpu.memref_slice %arg11[%add3A_7, %dma_wait3A_20] : memref<10240x128xf32, #tpu.memory_space<vmem_shared>> -> memref<128x128xf32, #tpu.memory_space<vmem_shared>>
      tpu.wait_dma2 semaphore(%run_scoped3A : memref<!tpu.dma_semaphore, #tpu.memory_space<semaphore_mem>>) src(%dma_wait3A_21 : memref<128x128xf32, #tpu.memory_space<vmem_shared>>) dst(%arg9 : memref<128x128xf32, #tpu.memory_space<vmem>>)
      tpu.yield
    }) : () -> ()
    "tpu.region"() ({
      %run_scoped3A = tpu.sem_alloc : memref<!tpu.dma_semaphore, #tpu.memory_space<semaphore_mem>>
      %dma_start3A = arith.constant 0 : i32
      %dma_start3A_16 = tpu.memref_slice %arg6[%arg0, %add3A_7, %dma_start3A] : memref<2x10240x128xf32, #tpu.memory_space<hbm>> -> memref<1x128x128xf32, #tpu.memory_space<hbm>>
      %dma_start3A_17 = tpu.memref_squeeze %dma_start3A_16 : memref<1x128x128xf32, #tpu.memory_space<hbm>> -> memref<128x128xf32, #tpu.memory_space<hbm>>
      %dma_start3A_18 = arith.constant 0 : i32
      %dma_start3A_19 = tpu.memref_slice %arg6[%arg0, %add3A_7, %dma_start3A_18] : memref<2x10240x128xf32, #tpu.memory_space<hbm>> -> memref<1x128x128xf32, #tpu.memory_space<hbm>>
      %dma_start3A_20 = tpu.memref_squeeze %dma_start3A_19 : memref<1x128x128xf32, #tpu.memory_space<hbm>> -> memref<128x128xf32, #tpu.memory_space<hbm>>
      tpu.enqueue_dma source(%arg9 : memref<128x128xf32, #tpu.memory_space<vmem>>) target(%dma_start3A_20 : memref<128x128xf32, #tpu.memory_space<hbm>>) target_semaphore(%run_scoped3A : memref<!tpu.dma_semaphore, #tpu.memory_space<semaphore_mem>>)
      %dma_wait3A = arith.constant 0 : i32
      %dma_wait3A_21 = tpu.memref_slice %arg6[%arg0, %add3A_7, %dma_wait3A] : memref<2x10240x128xf32, #tpu.memory_space<hbm>> -> memref<1x128x128xf32, #tpu.memory_space<hbm>>
      %dma_wait3A_22 = tpu.memref_squeeze %dma_wait3A_21 : memref<1x128x128xf32, #tpu.memory_space<hbm>> -> memref<128x128xf32, #tpu.memory_space<hbm>>
      %dma_wait3A_23 = arith.constant 0 : i32
      %dma_wait3A_24 = tpu.memref_slice %arg6[%arg0, %add3A_7, %dma_wait3A_23] : memref<2x10240x128xf32, #tpu.memory_space<hbm>> -> memref<1x128x128xf32, #tpu.memory_space<hbm>>
      %dma_wait3A_25 = tpu.memref_squeeze %dma_wait3A_24 : memref<1x128x128xf32, #tpu.memory_space<hbm>> -> memref<128x128xf32, #tpu.memory_space<hbm>>
      tpu.wait_dma2 semaphore(%run_scoped3A : memref<!tpu.dma_semaphore, #tpu.memory_space<semaphore_mem>>) src(%arg9 : memref<128x128xf32, #tpu.memory_space<vmem>>) dst(%dma_wait3A_25 : memref<128x128xf32, #tpu.memory_space<hbm>>)
      tpu.yield
    }) : () -> ()
    %add3A_8 = arith.constant 128 : i32
    %add3A_9 = arith.addi %mul3A_0, %add3A_8 : i32
    "tpu.region"() ({
      %run_scoped3A = tpu.sem_alloc : memref<!tpu.dma_semaphore, #tpu.memory_space<semaphore_mem>>
      %dma_start3A = arith.constant 0 : i32
      %dma_start3A_16 = tpu.memref_slice %arg11[%add3A_9, %dma_start3A] : memref<10240x128xf32, #tpu.memory_space<vmem_shared>> -> memref<128x128xf32, #tpu.memory_space<vmem_shared>>
      %dma_start3A_17 = arith.constant 0 : i32
      %dma_start3A_18 = tpu.memref_slice %arg11[%add3A_9, %dma_start3A_17] : memref<10240x128xf32, #tpu.memory_space<vmem_shared>> -> memref<128x128xf32, #tpu.memory_space<vmem_shared>>
      tpu.enqueue_dma source(%dma_start3A_18 : memref<128x128xf32, #tpu.memory_space<vmem_shared>>) target(%arg9 : memref<128x128xf32, #tpu.memory_space<vmem>>) target_semaphore(%run_scoped3A : memref<!tpu.dma_semaphore, #tpu.memory_space<semaphore_mem>>)
      %dma_wait3A = arith.constant 0 : i32
      %dma_wait3A_19 = tpu.memref_slice %arg11[%add3A_9, %dma_wait3A] : memref<10240x128xf32, #tpu.memory_space<vmem_shared>> -> memref<128x128xf32, #tpu.memory_space<vmem_shared>>
      %dma_wait3A_20 = arith.constant 0 : i32
      %dma_wait3A_21 = tpu.memref_slice %arg11[%add3A_9, %dma_wait3A_20] : memref<10240x128xf32, #tpu.memory_space<vmem_shared>> -> memref<128x128xf32, #tpu.memory_space<vmem_shared>>
      tpu.wait_dma2 semaphore(%run_scoped3A : memref<!tpu.dma_semaphore, #tpu.memory_space<semaphore_mem>>) src(%dma_wait3A_21 : memref<128x128xf32, #tpu.memory_space<vmem_shared>>) dst(%arg9 : memref<128x128xf32, #tpu.memory_space<vmem>>)
      tpu.yield
    }) : () -> ()
    "tpu.region"() ({
      %run_scoped3A = tpu.sem_alloc : memref<!tpu.dma_semaphore, #tpu.memory_space<semaphore_mem>>
      %dma_start3A = arith.constant 0 : i32
      %dma_start3A_16 = tpu.memref_slice %arg6[%arg0, %add3A_9, %dma_start3A] : memref<2x10240x128xf32, #tpu.memory_space<hbm>> -> memref<1x128x128xf32, #tpu.memory_space<hbm>>
      %dma_start3A_17 = tpu.memref_squeeze %dma_start3A_16 : memref<1x128x128xf32, #tpu.memory_space<hbm>> -> memref<128x128xf32, #tpu.memory_space<hbm>>
      %dma_start3A_18 = arith.constant 0 : i32
      %dma_start3A_19 = tpu.memref_slice %arg6[%arg0, %add3A_9, %dma_start3A_18] : memref<2x10240x128xf32, #tpu.memory_space<hbm>> -> memref<1x128x128xf32, #tpu.memory_space<hbm>>
      %dma_start3A_20 = tpu.memref_squeeze %dma_start3A_19 : memref<1x128x128xf32, #tpu.memory_space<hbm>> -> memref<128x128xf32, #tpu.memory_space<hbm>>
      tpu.enqueue_dma source(%arg9 : memref<128x128xf32, #tpu.memory_space<vmem>>) target(%dma_start3A_20 : memref<128x128xf32, #tpu.memory_space<hbm>>) target_semaphore(%run_scoped3A : memref<!tpu.dma_semaphore, #tpu.memory_space<semaphore_mem>>)
      %dma_wait3A = arith.constant 0 : i32
      %dma_wait3A_21 = tpu.memref_slice %arg6[%arg0, %add3A_9, %dma_wait3A] : memref<2x10240x128xf32, #tpu.memory_space<hbm>> -> memref<1x128x128xf32, #tpu.memory_space<hbm>>
      %dma_wait3A_22 = tpu.memref_squeeze %dma_wait3A_21 : memref<1x128x128xf32, #tpu.memory_space<hbm>> -> memref<128x128xf32, #tpu.memory_space<hbm>>
      %dma_wait3A_23 = arith.constant 0 : i32
      %dma_wait3A_24 = tpu.memref_slice %arg6[%arg0, %add3A_9, %dma_wait3A_23] : memref<2x10240x128xf32, #tpu.memory_space<hbm>> -> memref<1x128x128xf32, #tpu.memory_space<hbm>>
      %dma_wait3A_25 = tpu.memref_squeeze %dma_wait3A_24 : memref<1x128x128xf32, #tpu.memory_space<hbm>> -> memref<128x128xf32, #tpu.memory_space<hbm>>
      tpu.wait_dma2 semaphore(%run_scoped3A : memref<!tpu.dma_semaphore, #tpu.memory_space<semaphore_mem>>) src(%arg9 : memref<128x128xf32, #tpu.memory_space<vmem>>) dst(%dma_wait3A_25 : memref<128x128xf32, #tpu.memory_space<hbm>>)
      tpu.yield
    }) : () -> ()
    %add3A_10 = arith.constant 256 : i32
    %add3A_11 = arith.addi %mul3A_0, %add3A_10 : i32
    "tpu.region"() ({
      %run_scoped3A = tpu.sem_alloc : memref<!tpu.dma_semaphore, #tpu.memory_space<semaphore_mem>>
      %dma_start3A = arith.constant 0 : i32
      %dma_start3A_16 = tpu.memref_slice %arg11[%add3A_11, %dma_start3A] : memref<10240x128xf32, #tpu.memory_space<vmem_shared>> -> memref<128x128xf32, #tpu.memory_space<vmem_shared>>
      %dma_start3A_17 = arith.constant 0 : i32
      %dma_start3A_18 = tpu.memref_slice %arg11[%add3A_11, %dma_start3A_17] : memref<10240x128xf32, #tpu.memory_space<vmem_shared>> -> memref<128x128xf32, #tpu.memory_space<vmem_shared>>
      tpu.enqueue_dma source(%dma_start3A_18 : memref<128x128xf32, #tpu.memory_space<vmem_shared>>) target(%arg9 : memref<128x128xf32, #tpu.memory_space<vmem>>) target_semaphore(%run_scoped3A : memref<!tpu.dma_semaphore, #tpu.memory_space<semaphore_mem>>)
      %dma_wait3A = arith.constant 0 : i32
      %dma_wait3A_19 = tpu.memref_slice %arg11[%add3A_11, %dma_wait3A] : memref<10240x128xf32, #tpu.memory_space<vmem_shared>> -> memref<128x128xf32, #tpu.memory_space<vmem_shared>>
      %dma_wait3A_20 = arith.constant 0 : i32
      %dma_wait3A_21 = tpu.memref_slice %arg11[%add3A_11, %dma_wait3A_20] : memref<10240x128xf32, #tpu.memory_space<vmem_shared>> -> memref<128x128xf32, #tpu.memory_space<vmem_shared>>
      tpu.wait_dma2 semaphore(%run_scoped3A : memref<!tpu.dma_semaphore, #tpu.memory_space<semaphore_mem>>) src(%dma_wait3A_21 : memref<128x128xf32, #tpu.memory_space<vmem_shared>>) dst(%arg9 : memref<128x128xf32, #tpu.memory_space<vmem>>)
      tpu.yield
    }) : () -> ()
    "tpu.region"() ({
      %run_scoped3A = tpu.sem_alloc : memref<!tpu.dma_semaphore, #tpu.memory_space<semaphore_mem>>
      %dma_start3A = arith.constant 0 : i32
      %dma_start3A_16 = tpu.memref_slice %arg6[%arg0, %add3A_11, %dma_start3A] : memref<2x10240x128xf32, #tpu.memory_space<hbm>> -> memref<1x128x128xf32, #tpu.memory_space<hbm>>
      %dma_start3A_17 = tpu.memref_squeeze %dma_start3A_16 : memref<1x128x128xf32, #tpu.memory_space<hbm>> -> memref<128x128xf32, #tpu.memory_space<hbm>>
      %dma_start3A_18 = arith.constant 0 : i32
      %dma_start3A_19 = tpu.memref_slice %arg6[%arg0, %add3A_11, %dma_start3A_18] : memref<2x10240x128xf32, #tpu.memory_space<hbm>> -> memref<1x128x128xf32, #tpu.memory_space<hbm>>
      %dma_start3A_20 = tpu.memref_squeeze %dma_start3A_19 : memref<1x128x128xf32, #tpu.memory_space<hbm>> -> memref<128x128xf32, #tpu.memory_space<hbm>>
      tpu.enqueue_dma source(%arg9 : memref<128x128xf32, #tpu.memory_space<vmem>>) target(%dma_start3A_20 : memref<128x128xf32, #tpu.memory_space<hbm>>) target_semaphore(%run_scoped3A : memref<!tpu.dma_semaphore, #tpu.memory_space<semaphore_mem>>)
      %dma_wait3A = arith.constant 0 : i32
      %dma_wait3A_21 = tpu.memref_slice %arg6[%arg0, %add3A_11, %dma_wait3A] : memref<2x10240x128xf32, #tpu.memory_space<hbm>> -> memref<1x128x128xf32, #tpu.memory_space<hbm>>
      %dma_wait3A_22 = tpu.memref_squeeze %dma_wait3A_21 : memref<1x128x128xf32, #tpu.memory_space<hbm>> -> memref<128x128xf32, #tpu.memory_space<hbm>>
      %dma_wait3A_23 = arith.constant 0 : i32
      %dma_wait3A_24 = tpu.memref_slice %arg6[%arg0, %add3A_11, %dma_wait3A_23] : memref<2x10240x128xf32, #tpu.memory_space<hbm>> -> memref<1x128x128xf32, #tpu.memory_space<hbm>>
      %dma_wait3A_25 = tpu.memref_squeeze %dma_wait3A_24 : memref<1x128x128xf32, #tpu.memory_space<hbm>> -> memref<128x128xf32, #tpu.memory_space<hbm>>
      tpu.wait_dma2 semaphore(%run_scoped3A : memref<!tpu.dma_semaphore, #tpu.memory_space<semaphore_mem>>) src(%arg9 : memref<128x128xf32, #tpu.memory_space<vmem>>) dst(%dma_wait3A_25 : memref<128x128xf32, #tpu.memory_space<hbm>>)
      tpu.yield
    }) : () -> ()
    %add3A_12 = arith.constant 384 : i32
    %add3A_13 = arith.addi %mul3A_0, %add3A_12 : i32
    "tpu.region"() ({
      %run_scoped3A = tpu.sem_alloc : memref<!tpu.dma_semaphore, #tpu.memory_space<semaphore_mem>>
      %dma_start3A = arith.constant 0 : i32
      %dma_start3A_16 = tpu.memref_slice %arg11[%add3A_13, %dma_start3A] : memref<10240x128xf32, #tpu.memory_space<vmem_shared>> -> memref<128x128xf32, #tpu.memory_space<vmem_shared>>
      %dma_start3A_17 = arith.constant 0 : i32
      %dma_start3A_18 = tpu.memref_slice %arg11[%add3A_13, %dma_start3A_17] : memref<10240x128xf32, #tpu.memory_space<vmem_shared>> -> memref<128x128xf32, #tpu.memory_space<vmem_shared>>
      tpu.enqueue_dma source(%dma_start3A_18 : memref<128x128xf32, #tpu.memory_space<vmem_shared>>) target(%arg9 : memref<128x128xf32, #tpu.memory_space<vmem>>) target_semaphore(%run_scoped3A : memref<!tpu.dma_semaphore, #tpu.memory_space<semaphore_mem>>)
      %dma_wait3A = arith.constant 0 : i32
      %dma_wait3A_19 = tpu.memref_slice %arg11[%add3A_13, %dma_wait3A] : memref<10240x128xf32, #tpu.memory_space<vmem_shared>> -> memref<128x128xf32, #tpu.memory_space<vmem_shared>>
      %dma_wait3A_20 = arith.constant 0 : i32
      %dma_wait3A_21 = tpu.memref_slice %arg11[%add3A_13, %dma_wait3A_20] : memref<10240x128xf32, #tpu.memory_space<vmem_shared>> -> memref<128x128xf32, #tpu.memory_space<vmem_shared>>
      tpu.wait_dma2 semaphore(%run_scoped3A : memref<!tpu.dma_semaphore, #tpu.memory_space<semaphore_mem>>) src(%dma_wait3A_21 : memref<128x128xf32, #tpu.memory_space<vmem_shared>>) dst(%arg9 : memref<128x128xf32, #tpu.memory_space<vmem>>)
      tpu.yield
    }) : () -> ()
    "tpu.region"() ({
      %run_scoped3A = tpu.sem_alloc : memref<!tpu.dma_semaphore, #tpu.memory_space<semaphore_mem>>
      %dma_start3A = arith.constant 0 : i32
      %dma_start3A_16 = tpu.memref_slice %arg6[%arg0, %add3A_13, %dma_start3A] : memref<2x10240x128xf32, #tpu.memory_space<hbm>> -> memref<1x128x128xf32, #tpu.memory_space<hbm>>
      %dma_start3A_17 = tpu.memref_squeeze %dma_start3A_16 : memref<1x128x128xf32, #tpu.memory_space<hbm>> -> memref<128x128xf32, #tpu.memory_space<hbm>>
      %dma_start3A_18 = arith.constant 0 : i32
      %dma_start3A_19 = tpu.memref_slice %arg6[%arg0, %add3A_13, %dma_start3A_18] : memref<2x10240x128xf32, #tpu.memory_space<hbm>> -> memref<1x128x128xf32, #tpu.memory_space<hbm>>
      %dma_start3A_20 = tpu.memref_squeeze %dma_start3A_19 : memref<1x128x128xf32, #tpu.memory_space<hbm>> -> memref<128x128xf32, #tpu.memory_space<hbm>>
      tpu.enqueue_dma source(%arg9 : memref<128x128xf32, #tpu.memory_space<vmem>>) target(%dma_start3A_20 : memref<128x128xf32, #tpu.memory_space<hbm>>) target_semaphore(%run_scoped3A : memref<!tpu.dma_semaphore, #tpu.memory_space<semaphore_mem>>)
      %dma_wait3A = arith.constant 0 : i32
      %dma_wait3A_21 = tpu.memref_slice %arg6[%arg0, %add3A_13, %dma_wait3A] : memref<2x10240x128xf32, #tpu.memory_space<hbm>> -> memref<1x128x128xf32, #tpu.memory_space<hbm>>
      %dma_wait3A_22 = tpu.memref_squeeze %dma_wait3A_21 : memref<1x128x128xf32, #tpu.memory_space<hbm>> -> memref<128x128xf32, #tpu.memory_space<hbm>>
      %dma_wait3A_23 = arith.constant 0 : i32
      %dma_wait3A_24 = tpu.memref_slice %arg6[%arg0, %add3A_13, %dma_wait3A_23] : memref<2x10240x128xf32, #tpu.memory_space<hbm>> -> memref<1x128x128xf32, #tpu.memory_space<hbm>>
      %dma_wait3A_25 = tpu.memref_squeeze %dma_wait3A_24 : memref<1x128x128xf32, #tpu.memory_space<hbm>> -> memref<128x128xf32, #tpu.memory_space<hbm>>
      tpu.wait_dma2 semaphore(%run_scoped3A : memref<!tpu.dma_semaphore, #tpu.memory_space<semaphore_mem>>) src(%arg9 : memref<128x128xf32, #tpu.memory_space<vmem>>) dst(%dma_wait3A_25 : memref<128x128xf32, #tpu.memory_space<hbm>>)
      tpu.yield
    }) : () -> ()
    %add3A_14 = arith.constant 512 : i32
    %add3A_15 = arith.addi %mul3A_0, %add3A_14 : i32
    "tpu.region"() ({
      %run_scoped3A = tpu.sem_alloc : memref<!tpu.dma_semaphore, #tpu.memory_space<semaphore_mem>>
      %dma_start3A = arith.constant 0 : i32
      %dma_start3A_16 = tpu.memref_slice %arg11[%add3A_15, %dma_start3A] : memref<10240x128xf32, #tpu.memory_space<vmem_shared>> -> memref<128x128xf32, #tpu.memory_space<vmem_shared>>
      %dma_start3A_17 = arith.constant 0 : i32
      %dma_start3A_18 = tpu.memref_slice %arg11[%add3A_15, %dma_start3A_17] : memref<10240x128xf32, #tpu.memory_space<vmem_shared>> -> memref<128x128xf32, #tpu.memory_space<vmem_shared>>
      tpu.enqueue_dma source(%dma_start3A_18 : memref<128x128xf32, #tpu.memory_space<vmem_shared>>) target(%arg9 : memref<128x128xf32, #tpu.memory_space<vmem>>) target_semaphore(%run_scoped3A : memref<!tpu.dma_semaphore, #tpu.memory_space<semaphore_mem>>)
      %dma_wait3A = arith.constant 0 : i32
      %dma_wait3A_19 = tpu.memref_slice %arg11[%add3A_15, %dma_wait3A] : memref<10240x128xf32, #tpu.memory_space<vmem_shared>> -> memref<128x128xf32, #tpu.memory_space<vmem_shared>>
      %dma_wait3A_20 = arith.constant 0 : i32
      %dma_wait3A_21 = tpu.memref_slice %arg11[%add3A_15, %dma_wait3A_20] : memref<10240x128xf32, #tpu.memory_space<vmem_shared>> -> memref<128x128xf32, #tpu.memory_space<vmem_shared>>
      tpu.wait_dma2 semaphore(%run_scoped3A : memref<!tpu.dma_semaphore, #tpu.memory_space<semaphore_mem>>) src(%dma_wait3A_21 : memref<128x128xf32, #tpu.memory_space<vmem_shared>>) dst(%arg9 : memref<128x128xf32, #tpu.memory_space<vmem>>)
      tpu.yield
    }) : () -> ()
    "tpu.region"() ({
      %run_scoped3A = tpu.sem_alloc : memref<!tpu.dma_semaphore, #tpu.memory_space<semaphore_mem>>
      %dma_start3A = arith.constant 0 : i32
      %dma_start3A_16 = tpu.memref_slice %arg6[%arg0, %add3A_15, %dma_start3A] : memref<2x10240x128xf32, #tpu.memory_space<hbm>> -> memref<1x128x128xf32, #tpu.memory_space<hbm>>
      %dma_start3A_17 = tpu.memref_squeeze %dma_start3A_16 : memref<1x128x128xf32, #tpu.memory_space<hbm>> -> memref<128x128xf32, #tpu.memory_space<hbm>>
      %dma_start3A_18 = arith.constant 0 : i32
      %dma_start3A_19 = tpu.memref_slice %arg6[%arg0, %add3A_15, %dma_start3A_18] : memref<2x10240x128xf32, #tpu.memory_space<hbm>> -> memref<1x128x128xf32, #tpu.memory_space<hbm>>
      %dma_start3A_20 = tpu.memref_squeeze %dma_start3A_19 : memref<1x128x128xf32, #tpu.memory_space<hbm>> -> memref<128x128xf32, #tpu.memory_space<hbm>>
      tpu.enqueue_dma source(%arg9 : memref<128x128xf32, #tpu.memory_space<vmem>>) target(%dma_start3A_20 : memref<128x128xf32, #tpu.memory_space<hbm>>) target_semaphore(%run_scoped3A : memref<!tpu.dma_semaphore, #tpu.memory_space<semaphore_mem>>)
      %dma_wait3A = arith.constant 0 : i32
      %dma_wait3A_21 = tpu.memref_slice %arg6[%arg0, %add3A_15, %dma_wait3A] : memref<2x10240x128xf32, #tpu.memory_space<hbm>> -> memref<1x128x128xf32, #tpu.memory_space<hbm>>
      %dma_wait3A_22 = tpu.memref_squeeze %dma_wait3A_21 : memref<1x128x128xf32, #tpu.memory_space<hbm>> -> memref<128x128xf32, #tpu.memory_space<hbm>>
      %dma_wait3A_23 = arith.constant 0 : i32
      %dma_wait3A_24 = tpu.memref_slice %arg6[%arg0, %add3A_15, %dma_wait3A_23] : memref<2x10240x128xf32, #tpu.memory_space<hbm>> -> memref<1x128x128xf32, #tpu.memory_space<hbm>>
      %dma_wait3A_25 = tpu.memref_squeeze %dma_wait3A_24 : memref<1x128x128xf32, #tpu.memory_space<hbm>> -> memref<128x128xf32, #tpu.memory_space<hbm>>
      tpu.wait_dma2 semaphore(%run_scoped3A : memref<!tpu.dma_semaphore, #tpu.memory_space<semaphore_mem>>) src(%arg9 : memref<128x128xf32, #tpu.memory_space<vmem>>) dst(%dma_wait3A_25 : memref<128x128xf32, #tpu.memory_space<hbm>>)
      tpu.yield
    }) : () -> ()
    return
  }
}

module attributes {stable_mosaic.version = 14 : i64} {
  func.func @_prep_body(%arg0: i32, %arg1: i32, %arg2: memref<1x1000x128xf32, #tpu.memory_space<vmem>>, %arg3: memref<1x1000x128xf32, #tpu.memory_space<vmem>>, %arg4: memref<1x1000x128xf32, #tpu.memory_space<vmem>>, %arg5: memref<1x128x128xf32, #tpu.memory_space<vmem>>, %arg6: memref<1x1x128xf32, #tpu.memory_space<vmem>>, %arg7: memref<1x128x128xf32, #tpu.memory_space<vmem>>, %arg8: memref<1x1x128xf32, #tpu.memory_space<vmem>>, %arg9: memref<1x128x32xf32, #tpu.memory_space<vmem>>, %arg10: memref<1x1x32xf32, #tpu.memory_space<vmem>>, %arg11: memref<32x32xf32, #tpu.memory_space<vmem>>, %arg12: memref<1x32xf32, #tpu.memory_space<vmem>>, %arg13: memref<32x128xf32, #tpu.memory_space<vmem>>, %arg14: memref<1x2x8x128xf32, #tpu.memory_space<vmem>>) attributes {dimension_semantics = [#tpu.dimension_semantics<arbitrary>, #tpu.dimension_semantics<arbitrary>], iteration_bounds = array<i64: 2, 10>, scalar_prefetch = 0 : i64, scratch_operands = 0 : i64, tpu.core_type = #tpu.core_type<tc>, window_params = [{transform_indices = @transform_0, window_bounds = array<i64: 1, 1000, 128>}, {transform_indices = @transform_1, window_bounds = array<i64: 1, 1000, 128>}, {transform_indices = @transform_2, window_bounds = array<i64: 1, 1000, 128>}, {transform_indices = @transform_3, window_bounds = array<i64: 1, 128, 128>}, {transform_indices = @transform_4, window_bounds = array<i64: 1, 1, 128>}, {transform_indices = @transform_5, window_bounds = array<i64: 1, 128, 128>}, {transform_indices = @transform_6, window_bounds = array<i64: 1, 1, 128>}, {transform_indices = @transform_7, window_bounds = array<i64: 1, 128, 32>}, {transform_indices = @transform_8, window_bounds = array<i64: 1, 1, 32>}, {pipeline_mode = #tpu.pipeline_mode<synchronous>, transform_indices = @transform_9, window_bounds = array<i64: 32, 32>}, {pipeline_mode = #tpu.pipeline_mode<synchronous>, transform_indices = @transform_10, window_bounds = array<i64: 1, 32>}, {pipeline_mode = #tpu.pipeline_mode<synchronous>, transform_indices = @transform_11, window_bounds = array<i64: 32, 128>}, {transform_indices = @transform_12, window_bounds = array<i64: 1, 2, 8, 128>}]} {
    %get3A = arith.constant 0 : index
    %get3A_0 = arith.constant 0 : index
    %get3A_1 = arith.constant 0 : index
    %get3A_2 = vector.load %arg2[%get3A, %get3A_0, %get3A_1] : memref<1x1000x128xf32, #tpu.memory_space<vmem>>, vector<1x1000x128xf32>
    %get3A_3 = vector.shape_cast %get3A_2 : vector<1x1000x128xf32> to vector<1000x128xf32>
    %get3A_4 = arith.constant 0 : index
    %get3A_5 = arith.constant 0 : index
    %get3A_6 = arith.constant 0 : index
    %get3A_7 = vector.load %arg5[%get3A_4, %get3A_5, %get3A_6] : memref<1x128x128xf32, #tpu.memory_space<vmem>>, vector<1x128x128xf32>
    %get3A_8 = vector.shape_cast %get3A_7 : vector<1x128x128xf32> to vector<128x128xf32>
    %dot_general3A = arith.constant dense<0.000000e+00> : vector<1000x128xf32>
    %dot_general3A_9 = tpu.matmul %get3A_3, %get3A_8, %dot_general3A {dimension_numbers = #tpu.dot_dimension_numbers<[1], [0], [0], [1], [0, 0, 1, 1], [], []>, transpose_lhs_hint = false} : vector<1000x128xf32>, vector<128x128xf32>, vector<1000x128xf32> -> vector<1000x128xf32>
    %get3A_10 = arith.constant 0 : index
    %get3A_11 = arith.constant 0 : index
    %get3A_12 = arith.constant 0 : index
    %get3A_13 = vector.load %arg6[%get3A_10, %get3A_11, %get3A_12] : memref<1x1x128xf32, #tpu.memory_space<vmem>>, vector<1x1x128xf32>
    %get3A_14 = vector.shape_cast %get3A_13 : vector<1x1x128xf32> to vector<1x128xf32>
    %add3A = vector.broadcast %get3A_14 : vector<1x128xf32> to vector<1000x128xf32>
    %add3A_15 = arith.addf %dot_general3A_9, %add3A : vector<1000x128xf32>
    %get3A_16 = arith.constant 0 : index
    %get3A_17 = arith.constant 0 : index
    %get3A_18 = arith.constant 0 : index
    %get3A_19 = vector.load %arg4[%get3A_16, %get3A_17, %get3A_18] : memref<1x1000x128xf32, #tpu.memory_space<vmem>>, vector<1x1000x128xf32>
    %get3A_20 = vector.shape_cast %get3A_19 : vector<1x1000x128xf32> to vector<1000x128xf32>
    %slice3A = vector.extract_strided_slice %get3A_20 {offsets = [0, 0], sizes = [1000, 1], strides = [1, 1]} : vector<1000x128xf32> to vector<1000x1xf32>
    %max3A = arith.constant 1.000000e+00 : f32
    %max3A_21 = vector.broadcast %max3A : f32 to vector<1000x1xf32>
    %max3A_22 = arith.maximumf %slice3A, %max3A_21 : vector<1000x1xf32>
    %get3A_23 = arith.constant 0 : index
    %get3A_24 = arith.constant 0 : index
    %get3A_25 = arith.constant 0 : index
    %get3A_26 = vector.load %arg3[%get3A_23, %get3A_24, %get3A_25] : memref<1x1000x128xf32, #tpu.memory_space<vmem>>, vector<1x1000x128xf32>
    %get3A_27 = vector.shape_cast %get3A_26 : vector<1x1000x128xf32> to vector<1000x128xf32>
    %div3A = vector.broadcast %max3A_22 : vector<1000x1xf32> to vector<1000x128xf32>
    %div3A_28 = arith.divf %get3A_27, %div3A : vector<1000x128xf32>
    %get3A_29 = arith.constant 0 : index
    %get3A_30 = arith.constant 0 : index
    %get3A_31 = arith.constant 0 : index
    %get3A_32 = vector.load %arg7[%get3A_29, %get3A_30, %get3A_31] : memref<1x128x128xf32, #tpu.memory_space<vmem>>, vector<1x128x128xf32>
    %get3A_33 = vector.shape_cast %get3A_32 : vector<1x128x128xf32> to vector<128x128xf32>
    %dot_general3A_34 = arith.constant dense<0.000000e+00> : vector<1000x128xf32>
    %dot_general3A_35 = tpu.matmul %div3A_28, %get3A_33, %dot_general3A_34 {dimension_numbers = #tpu.dot_dimension_numbers<[1], [0], [0], [1], [0, 0, 1, 1], [], []>, transpose_lhs_hint = false} : vector<1000x128xf32>, vector<128x128xf32>, vector<1000x128xf32> -> vector<1000x128xf32>
    %get3A_36 = arith.constant 0 : index
    %get3A_37 = arith.constant 0 : index
    %get3A_38 = arith.constant 0 : index
    %get3A_39 = vector.load %arg8[%get3A_36, %get3A_37, %get3A_38] : memref<1x1x128xf32, #tpu.memory_space<vmem>>, vector<1x1x128xf32>
    %get3A_40 = vector.shape_cast %get3A_39 : vector<1x1x128xf32> to vector<1x128xf32>
    %add3A_41 = vector.broadcast %get3A_40 : vector<1x128xf32> to vector<1000x128xf32>
    %add3A_42 = arith.addf %dot_general3A_35, %add3A_41 : vector<1000x128xf32>
    %get3A_43 = arith.constant 0 : index
    %get3A_44 = arith.constant 0 : index
    %get3A_45 = arith.constant 0 : index
    %get3A_46 = vector.load %arg9[%get3A_43, %get3A_44, %get3A_45] : memref<1x128x32xf32, #tpu.memory_space<vmem>>, vector<1x128x32xf32>
    %get3A_47 = vector.shape_cast %get3A_46 : vector<1x128x32xf32> to vector<128x32xf32>
    %get3A_48 = arith.constant 0 : index
    %get3A_49 = arith.constant 0 : index
    %get3A_50 = arith.constant 0 : index
    %get3A_51 = vector.load %arg10[%get3A_48, %get3A_49, %get3A_50] : memref<1x1x32xf32, #tpu.memory_space<vmem>>, vector<1x1x32xf32>
    %get3A_52 = vector.shape_cast %get3A_51 : vector<1x1x32xf32> to vector<1x32xf32>
    %get3A_53 = arith.constant 0 : index
    %get3A_54 = arith.constant 0 : index
    %get3A_55 = vector.load %arg11[%get3A_53, %get3A_54] : memref<32x32xf32, #tpu.memory_space<vmem>>, vector<32x32xf32>
    %get3A_56 = arith.constant 0 : index
    %get3A_57 = arith.constant 0 : index
    %get3A_58 = vector.load %arg12[%get3A_56, %get3A_57] : memref<1x32xf32, #tpu.memory_space<vmem>>, vector<1x32xf32>
    %get3A_59 = arith.constant 0 : index
    %get3A_60 = arith.constant 0 : index
    %get3A_61 = vector.load %arg13[%get3A_59, %get3A_60] : memref<32x128xf32, #tpu.memory_space<vmem>>, vector<32x128xf32>
    %dot_general3A_62 = arith.constant dense<0.000000e+00> : vector<1000x32xf32>
    %dot_general3A_63 = tpu.matmul %add3A_15, %get3A_47, %dot_general3A_62 {dimension_numbers = #tpu.dot_dimension_numbers<[1], [0], [0], [1], [0, 0, 1, 1], [], []>, transpose_lhs_hint = false} : vector<1000x128xf32>, vector<128x32xf32>, vector<1000x32xf32> -> vector<1000x32xf32>
    %add3A_64 = vector.broadcast %get3A_52 : vector<1x32xf32> to vector<1000x32xf32>
    %add3A_65 = arith.addf %dot_general3A_63, %add3A_64 : vector<1000x32xf32>
    %dot_general3A_66 = arith.constant dense<0.000000e+00> : vector<1000x32xf32>
    %dot_general3A_67 = tpu.matmul %add3A_65, %get3A_55, %dot_general3A_66 {dimension_numbers = #tpu.dot_dimension_numbers<[1], [0], [0], [1], [0, 0, 1, 1], [], []>, transpose_lhs_hint = false} : vector<1000x32xf32>, vector<32x32xf32>, vector<1000x32xf32> -> vector<1000x32xf32>
    %add3A_68 = vector.broadcast %get3A_58 : vector<1x32xf32> to vector<1000x32xf32>
    %add3A_69 = arith.addf %dot_general3A_67, %add3A_68 : vector<1000x32xf32>
    %tanh3A = math.tanh %add3A_69 : vector<1000x32xf32>
    %dot_general3A_70 = arith.constant dense<0.000000e+00> : vector<1000x128xf32>
    %dot_general3A_71 = tpu.matmul %tanh3A, %get3A_61, %dot_general3A_70 {dimension_numbers = #tpu.dot_dimension_numbers<[1], [0], [0], [1], [0, 0, 1, 1], [], []>, transpose_lhs_hint = false} : vector<1000x32xf32>, vector<32x128xf32>, vector<1000x128xf32> -> vector<1000x128xf32>
    %reduce_sum3A = vector.shape_cast %dot_general3A_71 : vector<1000x128xf32> to vector<1x1000x128xf32>
    %reduce_sum3A_72 = arith.constant dense<0.000000e+00> : vector<1xf32>
    %reduce_sum3A_73 = vector.multi_reduction <add>, %reduce_sum3A, %reduce_sum3A_72 [1, 2] : vector<1x1000x128xf32> to vector<1xf32>
    %reduce_sum3A_74 = vector.shape_cast %reduce_sum3A_73 : vector<1xf32> to vector<1x1x1xf32>
    %reduce_sum3A_75 = vector.extract %reduce_sum3A_74[0, 0, 0] : f32 from vector<1x1x1xf32>
    %dot_general3A_76 = arith.constant dense<0.000000e+00> : vector<1000x32xf32>
    %dot_general3A_77 = tpu.matmul %add3A_42, %get3A_47, %dot_general3A_76 {dimension_numbers = #tpu.dot_dimension_numbers<[1], [0], [0], [1], [0, 0, 1, 1], [], []>, transpose_lhs_hint = false} : vector<1000x128xf32>, vector<128x32xf32>, vector<1000x32xf32> -> vector<1000x32xf32>
    %add3A_78 = vector.broadcast %get3A_52 : vector<1x32xf32> to vector<1000x32xf32>
    %add3A_79 = arith.addf %dot_general3A_77, %add3A_78 : vector<1000x32xf32>
    %dot_general3A_80 = arith.constant dense<0.000000e+00> : vector<1000x32xf32>
    %dot_general3A_81 = tpu.matmul %add3A_79, %get3A_55, %dot_general3A_80 {dimension_numbers = #tpu.dot_dimension_numbers<[1], [0], [0], [1], [0, 0, 1, 1], [], []>, transpose_lhs_hint = false} : vector<1000x32xf32>, vector<32x32xf32>, vector<1000x32xf32> -> vector<1000x32xf32>
    %add3A_82 = vector.broadcast %get3A_58 : vector<1x32xf32> to vector<1000x32xf32>
    %add3A_83 = arith.addf %dot_general3A_81, %add3A_82 : vector<1000x32xf32>
    %tanh3A_84 = math.tanh %add3A_83 : vector<1000x32xf32>
    %dot_general3A_85 = arith.constant dense<0.000000e+00> : vector<1000x128xf32>
    %dot_general3A_86 = tpu.matmul %tanh3A_84, %get3A_61, %dot_general3A_85 {dimension_numbers = #tpu.dot_dimension_numbers<[1], [0], [0], [1], [0, 0, 1, 1], [], []>, transpose_lhs_hint = false} : vector<1000x32xf32>, vector<32x128xf32>, vector<1000x128xf32> -> vector<1000x128xf32>
    %reduce_sum3A_87 = vector.shape_cast %dot_general3A_86 : vector<1000x128xf32> to vector<1x1000x128xf32>
    %reduce_sum3A_88 = arith.constant dense<0.000000e+00> : vector<1xf32>
    %reduce_sum3A_89 = vector.multi_reduction <add>, %reduce_sum3A_87, %reduce_sum3A_88 [1, 2] : vector<1x1000x128xf32> to vector<1xf32>
    %reduce_sum3A_90 = vector.shape_cast %reduce_sum3A_89 : vector<1xf32> to vector<1x1x1xf32>
    %reduce_sum3A_91 = vector.extract %reduce_sum3A_90[0, 0, 0] : f32 from vector<1x1x1xf32>
    %eq3A = arith.constant 0 : i32
    %eq3A_92 = arith.cmpi eq, %arg1, %eq3A : i32
    %convert_element_type3A = arith.extui %eq3A_92 : i1 to i32
    %cond3A = arith.constant 0 : i32
    %cond3A_93 = arith.cmpi ne, %convert_element_type3A, %cond3A : i32
    scf.if %cond3A_93 {
      %broadcast_in_dim3A = arith.constant 0.000000e+00 : f32
      %broadcast_in_dim3A_123 = vector.broadcast %broadcast_in_dim3A : f32 to vector<1x2x8x128xf32>
      %swap3A_124 = arith.constant 0 : index
      %swap3A_125 = arith.constant 0 : index
      %swap3A_126 = arith.constant 0 : index
      %swap3A_127 = arith.constant 0 : index
      %swap3A_128 = vector.load %arg14[%swap3A_124, %swap3A_125, %swap3A_126, %swap3A_127] : memref<1x2x8x128xf32, #tpu.memory_space<vmem>>, vector<1x2x8x128xf32>
      tpu.vector_store %arg14[%swap3A_124, %swap3A_125, %swap3A_126, %swap3A_127], %broadcast_in_dim3A_123 {strides = array<i32>} : memref<1x2x8x128xf32, #tpu.memory_space<vmem>>, vector<1x2x8x128xf32>,
    } else {
    }
    %get3A_94 = arith.constant 0 : index
    %get3A_95 = arith.constant 0 : index
    %get3A_96 = arith.constant 0 : index
    %get3A_97 = arith.constant 0 : index
    %get3A_98 = vector.load %arg14[%get3A_94, %get3A_95, %get3A_96, %get3A_97] : memref<1x2x8x128xf32, #tpu.memory_space<vmem>>, vector<1x1x8x128xf32>
    %get3A_99 = vector.shape_cast %get3A_98 : vector<1x1x8x128xf32> to vector<8x128xf32>
    %add3A_100 = vector.broadcast %reduce_sum3A_75 : f32 to vector<8x128xf32>
    %add3A_101 = arith.addf %get3A_99, %add3A_100 : vector<8x128xf32>
    %swap3A = arith.constant 0 : index
    %swap3A_102 = arith.constant 0 : index
    %swap3A_103 = arith.constant 0 : index
    %swap3A_104 = arith.constant 0 : index
    %swap3A_105 = vector.load %arg14[%swap3A, %swap3A_102, %swap3A_103, %swap3A_104] : memref<1x2x8x128xf32, #tpu.memory_space<vmem>>, vector<1x1x8x128xf32>
    %swap3A_106 = vector.shape_cast %swap3A_105 : vector<1x1x8x128xf32> to vector<8x128xf32>
    %swap3A_107 = vector.shape_cast %add3A_101 : vector<8x128xf32> to vector<1x1x8x128xf32>
    tpu.vector_store %arg14[%swap3A, %swap3A_102, %swap3A_103, %swap3A_104], %swap3A_107 {strides = array<i32>} : memref<1x2x8x128xf32, #tpu.memory_space<vmem>>, vector<1x1x8x128xf32>,
    %get3A_108 = arith.constant 0 : index
    %get3A_109 = arith.constant 1 : index
    %get3A_110 = arith.constant 0 : index
    %get3A_111 = arith.constant 0 : index
    %get3A_112 = vector.load %arg14[%get3A_108, %get3A_109, %get3A_110, %get3A_111] : memref<1x2x8x128xf32, #tpu.memory_space<vmem>>, vector<1x1x8x128xf32>
    %get3A_113 = vector.shape_cast %get3A_112 : vector<1x1x8x128xf32> to vector<8x128xf32>
    %add3A_114 = vector.broadcast %reduce_sum3A_91 : f32 to vector<8x128xf32>
    %add3A_115 = arith.addf %get3A_113, %add3A_114 : vector<8x128xf32>
    %swap3A_116 = arith.constant 0 : index
    %swap3A_117 = arith.constant 1 : index
    %swap3A_118 = arith.constant 0 : index
    %swap3A_119 = arith.constant 0 : index
    %swap3A_120 = vector.load %arg14[%swap3A_116, %swap3A_117, %swap3A_118, %swap3A_119] : memref<1x2x8x128xf32, #tpu.memory_space<vmem>>, vector<1x1x8x128xf32>
    %swap3A_121 = vector.shape_cast %swap3A_120 : vector<1x1x8x128xf32> to vector<8x128xf32>
    %swap3A_122 = vector.shape_cast %add3A_115 : vector<8x128xf32> to vector<1x1x8x128xf32>
    tpu.vector_store %arg14[%swap3A_116, %swap3A_117, %swap3A_118, %swap3A_119], %swap3A_122 {strides = array<i32>} : memref<1x2x8x128xf32, #tpu.memory_space<vmem>>, vector<1x1x8x128xf32>,
    return
  }
  func.func @transform_0(%arg0: i32, %arg1: i32) -> (i32, i32, i32) {
    %c0_i32 = arith.constant 0 : i32
    %c0_i32_0 = arith.constant 0 : i32
    return %arg0, %arg1, %c0_i32 : i32, i32, i32
  }
  func.func @transform_1(%arg0: i32, %arg1: i32) -> (i32, i32, i32) {
    %c0_i32 = arith.constant 0 : i32
    %c0_i32_0 = arith.constant 0 : i32
    return %arg0, %arg1, %c0_i32 : i32, i32, i32
  }
  func.func @transform_2(%arg0: i32, %arg1: i32) -> (i32, i32, i32) {
    %c0_i32 = arith.constant 0 : i32
    %c0_i32_0 = arith.constant 0 : i32
    return %arg0, %arg1, %c0_i32 : i32, i32, i32
  }
  func.func @transform_3(%arg0: i32, %arg1: i32) -> (i32, i32, i32) {
    %c0_i32 = arith.constant 0 : i32
    %c0_i32_0 = arith.constant 0 : i32
    %c0_i32_1 = arith.constant 0 : i32
    return %arg0, %c0_i32, %c0_i32_0 : i32, i32, i32
  }
  func.func @transform_4(%arg0: i32, %arg1: i32) -> (i32, i32, i32) {
    %c0_i32 = arith.constant 0 : i32
    %c0_i32_0 = arith.constant 0 : i32
    %c0_i32_1 = arith.constant 0 : i32
    return %arg0, %c0_i32, %c0_i32_0 : i32, i32, i32
  }
  func.func @transform_5(%arg0: i32, %arg1: i32) -> (i32, i32, i32) {
    %c0_i32 = arith.constant 0 : i32
    %c0_i32_0 = arith.constant 0 : i32
    %c0_i32_1 = arith.constant 0 : i32
    return %arg0, %c0_i32, %c0_i32_0 : i32, i32, i32
  }
  func.func @transform_6(%arg0: i32, %arg1: i32) -> (i32, i32, i32) {
    %c0_i32 = arith.constant 0 : i32
    %c0_i32_0 = arith.constant 0 : i32
    %c0_i32_1 = arith.constant 0 : i32
    return %arg0, %c0_i32, %c0_i32_0 : i32, i32, i32
  }
  func.func @transform_7(%arg0: i32, %arg1: i32) -> (i32, i32, i32) {
    %c0_i32 = arith.constant 0 : i32
    %c0_i32_0 = arith.constant 0 : i32
    %c0_i32_1 = arith.constant 0 : i32
    return %arg0, %c0_i32, %c0_i32_0 : i32, i32, i32
  }
  func.func @transform_8(%arg0: i32, %arg1: i32) -> (i32, i32, i32) {
    %c0_i32 = arith.constant 0 : i32
    %c0_i32_0 = arith.constant 0 : i32
    %c0_i32_1 = arith.constant 0 : i32
    return %arg0, %c0_i32, %c0_i32_0 : i32, i32, i32
  }
  func.func @transform_9(%arg0: i32, %arg1: i32) -> (i32, i32) {
    %c0_i32 = arith.constant 0 : i32
    %c0_i32_0 = arith.constant 0 : i32
    %c0_i32_1 = arith.constant 0 : i32
    return %c0_i32, %c0_i32_0 : i32, i32
  }
  func.func @transform_10(%arg0: i32, %arg1: i32) -> (i32, i32) {
    %c0_i32 = arith.constant 0 : i32
    %c0_i32_0 = arith.constant 0 : i32
    %c0_i32_1 = arith.constant 0 : i32
    return %c0_i32, %c0_i32_0 : i32, i32
  }
  func.func @transform_11(%arg0: i32, %arg1: i32) -> (i32, i32) {
    %c0_i32 = arith.constant 0 : i32
    %c0_i32_0 = arith.constant 0 : i32
    %c0_i32_1 = arith.constant 0 : i32
    return %c0_i32, %c0_i32_0 : i32, i32
  }
  func.func @transform_12(%arg0: i32, %arg1: i32) -> (i32, i32, i32, i32) {
    %c0_i32 = arith.constant 0 : i32
    %c0_i32_0 = arith.constant 0 : i32
    %c0_i32_1 = arith.constant 0 : i32
    %c0_i32_2 = arith.constant 0 : i32
    return %arg0, %c0_i32, %c0_i32_0, %c0_i32_1 : i32, i32, i32, i32
  }
}

module attributes {stable_mosaic.version = 14 : i64} {
  func.func @_comb_body(%arg0: i32, %arg1: i32, %arg2: memref<1x1000x128xf32, #tpu.memory_space<vmem>>, %arg3: memref<1x1000x128xf32, #tpu.memory_space<vmem>>, %arg4: memref<1x1000x128xf32, #tpu.memory_space<vmem>>, %arg5: memref<1x2x8x128xf32, #tpu.memory_space<vmem>>, %arg6: memref<1x128x128xf32, #tpu.memory_space<vmem>>, %arg7: memref<1x1x128xf32, #tpu.memory_space<vmem>>, %arg8: memref<1x128x128xf32, #tpu.memory_space<vmem>>, %arg9: memref<1x1x128xf32, #tpu.memory_space<vmem>>, %arg10: memref<1x128x128xf32, #tpu.memory_space<vmem>>, %arg11: memref<1x1x128xf32, #tpu.memory_space<vmem>>, %arg12: memref<1x1000x128xf32, #tpu.memory_space<vmem>>) attributes {dimension_semantics = [#tpu.dimension_semantics<arbitrary>, #tpu.dimension_semantics<arbitrary>], iteration_bounds = array<i64: 2, 10>, scalar_prefetch = 0 : i64, scratch_operands = 0 : i64, tpu.core_type = #tpu.core_type<tc>, window_params = [{transform_indices = @transform_0, window_bounds = array<i64: 1, 1000, 128>}, {transform_indices = @transform_1, window_bounds = array<i64: 1, 1000, 128>}, {transform_indices = @transform_2, window_bounds = array<i64: 1, 1000, 128>}, {transform_indices = @transform_3, window_bounds = array<i64: 1, 2, 8, 128>}, {transform_indices = @transform_4, window_bounds = array<i64: 1, 128, 128>}, {transform_indices = @transform_5, window_bounds = array<i64: 1, 1, 128>}, {transform_indices = @transform_6, window_bounds = array<i64: 1, 128, 128>}, {transform_indices = @transform_7, window_bounds = array<i64: 1, 1, 128>}, {transform_indices = @transform_8, window_bounds = array<i64: 1, 128, 128>}, {transform_indices = @transform_9, window_bounds = array<i64: 1, 1, 128>}, {transform_indices = @transform_10, window_bounds = array<i64: 1, 1000, 128>}]} {
    %get3A = arith.constant 0 : index
    %get3A_0 = arith.constant 0 : index
    %get3A_1 = arith.constant 0 : index
    %get3A_2 = arith.constant 0 : index
    %get3A_3 = vector.load %arg5[%get3A, %get3A_0, %get3A_1, %get3A_2] : memref<1x2x8x128xf32, #tpu.memory_space<vmem>>, vector<1x1x8x128xf32>
    %get3A_4 = vector.shape_cast %get3A_3 : vector<1x1x8x128xf32> to vector<8x128xf32>
    %reduce_max3A = vector.shape_cast %get3A_4 : vector<8x128xf32> to vector<1x8x128xf32>
    %reduce_max3A_5 = arith.constant dense<0xFF800000> : vector<1xf32>
    %reduce_max3A_6 = vector.multi_reduction <maximumf>, %reduce_max3A, %reduce_max3A_5 [1, 2] : vector<1x8x128xf32> to vector<1xf32>
    %reduce_max3A_7 = vector.shape_cast %reduce_max3A_6 : vector<1xf32> to vector<1x1x1xf32>
    %reduce_max3A_8 = vector.extract %reduce_max3A_7[0, 0, 0] : f32 from vector<1x1x1xf32>
    %div3A = arith.constant 1.000000e+04 : f32
    %div3A_9 = arith.divf %reduce_max3A_8, %div3A : f32
    %get3A_10 = arith.constant 0 : index
    %get3A_11 = arith.constant 1 : index
    %get3A_12 = arith.constant 0 : index
    %get3A_13 = arith.constant 0 : index
    %get3A_14 = vector.load %arg5[%get3A_10, %get3A_11, %get3A_12, %get3A_13] : memref<1x2x8x128xf32, #tpu.memory_space<vmem>>, vector<1x1x8x128xf32>
    %get3A_15 = vector.shape_cast %get3A_14 : vector<1x1x8x128xf32> to vector<8x128xf32>
    %reduce_max3A_16 = vector.shape_cast %get3A_15 : vector<8x128xf32> to vector<1x8x128xf32>
    %reduce_max3A_17 = arith.constant dense<0xFF800000> : vector<1xf32>
    %reduce_max3A_18 = vector.multi_reduction <maximumf>, %reduce_max3A_16, %reduce_max3A_17 [1, 2] : vector<1x8x128xf32> to vector<1xf32>
    %reduce_max3A_19 = vector.shape_cast %reduce_max3A_18 : vector<1xf32> to vector<1x1x1xf32>
    %reduce_max3A_20 = vector.extract %reduce_max3A_19[0, 0, 0] : f32 from vector<1x1x1xf32>
    %div3A_21 = arith.constant 1.000000e+04 : f32
    %div3A_22 = arith.divf %reduce_max3A_20, %div3A_21 : f32
    %max3A = arith.maximumf %div3A_9, %div3A_22 : f32
    %sub3A = arith.subf %div3A_9, %max3A : f32
    %exp3A = math.exp %sub3A : f32
    %sub3A_23 = arith.subf %div3A_22, %max3A : f32
    %exp3A_24 = math.exp %sub3A_23 : f32
    %add3A = arith.addf %exp3A, %exp3A_24 : f32
    %div3A_25 = arith.divf %exp3A, %add3A : f32
    %add3A_26 = arith.addf %exp3A, %exp3A_24 : f32
    %div3A_27 = arith.divf %exp3A_24, %add3A_26 : f32
    %get3A_28 = arith.constant 0 : index
    %get3A_29 = arith.constant 0 : index
    %get3A_30 = arith.constant 0 : index
    %get3A_31 = vector.load %arg2[%get3A_28, %get3A_29, %get3A_30] : memref<1x1000x128xf32, #tpu.memory_space<vmem>>, vector<1x1000x128xf32>
    %get3A_32 = vector.shape_cast %get3A_31 : vector<1x1000x128xf32> to vector<1000x128xf32>
    %get3A_33 = arith.constant 0 : index
    %get3A_34 = arith.constant 0 : index
    %get3A_35 = arith.constant 0 : index
    %get3A_36 = vector.load %arg6[%get3A_33, %get3A_34, %get3A_35] : memref<1x128x128xf32, #tpu.memory_space<vmem>>, vector<1x128x128xf32>
    %get3A_37 = vector.shape_cast %get3A_36 : vector<1x128x128xf32> to vector<128x128xf32>
    %dot_general3A = arith.constant dense<0.000000e+00> : vector<1000x128xf32>
    %dot_general3A_38 = tpu.matmul %get3A_32, %get3A_37, %dot_general3A {dimension_numbers = #tpu.dot_dimension_numbers<[1], [0], [0], [1], [0, 0, 1, 1], [], []>, transpose_lhs_hint = false} : vector<1000x128xf32>, vector<128x128xf32>, vector<1000x128xf32> -> vector<1000x128xf32>
    %get3A_39 = arith.constant 0 : index
    %get3A_40 = arith.constant 0 : index
    %get3A_41 = arith.constant 0 : index
    %get3A_42 = vector.load %arg7[%get3A_39, %get3A_40, %get3A_41] : memref<1x1x128xf32, #tpu.memory_space<vmem>>, vector<1x1x128xf32>
    %get3A_43 = vector.shape_cast %get3A_42 : vector<1x1x128xf32> to vector<1x128xf32>
    %add3A_44 = vector.broadcast %get3A_43 : vector<1x128xf32> to vector<1000x128xf32>
    %add3A_45 = arith.addf %dot_general3A_38, %add3A_44 : vector<1000x128xf32>
    %get3A_46 = arith.constant 0 : index
    %get3A_47 = arith.constant 0 : index
    %get3A_48 = arith.constant 0 : index
    %get3A_49 = vector.load %arg4[%get3A_46, %get3A_47, %get3A_48] : memref<1x1000x128xf32, #tpu.memory_space<vmem>>, vector<1x1000x128xf32>
    %get3A_50 = vector.shape_cast %get3A_49 : vector<1x1000x128xf32> to vector<1000x128xf32>
    %slice3A = vector.extract_strided_slice %get3A_50 {offsets = [0, 0], sizes = [1000, 1], strides = [1, 1]} : vector<1000x128xf32> to vector<1000x1xf32>
    %max3A_51 = arith.constant 1.000000e+00 : f32
    %max3A_52 = vector.broadcast %max3A_51 : f32 to vector<1000x1xf32>
    %max3A_53 = arith.maximumf %slice3A, %max3A_52 : vector<1000x1xf32>
    %get3A_54 = arith.constant 0 : index
    %get3A_55 = arith.constant 0 : index
    %get3A_56 = arith.constant 0 : index
    %get3A_57 = vector.load %arg3[%get3A_54, %get3A_55, %get3A_56] : memref<1x1000x128xf32, #tpu.memory_space<vmem>>, vector<1x1000x128xf32>
    %get3A_58 = vector.shape_cast %get3A_57 : vector<1x1000x128xf32> to vector<1000x128xf32>
    %div3A_59 = vector.broadcast %max3A_53 : vector<1000x1xf32> to vector<1000x128xf32>
    %div3A_60 = arith.divf %get3A_58, %div3A_59 : vector<1000x128xf32>
    %get3A_61 = arith.constant 0 : index
    %get3A_62 = arith.constant 0 : index
    %get3A_63 = arith.constant 0 : index
    %get3A_64 = vector.load %arg8[%get3A_61, %get3A_62, %get3A_63] : memref<1x128x128xf32, #tpu.memory_space<vmem>>, vector<1x128x128xf32>
    %get3A_65 = vector.shape_cast %get3A_64 : vector<1x128x128xf32> to vector<128x128xf32>
    %dot_general3A_66 = arith.constant dense<0.000000e+00> : vector<1000x128xf32>
    %dot_general3A_67 = tpu.matmul %div3A_60, %get3A_65, %dot_general3A_66 {dimension_numbers = #tpu.dot_dimension_numbers<[1], [0], [0], [1], [0, 0, 1, 1], [], []>, transpose_lhs_hint = false} : vector<1000x128xf32>, vector<128x128xf32>, vector<1000x128xf32> -> vector<1000x128xf32>
    %get3A_68 = arith.constant 0 : index
    %get3A_69 = arith.constant 0 : index
    %get3A_70 = arith.constant 0 : index
    %get3A_71 = vector.load %arg9[%get3A_68, %get3A_69, %get3A_70] : memref<1x1x128xf32, #tpu.memory_space<vmem>>, vector<1x1x128xf32>
    %get3A_72 = vector.shape_cast %get3A_71 : vector<1x1x128xf32> to vector<1x128xf32>
    %add3A_73 = vector.broadcast %get3A_72 : vector<1x128xf32> to vector<1000x128xf32>
    %add3A_74 = arith.addf %dot_general3A_67, %add3A_73 : vector<1000x128xf32>
    %mul3A = vector.broadcast %div3A_25 : f32 to vector<1000x128xf32>
    %mul3A_75 = arith.mulf %add3A_45, %mul3A : vector<1000x128xf32>
    %mul3A_76 = vector.broadcast %div3A_27 : f32 to vector<1000x128xf32>
    %mul3A_77 = arith.mulf %add3A_74, %mul3A_76 : vector<1000x128xf32>
    %add3A_78 = arith.addf %mul3A_75, %mul3A_77 : vector<1000x128xf32>
    %get3A_79 = arith.constant 0 : index
    %get3A_80 = arith.constant 0 : index
    %get3A_81 = arith.constant 0 : index
    %get3A_82 = vector.load %arg10[%get3A_79, %get3A_80, %get3A_81] : memref<1x128x128xf32, #tpu.memory_space<vmem>>, vector<1x128x128xf32>
    %get3A_83 = vector.shape_cast %get3A_82 : vector<1x128x128xf32> to vector<128x128xf32>
    %dot_general3A_84 = arith.constant dense<0.000000e+00> : vector<1000x128xf32>
    %dot_general3A_85 = tpu.matmul %get3A_32, %get3A_83, %dot_general3A_84 {dimension_numbers = #tpu.dot_dimension_numbers<[1], [0], [0], [1], [0, 0, 1, 1], [], []>, transpose_lhs_hint = false} : vector<1000x128xf32>, vector<128x128xf32>, vector<1000x128xf32> -> vector<1000x128xf32>
    %add3A_86 = arith.addf %add3A_78, %dot_general3A_85 : vector<1000x128xf32>
    %get3A_87 = arith.constant 0 : index
    %get3A_88 = arith.constant 0 : index
    %get3A_89 = arith.constant 0 : index
    %get3A_90 = vector.load %arg11[%get3A_87, %get3A_88, %get3A_89] : memref<1x1x128xf32, #tpu.memory_space<vmem>>, vector<1x1x128xf32>
    %get3A_91 = vector.shape_cast %get3A_90 : vector<1x1x128xf32> to vector<1x128xf32>
    %add3A_92 = vector.broadcast %get3A_91 : vector<1x128xf32> to vector<1000x128xf32>
    %add3A_93 = arith.addf %add3A_86, %add3A_92 : vector<1000x128xf32>
    %mul3A_94 = arith.constant 5.000000e-01 : f32
    %mul3A_95 = vector.broadcast %mul3A_94 : f32 to vector<1000x128xf32>
    %mul3A_96 = arith.mulf %add3A_93, %mul3A_95 : vector<1000x128xf32>
    %gt3A = arith.constant 0.000000e+00 : f32
    %gt3A_97 = vector.broadcast %gt3A : f32 to vector<1000x128xf32>
    %gt3A_98 = arith.cmpf ogt, %mul3A_96, %gt3A_97 : vector<1000x128xf32>
    %exp3A_99 = math.exp %mul3A_96 : vector<1000x128xf32>
    %sub3A_100 = arith.constant 1.000000e+00 : f32
    %sub3A_101 = vector.broadcast %sub3A_100 : f32 to vector<1000x128xf32>
    %sub3A_102 = arith.subf %exp3A_99, %sub3A_101 : vector<1000x128xf32>
    %select_n3A = arith.select %gt3A_98, %mul3A_96, %sub3A_102 : vector<1000x128xi1>, vector<1000x128xf32>
    %swap3A = arith.constant 0 : index
    %swap3A_103 = arith.constant 0 : index
    %swap3A_104 = arith.constant 0 : index
    %swap3A_105 = vector.load %arg12[%swap3A, %swap3A_103, %swap3A_104] : memref<1x1000x128xf32, #tpu.memory_space<vmem>>, vector<1x1000x128xf32>
    %swap3A_106 = vector.shape_cast %swap3A_105 : vector<1x1000x128xf32> to vector<1000x128xf32>
    %swap3A_107 = vector.shape_cast %select_n3A : vector<1000x128xf32> to vector<1x1000x128xf32>
    tpu.vector_store %arg12[%swap3A, %swap3A_103, %swap3A_104], %swap3A_107 {strides = array<i32>} : memref<1x1000x128xf32, #tpu.memory_space<vmem>>, vector<1x1000x128xf32>,
    return
  }
  func.func @transform_0(%arg0: i32, %arg1: i32) -> (i32, i32, i32) {
    %c0_i32 = arith.constant 0 : i32
    %c0_i32_0 = arith.constant 0 : i32
    return %arg0, %arg1, %c0_i32 : i32, i32, i32
  }
  func.func @transform_1(%arg0: i32, %arg1: i32) -> (i32, i32, i32) {
    %c0_i32 = arith.constant 0 : i32
    %c0_i32_0 = arith.constant 0 : i32
    return %arg0, %arg1, %c0_i32 : i32, i32, i32
  }
  func.func @transform_2(%arg0: i32, %arg1: i32) -> (i32, i32, i32) {
    %c0_i32 = arith.constant 0 : i32
    %c0_i32_0 = arith.constant 0 : i32
    return %arg0, %arg1, %c0_i32 : i32, i32, i32
  }
  func.func @transform_3(%arg0: i32, %arg1: i32) -> (i32, i32, i32, i32) {
    %c0_i32 = arith.constant 0 : i32
    %c0_i32_0 = arith.constant 0 : i32
    %c0_i32_1 = arith.constant 0 : i32
    %c0_i32_2 = arith.constant 0 : i32
    return %arg0, %c0_i32, %c0_i32_0, %c0_i32_1 : i32, i32, i32, i32
  }
  func.func @transform_4(%arg0: i32, %arg1: i32) -> (i32, i32, i32) {
    %c0_i32 = arith.constant 0 : i32
    %c0_i32_0 = arith.constant 0 : i32
    %c0_i32_1 = arith.constant 0 : i32
    return %arg0, %c0_i32, %c0_i32_0 : i32, i32, i32
  }
  func.func @transform_5(%arg0: i32, %arg1: i32) -> (i32, i32, i32) {
    %c0_i32 = arith.constant 0 : i32
    %c0_i32_0 = arith.constant 0 : i32
    %c0_i32_1 = arith.constant 0 : i32
    return %arg0, %c0_i32, %c0_i32_0 : i32, i32, i32
  }
  func.func @transform_6(%arg0: i32, %arg1: i32) -> (i32, i32, i32) {
    %c0_i32 = arith.constant 0 : i32
    %c0_i32_0 = arith.constant 0 : i32
    %c0_i32_1 = arith.constant 0 : i32
    return %arg0, %c0_i32, %c0_i32_0 : i32, i32, i32
  }
  func.func @transform_7(%arg0: i32, %arg1: i32) -> (i32, i32, i32) {
    %c0_i32 = arith.constant 0 : i32
    %c0_i32_0 = arith.constant 0 : i32
    %c0_i32_1 = arith.constant 0 : i32
    return %arg0, %c0_i32, %c0_i32_0 : i32, i32, i32
  }
  func.func @transform_8(%arg0: i32, %arg1: i32) -> (i32, i32, i32) {
    %c0_i32 = arith.constant 0 : i32
    %c0_i32_0 = arith.constant 0 : i32
    %c0_i32_1 = arith.constant 0 : i32
    return %arg0, %c0_i32, %c0_i32_0 : i32, i32, i32
  }
  func.func @transform_9(%arg0: i32, %arg1: i32) -> (i32, i32, i32) {
    %c0_i32 = arith.constant 0 : i32
    %c0_i32_0 = arith.constant 0 : i32
    %c0_i32_1 = arith.constant 0 : i32
    return %arg0, %c0_i32, %c0_i32_0 : i32, i32, i32
  }
  func.func @transform_10(%arg0: i32, %arg1: i32) -> (i32, i32, i32) {
    %c0_i32 = arith.constant 0 : i32
    %c0_i32_0 = arith.constant 0 : i32
    return %arg0, %arg1, %c0_i32 : i32, i32, i32
  }
}

module attributes {stable_mosaic.version = 14 : i64} {
  func.func @_comb_body(%arg0: i32, %arg1: i32, %arg2: memref<1x1000x128xf32, #tpu.memory_space<vmem>>, %arg3: memref<1x1000x128xf32, #tpu.memory_space<vmem>>, %arg4: memref<1x1000x128xf32, #tpu.memory_space<vmem>>, %arg5: memref<1x2x8x128xf32, #tpu.memory_space<vmem>>, %arg6: memref<1x128x128xf32, #tpu.memory_space<vmem>>, %arg7: memref<1x1x128xf32, #tpu.memory_space<vmem>>, %arg8: memref<1x128x128xf32, #tpu.memory_space<vmem>>, %arg9: memref<1x1x128xf32, #tpu.memory_space<vmem>>, %arg10: memref<1x128x128xf32, #tpu.memory_space<vmem>>, %arg11: memref<1x1x128xf32, #tpu.memory_space<vmem>>, %arg12: memref<1x1000x128xf32, #tpu.memory_space<vmem>>) attributes {dimension_semantics = [#tpu.dimension_semantics<arbitrary>, #tpu.dimension_semantics<arbitrary>], iteration_bounds = array<i64: 2, 10>, scalar_prefetch = 0 : i64, scratch_operands = 0 : i64, tpu.core_type = #tpu.core_type<tc>, window_params = [{transform_indices = @transform_0, window_bounds = array<i64: 1, 1000, 128>}, {transform_indices = @transform_1, window_bounds = array<i64: 1, 1000, 128>}, {transform_indices = @transform_2, window_bounds = array<i64: 1, 1000, 128>}, {transform_indices = @transform_3, window_bounds = array<i64: 1, 2, 8, 128>}, {transform_indices = @transform_4, window_bounds = array<i64: 1, 128, 128>}, {transform_indices = @transform_5, window_bounds = array<i64: 1, 1, 128>}, {transform_indices = @transform_6, window_bounds = array<i64: 1, 128, 128>}, {transform_indices = @transform_7, window_bounds = array<i64: 1, 1, 128>}, {transform_indices = @transform_8, window_bounds = array<i64: 1, 128, 128>}, {transform_indices = @transform_9, window_bounds = array<i64: 1, 1, 128>}, {transform_indices = @transform_10, window_bounds = array<i64: 1, 1000, 128>}]} {
    %get3A = arith.constant 0 : index
    %get3A_0 = arith.constant 0 : index
    %get3A_1 = arith.constant 0 : index
    %get3A_2 = arith.constant 0 : index
    %get3A_3 = vector.load %arg5[%get3A, %get3A_0, %get3A_1, %get3A_2] : memref<1x2x8x128xf32, #tpu.memory_space<vmem>>, vector<1x1x8x128xf32>
    %get3A_4 = vector.shape_cast %get3A_3 : vector<1x1x8x128xf32> to vector<8x128xf32>
    %reduce_max3A = vector.shape_cast %get3A_4 : vector<8x128xf32> to vector<1x8x128xf32>
    %reduce_max3A_5 = arith.constant dense<0xFF800000> : vector<1xf32>
    %reduce_max3A_6 = vector.multi_reduction <maximumf>, %reduce_max3A, %reduce_max3A_5 [1, 2] : vector<1x8x128xf32> to vector<1xf32>
    %reduce_max3A_7 = vector.shape_cast %reduce_max3A_6 : vector<1xf32> to vector<1x1x1xf32>
    %reduce_max3A_8 = vector.extract %reduce_max3A_7[0, 0, 0] : f32 from vector<1x1x1xf32>
    %div3A = arith.constant 1.000000e+04 : f32
    %div3A_9 = arith.divf %reduce_max3A_8, %div3A : f32
    %get3A_10 = arith.constant 0 : index
    %get3A_11 = arith.constant 1 : index
    %get3A_12 = arith.constant 0 : index
    %get3A_13 = arith.constant 0 : index
    %get3A_14 = vector.load %arg5[%get3A_10, %get3A_11, %get3A_12, %get3A_13] : memref<1x2x8x128xf32, #tpu.memory_space<vmem>>, vector<1x1x8x128xf32>
    %get3A_15 = vector.shape_cast %get3A_14 : vector<1x1x8x128xf32> to vector<8x128xf32>
    %reduce_max3A_16 = vector.shape_cast %get3A_15 : vector<8x128xf32> to vector<1x8x128xf32>
    %reduce_max3A_17 = arith.constant dense<0xFF800000> : vector<1xf32>
    %reduce_max3A_18 = vector.multi_reduction <maximumf>, %reduce_max3A_16, %reduce_max3A_17 [1, 2] : vector<1x8x128xf32> to vector<1xf32>
    %reduce_max3A_19 = vector.shape_cast %reduce_max3A_18 : vector<1xf32> to vector<1x1x1xf32>
    %reduce_max3A_20 = vector.extract %reduce_max3A_19[0, 0, 0] : f32 from vector<1x1x1xf32>
    %div3A_21 = arith.constant 1.000000e+04 : f32
    %div3A_22 = arith.divf %reduce_max3A_20, %div3A_21 : f32
    %max3A = arith.maximumf %div3A_9, %div3A_22 : f32
    %sub3A = arith.subf %div3A_9, %max3A : f32
    %exp3A = math.exp %sub3A : f32
    %sub3A_23 = arith.subf %div3A_22, %max3A : f32
    %exp3A_24 = math.exp %sub3A_23 : f32
    %add3A = arith.addf %exp3A, %exp3A_24 : f32
    %div3A_25 = arith.divf %exp3A, %add3A : f32
    %add3A_26 = arith.addf %exp3A, %exp3A_24 : f32
    %div3A_27 = arith.divf %exp3A_24, %add3A_26 : f32
    %get3A_28 = arith.constant 0 : index
    %get3A_29 = arith.constant 0 : index
    %get3A_30 = arith.constant 0 : index
    %get3A_31 = vector.load %arg2[%get3A_28, %get3A_29, %get3A_30] : memref<1x1000x128xf32, #tpu.memory_space<vmem>>, vector<1x1000x128xf32>
    %get3A_32 = vector.shape_cast %get3A_31 : vector<1x1000x128xf32> to vector<1000x128xf32>
    %get3A_33 = arith.constant 0 : index
    %get3A_34 = arith.constant 0 : index
    %get3A_35 = arith.constant 0 : index
    %get3A_36 = vector.load %arg6[%get3A_33, %get3A_34, %get3A_35] : memref<1x128x128xf32, #tpu.memory_space<vmem>>, vector<1x128x128xf32>
    %get3A_37 = vector.shape_cast %get3A_36 : vector<1x128x128xf32> to vector<128x128xf32>
    %dot_general3A = arith.constant dense<0.000000e+00> : vector<1000x128xf32>
    %dot_general3A_38 = tpu.matmul %get3A_32, %get3A_37, %dot_general3A {dimension_numbers = #tpu.dot_dimension_numbers<[1], [0], [0], [1], [0, 0, 1, 1], [], []>, transpose_lhs_hint = false} : vector<1000x128xf32>, vector<128x128xf32>, vector<1000x128xf32> -> vector<1000x128xf32>
    %get3A_39 = arith.constant 0 : index
    %get3A_40 = arith.constant 0 : index
    %get3A_41 = arith.constant 0 : index
    %get3A_42 = vector.load %arg7[%get3A_39, %get3A_40, %get3A_41] : memref<1x1x128xf32, #tpu.memory_space<vmem>>, vector<1x1x128xf32>
    %get3A_43 = vector.shape_cast %get3A_42 : vector<1x1x128xf32> to vector<1x128xf32>
    %add3A_44 = vector.broadcast %get3A_43 : vector<1x128xf32> to vector<1000x128xf32>
    %add3A_45 = arith.addf %dot_general3A_38, %add3A_44 : vector<1000x128xf32>
    %get3A_46 = arith.constant 0 : index
    %get3A_47 = arith.constant 0 : index
    %get3A_48 = arith.constant 0 : index
    %get3A_49 = vector.load %arg4[%get3A_46, %get3A_47, %get3A_48] : memref<1x1000x128xf32, #tpu.memory_space<vmem>>, vector<1x1000x128xf32>
    %get3A_50 = vector.shape_cast %get3A_49 : vector<1x1000x128xf32> to vector<1000x128xf32>
    %slice3A = vector.extract_strided_slice %get3A_50 {offsets = [0, 0], sizes = [1000, 1], strides = [1, 1]} : vector<1000x128xf32> to vector<1000x1xf32>
    %max3A_51 = arith.constant 1.000000e+00 : f32
    %max3A_52 = vector.broadcast %max3A_51 : f32 to vector<1000x1xf32>
    %max3A_53 = arith.maximumf %slice3A, %max3A_52 : vector<1000x1xf32>
    %get3A_54 = arith.constant 0 : index
    %get3A_55 = arith.constant 0 : index
    %get3A_56 = arith.constant 0 : index
    %get3A_57 = vector.load %arg3[%get3A_54, %get3A_55, %get3A_56] : memref<1x1000x128xf32, #tpu.memory_space<vmem>>, vector<1x1000x128xf32>
    %get3A_58 = vector.shape_cast %get3A_57 : vector<1x1000x128xf32> to vector<1000x128xf32>
    %div3A_59 = vector.broadcast %max3A_53 : vector<1000x1xf32> to vector<1000x128xf32>
    %div3A_60 = arith.divf %get3A_58, %div3A_59 : vector<1000x128xf32>
    %get3A_61 = arith.constant 0 : index
    %get3A_62 = arith.constant 0 : index
    %get3A_63 = arith.constant 0 : index
    %get3A_64 = vector.load %arg8[%get3A_61, %get3A_62, %get3A_63] : memref<1x128x128xf32, #tpu.memory_space<vmem>>, vector<1x128x128xf32>
    %get3A_65 = vector.shape_cast %get3A_64 : vector<1x128x128xf32> to vector<128x128xf32>
    %dot_general3A_66 = arith.constant dense<0.000000e+00> : vector<1000x128xf32>
    %dot_general3A_67 = tpu.matmul %div3A_60, %get3A_65, %dot_general3A_66 {dimension_numbers = #tpu.dot_dimension_numbers<[1], [0], [0], [1], [0, 0, 1, 1], [], []>, transpose_lhs_hint = false} : vector<1000x128xf32>, vector<128x128xf32>, vector<1000x128xf32> -> vector<1000x128xf32>
    %get3A_68 = arith.constant 0 : index
    %get3A_69 = arith.constant 0 : index
    %get3A_70 = arith.constant 0 : index
    %get3A_71 = vector.load %arg9[%get3A_68, %get3A_69, %get3A_70] : memref<1x1x128xf32, #tpu.memory_space<vmem>>, vector<1x1x128xf32>
    %get3A_72 = vector.shape_cast %get3A_71 : vector<1x1x128xf32> to vector<1x128xf32>
    %add3A_73 = vector.broadcast %get3A_72 : vector<1x128xf32> to vector<1000x128xf32>
    %add3A_74 = arith.addf %dot_general3A_67, %add3A_73 : vector<1000x128xf32>
    %mul3A = vector.broadcast %div3A_25 : f32 to vector<1000x128xf32>
    %mul3A_75 = arith.mulf %add3A_45, %mul3A : vector<1000x128xf32>
    %mul3A_76 = vector.broadcast %div3A_27 : f32 to vector<1000x128xf32>
    %mul3A_77 = arith.mulf %add3A_74, %mul3A_76 : vector<1000x128xf32>
    %add3A_78 = arith.addf %mul3A_75, %mul3A_77 : vector<1000x128xf32>
    %get3A_79 = arith.constant 0 : index
    %get3A_80 = arith.constant 0 : index
    %get3A_81 = arith.constant 0 : index
    %get3A_82 = vector.load %arg10[%get3A_79, %get3A_80, %get3A_81] : memref<1x128x128xf32, #tpu.memory_space<vmem>>, vector<1x128x128xf32>
    %get3A_83 = vector.shape_cast %get3A_82 : vector<1x128x128xf32> to vector<128x128xf32>
    %dot_general3A_84 = arith.constant dense<0.000000e+00> : vector<1000x128xf32>
    %dot_general3A_85 = tpu.matmul %get3A_32, %get3A_83, %dot_general3A_84 {dimension_numbers = #tpu.dot_dimension_numbers<[1], [0], [0], [1], [0, 0, 1, 1], [], []>, transpose_lhs_hint = false} : vector<1000x128xf32>, vector<128x128xf32>, vector<1000x128xf32> -> vector<1000x128xf32>
    %add3A_86 = arith.addf %add3A_78, %dot_general3A_85 : vector<1000x128xf32>
    %get3A_87 = arith.constant 0 : index
    %get3A_88 = arith.constant 0 : index
    %get3A_89 = arith.constant 0 : index
    %get3A_90 = vector.load %arg11[%get3A_87, %get3A_88, %get3A_89] : memref<1x1x128xf32, #tpu.memory_space<vmem>>, vector<1x1x128xf32>
    %get3A_91 = vector.shape_cast %get3A_90 : vector<1x1x128xf32> to vector<1x128xf32>
    %add3A_92 = vector.broadcast %get3A_91 : vector<1x128xf32> to vector<1000x128xf32>
    %add3A_93 = arith.addf %add3A_86, %add3A_92 : vector<1000x128xf32>
    %mul3A_94 = arith.constant 5.000000e-01 : f32
    %mul3A_95 = vector.broadcast %mul3A_94 : f32 to vector<1000x128xf32>
    %mul3A_96 = arith.mulf %add3A_93, %mul3A_95 : vector<1000x128xf32>
    %swap3A = arith.constant 0 : index
    %swap3A_97 = arith.constant 0 : index
    %swap3A_98 = arith.constant 0 : index
    %swap3A_99 = vector.load %arg12[%swap3A, %swap3A_97, %swap3A_98] : memref<1x1000x128xf32, #tpu.memory_space<vmem>>, vector<1x1000x128xf32>
    %swap3A_100 = vector.shape_cast %swap3A_99 : vector<1x1000x128xf32> to vector<1000x128xf32>
    %swap3A_101 = vector.shape_cast %mul3A_96 : vector<1000x128xf32> to vector<1x1000x128xf32>
    tpu.vector_store %arg12[%swap3A, %swap3A_97, %swap3A_98], %swap3A_101 {strides = array<i32>} : memref<1x1000x128xf32, #tpu.memory_space<vmem>>, vector<1x1000x128xf32>,
    return
  }
  func.func @transform_0(%arg0: i32, %arg1: i32) -> (i32, i32, i32) {
    %c0_i32 = arith.constant 0 : i32
    %c0_i32_0 = arith.constant 0 : i32
    return %arg0, %arg1, %c0_i32 : i32, i32, i32
  }
  func.func @transform_1(%arg0: i32, %arg1: i32) -> (i32, i32, i32) {
    %c0_i32 = arith.constant 0 : i32
    %c0_i32_0 = arith.constant 0 : i32
    return %arg0, %arg1, %c0_i32 : i32, i32, i32
  }
  func.func @transform_2(%arg0: i32, %arg1: i32) -> (i32, i32, i32) {
    %c0_i32 = arith.constant 0 : i32
    %c0_i32_0 = arith.constant 0 : i32
    return %arg0, %arg1, %c0_i32 : i32, i32, i32
  }
  func.func @transform_3(%arg0: i32, %arg1: i32) -> (i32, i32, i32, i32) {
    %c0_i32 = arith.constant 0 : i32
    %c0_i32_0 = arith.constant 0 : i32
    %c0_i32_1 = arith.constant 0 : i32
    %c0_i32_2 = arith.constant 0 : i32
    return %arg0, %c0_i32, %c0_i32_0, %c0_i32_1 : i32, i32, i32, i32
  }
  func.func @transform_4(%arg0: i32, %arg1: i32) -> (i32, i32, i32) {
    %c0_i32 = arith.constant 0 : i32
    %c0_i32_0 = arith.constant 0 : i32
    %c0_i32_1 = arith.constant 0 : i32
    return %arg0, %c0_i32, %c0_i32_0 : i32, i32, i32
  }
  func.func @transform_5(%arg0: i32, %arg1: i32) -> (i32, i32, i32) {
    %c0_i32 = arith.constant 0 : i32
    %c0_i32_0 = arith.constant 0 : i32
    %c0_i32_1 = arith.constant 0 : i32
    return %arg0, %c0_i32, %c0_i32_0 : i32, i32, i32
  }
  func.func @transform_6(%arg0: i32, %arg1: i32) -> (i32, i32, i32) {
    %c0_i32 = arith.constant 0 : i32
    %c0_i32_0 = arith.constant 0 : i32
    %c0_i32_1 = arith.constant 0 : i32
    return %arg0, %c0_i32, %c0_i32_0 : i32, i32, i32
  }
  func.func @transform_7(%arg0: i32, %arg1: i32) -> (i32, i32, i32) {
    %c0_i32 = arith.constant 0 : i32
    %c0_i32_0 = arith.constant 0 : i32
    %c0_i32_1 = arith.constant 0 : i32
    return %arg0, %c0_i32, %c0_i32_0 : i32, i32, i32
  }
  func.func @transform_8(%arg0: i32, %arg1: i32) -> (i32, i32, i32) {
    %c0_i32 = arith.constant 0 : i32
    %c0_i32_0 = arith.constant 0 : i32
    %c0_i32_1 = arith.constant 0 : i32
    return %arg0, %c0_i32, %c0_i32_0 : i32, i32, i32
  }
  func.func @transform_9(%arg0: i32, %arg1: i32) -> (i32, i32, i32) {
    %c0_i32 = arith.constant 0 : i32
    %c0_i32_0 = arith.constant 0 : i32
    %c0_i32_1 = arith.constant 0 : i32
    return %arg0, %c0_i32, %c0_i32_0 : i32, i32, i32
  }
  func.func @transform_10(%arg0: i32, %arg1: i32) -> (i32, i32, i32) {
    %c0_i32 = arith.constant 0 : i32
    %c0_i32_0 = arith.constant 0 : i32
    return %arg0, %arg1, %c0_i32 : i32, i32, i32
  }
}

</mosaic_0001>

<sc_bundles>
// kernel: sc_agg_deg.3.cloned.1.call-start
scs
__scs_entry_jumppad:
0x0: {  	(pc) =	sbr.rel $0x88, $3  }
0x1: {  	(tag) =	ssettag $0x0;
	lr =	simm.s32 $0x1  }
0x2: {  	[smem:$0x3F77] =	sst lr;
	_ =	strace $0xD0000000  }
0x3: {  	_ = 	snop  }
0x4: {  	_ = 	snop  }
0x5: {  	_ = 	snop  }
0x6: {  	_ = 	snop  }
0x7: {  	_ = 	snop  }
__scs_overlays_trampoline_lowered:
0x8: {  	[smem:$0x3F86] =	sst s0  }
0x9: {  	[smem:$0x3F87] =	sst s1  }
0xa: {  	[smem:$0x3F88] =	sst s2  }
0xb: {  	[smem:$0x3F89] =	sst s3  }
0xc: {  	[smem:$0x3F8A] =	sst s4  }
0xd: {  	[smem:$0x3F8B] =	sst s5  }
0xe: {  	[smem:$0x3F8C] =	sst s6  }
0xf: {  	[smem:$0x3F8D] =	sst s7  }
0x10: {  	[smem:$0x3F8E] =	sst s8  }
0x11: {  	[smem:$0x3F8F] =	sst s9;
	s0 =	simm.s32 @!p0 $0x0  }
0x12: {  	s1 =	sld [smem:$0x3F75];
	s0 =	simm.s32 @p0 $0x1  }
0x13: {  	[smem:$0x3F90] =	sst s0;
	s0 =	simm.s32 @!p1 $0x0  }
0x14: {  	s2 =	sld [smem:$0x3F74];
	s0 =	simm.s32 @p1 $0x1  }
0x15: {  	[smem:$0x3F91] =	sst s0;
	s0 =	simm.s32 @!p2 $0x0  }
0x16: {  	s3 =	sld [smem:$0x3FDB];
	s0 =	simm.s32 @p2 $0x1  }
0x17: {  	s4 =	simm.s32 $0x1BF5;
	[smem:$0x3F93] =	sst s0  }
0x18: {  	s0 =	sld [smem:$0x3F76];
	_ =	swait.ge [sflag:s4], $0x0  }
0x19: {  	s7 =	sld [smem:$0x3F77]  }
0x1a: {  	s8 =	sadd.s32 $0xFFFFE003, lr  }
0x1b: {  	s9 =	sadd.s32 $0xFFFFFEF7, lr;
	s5 =	simm.s32 $0xFFFFFFFF;
	p2 =	slt.u32 s8, $0xFFFFF086  }
0x1c: {  	p1 =	slt.u32 s9, $0xF7A;
	s5 =	simm.s32 @!p2 $0x0  }
0x1d: {  	s5 =	simm.s32 @p1 $0x1;
	p0 =	seq.s32 s7, s2  }
0x1e: {  	s7 =	smul.u32 @!p0 $0xF7A, s2;
	p2 =	seq.s32 @!p0 s5, $0x0  }
0x1f: {  	s9 =	smul.u32 $0xF7A, s1;
	s8 =	simm.s32 @!p0 $0x1BF5;
	p2 =	por !p2, p0  }
0x20: {  	[sflag:s8] =	ssyncset.s32 @!p0 $0xFFFFF086;
	s6 =	sadd.s32 @!p0 s3, s7;
	s7 =	simm.s32 @!p0 $0x108  }
0x21: {  	s3 =	sadd.s32 s3, s9;
	s6 =	sadd.s32 @!p0 $0x88, s6;
	s7 =	simm.s32 @p2 $0x1082  }
0x22: {  	[simem:s7], [sflag:s8] =	dma.local @!p0 [hbm:s6], $0xF7A  }
0x23: {  	s9 =	sor.u32 $0xD0000000, s2;
	s6 =	simm.s32 $0x108;
	_ =	swait.ge @!p0 [sflag:s8], $0x0  }
0x24: {  	s3 =	sadd.s32 $0x88, s3;
	s6 =	simm.s32 @!p1 $0x1082;
	[sflag:s4] =	ssyncset.s32 $0xFFFFF086  }
0x25: {  	[simem:s6], [sflag:s4] =	dma.local [hbm:s3], $0xF7A  }
0x26: {  	[smem:$0x3F77] =	sst s1;
	(tag) =	ssettag s2;
	_ =	strace s9  }
0x27: {  	s1 =	sld [smem:$0x3F87]  }
0x28: {  	s2 =	sld [smem:$0x3F88]  }
0x29: {  	s4 =	sld [smem:$0x3F8A]  }
0x2a: {  	p0 =	seq.s32 s5, $0x0;
	s5 =	sld [smem:$0x3F8B]  }
0x2b: {  	s6 =	sld [smem:$0x3F8C]  }
0x2c: {  	s7 =	sld [smem:$0x3F8D]  }
0x2d: {  	s3 =	simm.s32 $0x108;
	s8 =	sld [smem:$0x3F8E]  }
0x2e: {  	s3 =	simm.s32 @!p0 $0x1082;
	s9 =	sld [smem:$0x3F8F]  }
0x2f: {  	lr =	sadd.s32 s0, s3;
	s0 =	sld [smem:$0x3F86]  }
0x30: {  	s3 =	sld [smem:$0x3F89]  }
0x31: {  	[smem:$0x3F92] =	sst s10  }
0x32: {  	s10 =	sld [smem:$0x3F90];
	_ =	sdelay $0x3  }
0x33: {  	p0 =	seq.s32 s10, $0x1;
	s10 =	sld [smem:$0x3F92];
	_ =	sdelay $0x3  }
0x34: {  	[smem:$0x3F92] =	sst s10  }
0x35: {  	s10 =	sld [smem:$0x3F91];
	_ =	sdelay $0x3  }
0x36: {  	p1 =	seq.s32 s10, $0x1;
	s10 =	sld [smem:$0x3F92];
	_ =	sdelay $0x3  }
0x37: {  	[smem:$0x3F92] =	sst s10  }
0x38: {  	s10 =	sld [smem:$0x3F93]  }
0x39: {  	_ = 	snop;
	(pc) =	sbr.ind lr, $3  }
0x3a: {  	_ = 	snop  }
0x3b: {  	_ = 	snop  }
0x3c: {  	p2 =	seq.s32 s10, $0x1;
	s10 =	sld [smem:$0x3F92]  }
0x3d: {  	_ =	shalt  }
0x3e: {  	_ =	shalt  }
0x3f: {  	_ =	shalt  }
0x40: {  	_ =	shalt  }
0x41: {  	_ =	shalt  }
0x42: {  	_ =	shalt  }
0x43: {  	_ =	shalt  }
0x44: {  	_ =	shalt  }
0x45: {  	_ =	shalt  }
0x46: {  	_ =	shalt  }
0x47: {  	_ =	shalt  }
0x48: {  	_ =	shalt  }
0x49: {  	_ =	shalt  }
0x4a: {  	_ =	shalt  }
0x4b: {  	_ =	shalt  }
0x4c: {  	_ =	shalt  }
0x4d: {  	_ =	shalt  }
0x4e: {  	_ =	shalt  }
0x4f: {  	_ =	shalt  }
0x50: {  	_ =	shalt  }
0x51: {  	_ =	shalt  }
0x52: {  	_ =	shalt  }
0x53: {  	_ =	shalt  }
0x54: {  	_ =	shalt  }
0x55: {  	_ =	shalt  }
0x56: {  	_ =	shalt  }
0x57: {  	_ =	shalt  }
0x58: {  	_ =	shalt  }
0x59: {  	_ =	shalt  }
0x5a: {  	_ =	shalt  }
0x5b: {  	_ =	shalt  }
0x5c: {  	_ =	shalt  }
0x5d: {  	_ =	shalt  }
0x5e: {  	_ =	shalt  }
0x5f: {  	_ =	shalt  }
0x60: {  	_ =	shalt  }
0x61: {  	_ =	shalt  }
0x62: {  	_ =	shalt  }
0x63: {  	_ =	shalt  }
0x64: {  	_ =	shalt  }
0x65: {  	_ =	shalt  }
0x66: {  	_ =	shalt  }
0x67: {  	_ =	shalt  }
0x68: {  	_ =	shalt  }
0x69: {  	_ =	shalt  }
0x6a: {  	_ =	shalt  }
0x6b: {  	_ =	shalt  }
0x6c: {  	_ =	shalt  }
0x6d: {  	_ =	shalt  }
0x6e: {  	_ =	shalt  }
0x6f: {  	_ =	shalt  }
0x70: {  	_ =	shalt  }
0x71: {  	_ =	shalt  }
0x72: {  	_ =	shalt  }
0x73: {  	_ =	shalt  }
0x74: {  	_ =	shalt  }
0x75: {  	_ =	shalt  }
0x76: {  	_ =	shalt  }
0x77: {  	_ =	shalt  }
0x78: {  	_ =	shalt  }
0x79: {  	_ =	shalt  }
0x7a: {  	_ =	shalt  }
0x7b: {  	_ =	shalt  }
0x7c: {  	_ =	shalt  }
0x7d: {  	_ =	shalt  }
0x7e: {  	_ =	shalt  }
0x7f: {  	_ =	shalt  }
0x80: {  	_ =	shalt  }
0x81: {  	_ =	shalt  }
0x82: {  	_ =	shalt  }
0x83: {  	_ =	shalt  }
0x84: {  	_ =	shalt  }
0x85: {  	_ =	shalt  }
0x86: {  	_ =	shalt  }
0x87: {  	_ =	shalt  }
.Lfunc_end0:
.L_simem_size_0:
called_computation_lowered:
.L_overlay_start_0:
0x88: {  	s2 =	sld [smem:$0x3FD9]  }
0x89: {  	s3 =	sld [smem:$0x3FFE];
	_ =	sdelay $0x1  }
0x8a: {  	s1 =	srdreg.scid  }
0x8b: {  	s0 =	sand.u32 $0x1, s1  }
0x8c: {  	s14 =	sshll.u32 s0, $0xA;
	s2 =	sadd.s32 s3, s2  }
0x8d: {  	s2 =	sadd.s32 s2, s14  }
0x8e: {  	[smem:$0x3F9E] =	sst s2  }
0x8f: {  	_ = 	snop  }
0x90: {  	s2 =	sld [smem:$0x3FD0];
	_ =	sdelay $0x2  }
0x91: {  	s15 =	simm.s32 $0xA;
	s4 =	simm.s32 $0x10  }
0x92: {  	[smem:s4], [sflag:s15] =	dma.local [hbm:s2], $0x1  }
0x93: {  	_ =	swait.eq [sflag:s15], $0x1  }
0x94: {  	[sflag:s15] =	ssyncset.done $0x0  }
0x95: {  	s16 =	sld [smem:$0x10];
	[sflag:s15] =	ssyncadd.s32 $0xFFFFFFFF  }
0x96: {  	s17 =	sld [smem:$0x11];
	(tm) =	ssettm $0x1  }
0x97: {  	s18 =	sld [smem:$0x3FFB];
	_ =	sdelay $0x3  }
0x98: {  	_ =	strace s18  }
0x99: {  	s4 =	sld [smem:$0x3FFC];
	_ =	sdelay $0x3  }
0x9a: {  	_ =	strace s4  }
0x9b: {  	s4 =	sld [smem:$0x3FFD];
	_ =	sdelay $0x3  }
0x9c: {  	_ =	strace s4  }
0x9d: {  	_ =	strace $0x8FFFFFFF  }
0x9e: {  	s19 =	sld [smem:$0x3FDB];
	_ =	sdelay $0x1  }
0x9f: {  	s5 =	simm.s32 $_scs_section_size  }
0xa0: {  	s6 =	simm.s32 $_size__tile_overlayer_lowered;
	s7 =	simm.s32 $_tile_overlayer_lowered  }
0xa1: {  	s22 =	simm.s32 $0x1BFF;
	s21 =	sshll.u32 s7, $0x1;
	s4 =	sadd.s32 s5, s19  }
0xa2: {  	s8 =	simm.s32 $0x0;
	s20 =	sshll.u32 s6, $0x1;
	s6 =	sadd.s32 s21, s4  }
0xa3: {  	[timem:s8], [sflag:s22] =	dma.local [hbm:s6], s20  }
0xa4: {  	_ =	swait.ge [sflag:s22], s20  }
0xa5: {  	s5 =	ssub.s32 $0x0, s20;
	[sflag:s22] =	ssyncset.done $0x0  }
0xa6: {  	[sflag:s22] =	ssyncadd.s32 s5;
	_ =	sdelay $0x1  }
0xa7: {  	s23 =	simm.s32 $0x1B8B  }
0xa8: {  	_ =	swait.ge [sflag:s23], $0x1  }
0xa9: {  	[sflag:s23] =	ssyncset.done $0x0  }
0xaa: {  	s25 =	simm.s32 $0x1B8E;
	s24 =	sld [smem:$0x3FFE];
	[sflag:s23] =	ssyncadd.s32 $0xFFFFFFFF  }
0xab: {  	s26 =	simm.s32 $execute0_lowered;
	[smem:$0x3FD2] =	sst s25  }
0xac: {  	s6 =	sshll.u32 s26, $0x1;
	_ =	strace $0x80000046;
	[dreg:$0x1] =	wrdreg $0xFFFFFFFF  }
0xad: {  	s28 =	simm.s32 $_size_execute0_lowered;
	s4 =	sadd.s32 s4, s6;
	[dreg:$0x0] =	wrdreg $0x0  }
0xae: {  	s6 =	sshll.u32 s28, $0x1;
	[dreg:$0x2] =	wrdreg s4  }
0xaf: {  	[dreg:$0x3] =	wrdreg s6  }
0xb0: {  	[dreg:$0x4] =	wrdreg $0xC0  }
0xb1: {  	_ =	task [dreg:s8], $0x5FFFF  }
0xb2: {  	[dreg:$0x1] =	wrdreg $0xFFFFFFFF  }
0xb3: {  	[dreg:$0x0] =	wrdreg $0x60  }
0xb4: {  	[dreg:$0x2] =	wrdreg s24  }
0xb5: {  	[dreg:$0x3] =	wrdreg s16  }
0xb6: {  	[dreg:$0x4] =	wrdreg s17  }
0xb7: {  	[dreg:$0x5] =	wrdreg $0x90000  }
0xb8: {  	[dreg:$0x6] =	wrdreg $0x9  }
0xb9: {  	_ =	task.clear_ibuf [dreg:s8], $0x7FFFF;
	_ =	strace $0x90000046  }
0xba: {  	s29 =	simm.s32 $0x9;
	_ =	strace $0x80000048  }
0xbb: {  	_ =	swait.ge [sflag:s29], $0x1  }
0xbc: {  	[sflag:s29] =	ssyncadd.s32 $0xFFFFFFFF  }
0xbd: {  	_ =	strace $0x90000048  }
0xbe: {  	_ =	sfence  }
0xbf: {  	s30 =	sld [smem:$0x0];
	_ =	sdelay $0x2  }
0xc0: {  	s31 =	sshll.u32 s1, $0xD;
	s1 =	sshrl.u32 s1, $0x2  }
0xc1: {  	s3 =	sand.u32 $0x4000, s31;
	s1 =	sadd.s32 s1, s30  }
0xc2: {  	s0 =	sor.u32 s3, s0;
	s1 =	sshll.u32 s1, $0x11  }
0xc3: {  	s0 =	sor.u32 s1, s0  }
0xc4: {  	s0 =	sadd.s32 $0x8F2B, s0  }
0xc5: {  	[sflag:s0] =	ssyncadd.remote.s32 $0x1  }
0xc6: {  	_ =	sfence.sel $0xFFFF  }
0xc7: {  	[dreg:$0x0] =	wrdreg $0xFFFFFFFF;
	(pc) =	sbr.abs _section_cstart, $3  }
0xc8: {  	[dreg:$0x1] =	wrdreg $0xFFFFFFFF  }
0xc9: {  	_ =	task.clear_ibuf [dreg:s8], $0x2FFFF;
	_ =	strace $0x9FFFFFFF  }
0xca: {  	(tm) =	ssettm $0x7FFFFFFF  }
0xcb: {  	_ =	shalt  }
tec
execute0_lowered:
.L_overlay_start_1:
0x0: {  	(tag) =	ssettag $0x1  }
0x1: {  	s5 =	rddreg [dreg:$0x0]  }
0x2: {  	s6 =	rddreg [dreg:$0x1]  }
0x3: {  	s3 =	rddreg [dreg:$0x2]  }
0x4: {  	s1 =	rddreg [dreg:$0x3]  }
0x5: {  	s2 =	simm.s32 $0x0;
	s0 =	srdreg.scid;
	s20 =	stileid.u32  }
0x6: {  	s28 =	simm.s32 $0x80;
	s29 =	simm.s32 $0x1000;
	s30 =	simm.s32 $0x5000  }
0x7: {  	s31 =	simm.s32 $0x1;
	[smem:$0x7FF] =	sst s2;
	s4 =	sadd.s32 $0x8000, s5  }
0x8: {  	s7 =	sadd.s32 $0x56200, s5;
	s21 =	sand.u32 $0x1, s0;
	s9 =	smul.u32 $0x14000, s20  }
0x9: {  	s8 =	sadd.s32 $0xA9200, s5;
	s10 =	sadd.s32 $0x59200, s5;
	s13 =	smul.u32 $0x5000, s20  }
0xa: {  	s5 =	sadd.s32 $0x58A00, s5;
	_ =	strace $0x80000047;
	s12 =	smul.u32 $0x140000, s21  }
0xb: {  	[dreg:$0x13] =	wrdreg s7;
	s0 =	ssub.s32 $0x2, s21;
	s7 =	smul.u32 $0x50000, s21  }
0xc: {  	[dreg:$0x1e] =	wrdreg s5;
	s11 =	sshrl.u32 s0, $0x1;
	s16 =	sadd.s32 $0x8000, s9  }
0xd: {  	s19 =	sadd.s32 $0xC000, s9;
	s0 =	ssub.s32 s0, s11;
	s11 =	sadd.s32 $0x4000, s9  }
0xe: {  	s14 =	sadd.s32 s9, s12;
	s23 =	sadd.s32 s12, s16;
	s9 =	sadd.s32 $0x10000, s9  }
0xf: {  	s7 =	sadd.s32 s13, s7;
	s14 =	sshrl.u32 s14, $0x3;
	s0 =	smax.u32 s0, $0x1  }
0x10: {  	s15 =	sadd.s32 s12, s11;
	s17 =	sadd.s32 s8, s14;
	[smem:$0x7FD] =	sst s0  }
0x11: {  	s7 =	sshrl.u32 s7, $0x3;
	s26 =	sadd.s32 s10, s14;
	[dreg:$0x14] =	wrdreg s17  }
0x12: {  	s15 =	sshrl.u32 s15, $0x3;
	s6 =	sadd.s32 s7, s6;
	[dreg:$0x19] =	wrdreg s26  }
0x13: {  	s24 =	sadd.s32 s12, s19;
	s22 =	sadd.s32 s8, s15;
	[dreg:$0x5] =	wrdreg s6  }
0x14: {  	s12 =	sadd.s32 s12, s9;
	s13 =	sadd.s32 s10, s15;
	[dreg:$0x15] =	wrdreg s22  }
0x15: {  	s12 =	sshrl.u32 s12, $0x3;
	s15 =	simm.s32 $0x100;
	[dreg:$0x1a] =	wrdreg s13  }
0x16: {  	s17 =	sshrl.u32 s23, $0x3;
	s21 =	sadd.s32 s10, s12;
	[dreg:$0x6] =	wrdreg s15  }
0x17: {  	s0 =	simm.s32 $0x2;
	s18 =	sadd.s32 s8, s17;
	[dreg:$0x1d] =	wrdreg s21  }
0x18: {  	s23 =	smul.u32 $0x50000, s20;
	s14 =	sadd.s32 s10, s17;
	[dreg:$0x16] =	wrdreg s18  }
0x19: {  	s6 =	simm.s32 $0x900;
	s22 =	simm.s32 $0x200;
	[dreg:$0x1b] =	wrdreg s14  }
0x1a: {  	s13 =	sshll.u32 s20, $0x6;
	s15 =	simm.s32 $0x580;
	[dreg:$0x8] =	wrdreg s22  }
0x1b: {  	s20 =	simm.s32 $0x600;
	s18 =	sshrl.u32 s24, $0x3;
	[dreg:$0xf] =	wrdreg s15  }
0x1c: {  	s24 =	simm.s32 $0x280;
	s26 =	sshrl.u32 s23, $0x2;
	[dreg:$0x10] =	wrdreg s20  }
0x1d: {  	s14 =	simm.s32 $0x500;
	s5 =	sor.u32 $0x1C03, s13;
	[dreg:$0x9] =	wrdreg s24  }
0x1e: {  	s22 =	sadd.s32 s16, s1;
	s23 =	simm.s32 $0x680;
	[smem:$0x7F8] =	sst s5  }
0x1f: {  	s13 =	simm.s32 $0xC80;
	s15 =	simm.s32 $0xD80;
	[dreg:$0xe] =	wrdreg s14  }
0x20: {  	s16 =	simm.s32 $0xE00;
	s20 =	simm.s32 $0xF80;
	[smem:$0x7FA] =	sst s22  }
0x21: {  	s25 =	sadd.s32 s8, s18;
	s8 =	sadd.s32 s8, s12;
	[dreg:$0x11] =	wrdreg s23  }
0x22: {  	s17 =	sadd.s32 s10, s18;
	s18 =	simm.s32 $0x180;
	[dreg:$0x17] =	wrdreg s25  }
0x23: {  	s21 =	sadd.s32 s26, s1;
	s10 =	simm.s32 $0x400;
	[dreg:$0x18] =	wrdreg s8  }
0x24: {  	s12 =	simm.s32 $0x480;
	s24 =	sadd.s32 s19, s1;
	[dreg:$0x1c] =	wrdreg s17  }
0x25: {  	s26 =	sadd.s32 s9, s1;
	s9 =	simm.s32 $0xA80;
	[dreg:$0x7] =	wrdreg s18  }
0x26: {  	s14 =	simm.s32 $0xD00;
	s5 =	simm.s32 $0x780;
	[dreg:$0xc] =	wrdreg s10  }
0x27: {  	s19 =	simm.s32 $0xF00;
	s22 =	simm.s32 $0x0;
	[dreg:$0xd] =	wrdreg s12  }
0x28: {  	s25 =	simm.s32 $0x300;
	s8 =	simm.s32 $0x380;
	[smem:$0x7FB] =	sst s24  }
0x29: {  	s18 =	sadd.s32 s7, s3;
	s17 =	sadd.s32 s11, s1;
	[smem:$0x7FC] =	sst s26  }
0x2a: {  	s26 =	simm.s32 $0x800;
	s3 =	simm.s32 $0x880;
	[dreg:$0x1f] =	wrdreg s21  }
0x2b: {  	s7 =	simm.s32 $0x980;
	s10 =	simm.s32 $0xB00;
	[dreg:$0xa] =	wrdreg s25  }
0x2c: {  	s11 =	simm.s32 $0xB80;
	s12 =	simm.s32 $0xC00;
	[dreg:$0xb] =	wrdreg s8  }
0x2d: {  	s24 =	simm.s32 $0xE80;
	[smem:$0x7F9] =	sst s17;
	s25 =	simm.s32 $0x700  }
0x2e: {  	s8 =	simm.s32 $0xA00;
	[dreg:$0x12] =	wrdreg s25;
	s25 =	simm.s32 $0x3  }
.LBB2_1:
0x2f: {  	[smem:$0x7F6] =	sst s22  }
0x30: {  	s23 =	sld [smem:$0x7F8]  }
0x31: {  	s21 =	sshrl.u32 s21, $0x3;
	s17 =	rddreg [dreg:$0x13]  }
0x32: {  	[smem:$0x7F7] =	sst s21  }
0x33: {  	[spmem:s21], [sflag:s23] =	dma.local [hbm:s17], $0x2800  }
0x34: {  	_ =	swait.ge [sflag:s25], $0x2800  }
0x35: {  	[sflag:s25] =	ssyncset.done $0x0  }
0x36: {  	[sflag:s25] =	ssyncadd.s32 $0xFFFFD800  }
0x37: {  	[bflag:$0x0] =	sbarrier.arrive $0xFFFF  }
0x38: {  	s21 =	rddreg [dreg:$0x5]  }
0x39: {  	s17 =	sadd.s32 $0x0, s21  }
0x3a: {  	[tilespmem:s2], [sflag:$0x3] =	stream.linear.gather [hbm4b:s17+s2], $0x800, $0x38;
	[tilespmem:$0x1D000] =	vst v63  }
0x3b: {  	_ =	swait.ge [sflag:s25], $0x800  }
0x3c: {  	[sflag:s25] =	ssyncset.done $0x0  }
0x3d: {  	s22 =	sadd.s32 $0x0, s18;
	[sflag:s25] =	ssyncadd.s32 $0xFFFFF800  }
0x3e: {  	[tilespmem:s26], [sflag:$0x3] =	stream.linear.gather [hbm4b:s22+s2], $0x800, $0x38;
	[tilespmem:$0x1D000] =	vst v63  }
0x3f: {  	_ =	swait.ge [sflag:s25], $0x800  }
0x40: {  	[sflag:s25] =	ssyncset.done $0x0  }
0x41: {  	[sflag:s25] =	ssyncadd.s32 $0xFFFFF800  }
0x42: {  	[tilespmem:s29], [sflag:$0x1] =	stream.indirect.gather [hbm4b:s4+s28], $0x80, s2, s28, $0xb8;
	[tilespmem:$0x1D000] =	vst v63  }
0x43: {  	_ = 	snop  }
0x44: {  	[tilespmem:s30], [sflag:$0x2] =	stream.indirect.gather [hbm4b:s4+s28], $0x80, s28, s28, $0xb8;
	[tilespmem:$0x1D000] =	vst v63  }
0x45: {  	_ =	swait.ge [sflag:s31], $0x4000  }
0x46: {  	[sflag:s31] =	ssyncset.done $0x0  }
0x47: {  	[sflag:s31] =	ssyncadd.s32 $0xFFFFC000  }
0x48: {  	[spmem:s1] =	stream.indirect.scatter.add.f32 [tilespmem:s29], [sflag:$0x3], $0x80, s26, s28, $0xb8;
	[tilespmem:$0x1D000] =	vst v63  }
0x49: {  	_ =	swait.ge [sflag:s25], $0x4000  }
0x4a: {  	[sflag:s25] =	ssyncset.done $0x0  }
0x4b: {  	s23 =	rddreg [dreg:$0x6];
	[sflag:s25] =	ssyncadd.s32 $0xFFFFC000  }
0x4c: {  	[tilespmem:s29], [sflag:$0x1] =	stream.indirect.gather [hbm4b:s4+s28], $0x80, s23, s28, $0xb8;
	[tilespmem:$0x1D000] =	vst v63  }
0x4d: {  	_ =	swait.ge [sflag:s0], $0x4000  }
0x4e: {  	[sflag:s0] =	ssyncset.done $0x0  }
0x4f: {  	[sflag:s0] =	ssyncadd.s32 $0xFFFFC000  }
0x50: {  	[spmem:s1] =	stream.indirect.scatter.add.f32 [tilespmem:s30], [sflag:$0x3], $0x80, s3, s28, $0xb8;
	[tilespmem:$0x1D000] =	vst v63  }
0x51: {  	_ =	swait.ge [sflag:s25], $0x4000  }
0x52: {  	[sflag:s25] =	ssyncset.done $0x0  }
0x53: {  	s21 =	rddreg [dreg:$0x7];
	[sflag:s25] =	ssyncadd.s32 $0xFFFFC000  }
0x54: {  	[tilespmem:s30], [sflag:$0x2] =	stream.indirect.gather [hbm4b:s4+s28], $0x80, s21, s28, $0xb8;
	[tilespmem:$0x1D000] =	vst v63  }
0x55: {  	_ =	swait.ge [sflag:s31], $0x4000  }
0x56: {  	[sflag:s31] =	ssyncset.done $0x0  }
0x57: {  	[sflag:s31] =	ssyncadd.s32 $0xFFFFC000  }
0x58: {  	[spmem:s1] =	stream.indirect.scatter.add.f32 [tilespmem:s29], [sflag:$0x3], $0x80, s6, s28, $0xb8;
	[tilespmem:$0x1D000] =	vst v63  }
0x59: {  	_ =	swait.ge [sflag:s25], $0x4000  }
0x5a: {  	[sflag:s25] =	ssyncset.done $0x0  }
0x5b: {  	s22 =	rddreg [dreg:$0x8];
	[sflag:s25] =	ssyncadd.s32 $0xFFFFC000  }
0x5c: {  	[tilespmem:s29], [sflag:$0x1] =	stream.indirect.gather [hbm4b:s4+s28], $0x80, s22, s28, $0xb8;
	[tilespmem:$0x1D000] =	vst v63  }
0x5d: {  	_ =	swait.ge [sflag:s0], $0x4000  }
0x5e: {  	[sflag:s0] =	ssyncset.done $0x0  }
0x5f: {  	[sflag:s0] =	ssyncadd.s32 $0xFFFFC000  }
0x60: {  	[spmem:s1] =	stream.indirect.scatter.add.f32 [tilespmem:s30], [sflag:$0x3], $0x80, s7, s28, $0xb8;
	[tilespmem:$0x1D000] =	vst v63  }
0x61: {  	_ =	swait.ge [sflag:s25], $0x4000  }
0x62: {  	[sflag:s25] =	ssyncset.done $0x0  }
0x63: {  	s23 =	rddreg [dreg:$0x9];
	[sflag:s25] =	ssyncadd.s32 $0xFFFFC000  }
0x64: {  	[tilespmem:s30], [sflag:$0x2] =	stream.indirect.gather [hbm4b:s4+s28], $0x80, s23, s28, $0xb8;
	[tilespmem:$0x1D000] =	vst v63  }
0x65: {  	_ =	swait.ge [sflag:s31], $0x4000  }
0x66: {  	[sflag:s31] =	ssyncset.done $0x0  }
0x67: {  	[sflag:s31] =	ssyncadd.s32 $0xFFFFC000  }
0x68: {  	[spmem:s1] =	stream.indirect.scatter.add.f32 [tilespmem:s29], [sflag:$0x3], $0x80, s8, s28, $0xb8;
	[tilespmem:$0x1D000] =	vst v63  }
0x69: {  	_ =	swait.ge [sflag:s25], $0x4000  }
0x6a: {  	[sflag:s25] =	ssyncset.done $0x0  }
0x6b: {  	s21 =	rddreg [dreg:$0xa];
	[sflag:s25] =	ssyncadd.s32 $0xFFFFC000  }
0x6c: {  	[tilespmem:s29], [sflag:$0x1] =	stream.indirect.gather [hbm4b:s4+s28], $0x80, s21, s28, $0xb8;
	[tilespmem:$0x1D000] =	vst v63  }
0x6d: {  	_ =	swait.ge [sflag:s0], $0x4000  }
0x6e: {  	[sflag:s0] =	ssyncset.done $0x0  }
0x6f: {  	[sflag:s0] =	ssyncadd.s32 $0xFFFFC000  }
0x70: {  	[spmem:s1] =	stream.indirect.scatter.add.f32 [tilespmem:s30], [sflag:$0x3], $0x80, s9, s28, $0xb8;
	[tilespmem:$0x1D000] =	vst v63  }
0x71: {  	_ =	swait.ge [sflag:s25], $0x4000  }
0x72: {  	[sflag:s25] =	ssyncset.done $0x0  }
0x73: {  	s22 =	rddreg [dreg:$0xb];
	[sflag:s25] =	ssyncadd.s32 $0xFFFFC000  }
0x74: {  	[tilespmem:s30], [sflag:$0x2] =	stream.indirect.gather [hbm4b:s4+s28], $0x80, s22, s28, $0xb8;
	[tilespmem:$0x1D000] =	vst v63  }
0x75: {  	_ =	swait.ge [sflag:s31], $0x4000  }
0x76: {  	[sflag:s31] =	ssyncset.done $0x0  }
0x77: {  	[sflag:s31] =	ssyncadd.s32 $0xFFFFC000  }
0x78: {  	[spmem:s1] =	stream.indirect.scatter.add.f32 [tilespmem:s29], [sflag:$0x3], $0x80, s10, s28, $0xb8;
	[tilespmem:$0x1D000] =	vst v63  }
0x79: {  	_ =	swait.ge [sflag:s25], $0x4000  }
0x7a: {  	[sflag:s25] =	ssyncset.done $0x0  }
0x7b: {  	s23 =	rddreg [dreg:$0xc];
	[sflag:s25] =	ssyncadd.s32 $0xFFFFC000  }
0x7c: {  	[tilespmem:s29], [sflag:$0x1] =	stream.indirect.gather [hbm4b:s4+s28], $0x80, s23, s28, $0xb8;
	[tilespmem:$0x1D000] =	vst v63  }
0x7d: {  	_ =	swait.ge [sflag:s0], $0x4000  }
0x7e: {  	[sflag:s0] =	ssyncset.done $0x0  }
0x7f: {  	[sflag:s0] =	ssyncadd.s32 $0xFFFFC000  }
0x80: {  	[spmem:s1] =	stream.indirect.scatter.add.f32 [tilespmem:s30], [sflag:$0x3], $0x80, s11, s28, $0xb8;
	[tilespmem:$0x1D000] =	vst v63  }
0x81: {  	_ =	swait.ge [sflag:s25], $0x4000  }
0x82: {  	[sflag:s25] =	ssyncset.done $0x0  }
0x83: {  	s21 =	rddreg [dreg:$0xd];
	[sflag:s25] =	ssyncadd.s32 $0xFFFFC000  }
0x84: {  	[tilespmem:s30], [sflag:$0x2] =	stream.indirect.gather [hbm4b:s4+s28], $0x80, s21, s28, $0xb8;
	[tilespmem:$0x1D000] =	vst v63  }
0x85: {  	_ =	swait.ge [sflag:s31], $0x4000  }
0x86: {  	[sflag:s31] =	ssyncset.done $0x0  }
0x87: {  	[sflag:s31] =	ssyncadd.s32 $0xFFFFC000  }
0x88: {  	[spmem:s1] =	stream.indirect.scatter.add.f32 [tilespmem:s29], [sflag:$0x3], $0x80, s12, s28, $0xb8;
	[tilespmem:$0x1D000] =	vst v63  }
0x89: {  	_ =	swait.ge [sflag:s25], $0x4000  }
0x8a: {  	[sflag:s25] =	ssyncset.done $0x0  }
0x8b: {  	s22 =	rddreg [dreg:$0xe];
	[sflag:s25] =	ssyncadd.s32 $0xFFFFC000  }
0x8c: {  	[tilespmem:s29], [sflag:$0x1] =	stream.indirect.gather [hbm4b:s4+s28], $0x80, s22, s28, $0xb8;
	[tilespmem:$0x1D000] =	vst v63  }
0x8d: {  	_ =	swait.ge [sflag:s0], $0x4000  }
0x8e: {  	[sflag:s0] =	ssyncset.done $0x0  }
0x8f: {  	[sflag:s0] =	ssyncadd.s32 $0xFFFFC000  }
0x90: {  	[spmem:s1] =	stream.indirect.scatter.add.f32 [tilespmem:s30], [sflag:$0x3], $0x80, s13, s28, $0xb8;
	[tilespmem:$0x1D000] =	vst v63  }
0x91: {  	_ =	swait.ge [sflag:s25], $0x4000  }
0x92: {  	[sflag:s25] =	ssyncset.done $0x0  }
0x93: {  	s23 =	rddreg [dreg:$0xf];
	[sflag:s25] =	ssyncadd.s32 $0xFFFFC000  }
0x94: {  	[tilespmem:s30], [sflag:$0x2] =	stream.indirect.gather [hbm4b:s4+s28], $0x80, s23, s28, $0xb8;
	[tilespmem:$0x1D000] =	vst v63  }
0x95: {  	_ =	swait.ge [sflag:s31], $0x4000  }
0x96: {  	[sflag:s31] =	ssyncset.done $0x0  }
0x97: {  	[sflag:s31] =	ssyncadd.s32 $0xFFFFC000  }
0x98: {  	[spmem:s1] =	stream.indirect.scatter.add.f32 [tilespmem:s29], [sflag:$0x3], $0x80, s14, s28, $0xb8;
	[tilespmem:$0x1D000] =	vst v63  }
0x99: {  	_ =	swait.ge [sflag:s25], $0x4000  }
0x9a: {  	[sflag:s25] =	ssyncset.done $0x0  }
0x9b: {  	s21 =	rddreg [dreg:$0x10];
	[sflag:s25] =	ssyncadd.s32 $0xFFFFC000  }
0x9c: {  	[tilespmem:s29], [sflag:$0x1] =	stream.indirect.gather [hbm4b:s4+s28], $0x80, s21, s28, $0xb8;
	[tilespmem:$0x1D000] =	vst v63  }
0x9d: {  	_ =	swait.ge [sflag:s0], $0x4000  }
0x9e: {  	[sflag:s0] =	ssyncset.done $0x0  }
0x9f: {  	[sflag:s0] =	ssyncadd.s32 $0xFFFFC000  }
0xa0: {  	[spmem:s1] =	stream.indirect.scatter.add.f32 [tilespmem:s30], [sflag:$0x3], $0x80, s15, s28, $0xb8;
	[tilespmem:$0x1D000] =	vst v63  }
0xa1: {  	_ =	swait.ge [sflag:s25], $0x4000  }
0xa2: {  	[sflag:s25] =	ssyncset.done $0x0  }
0xa3: {  	s22 =	rddreg [dreg:$0x11];
	[sflag:s25] =	ssyncadd.s32 $0xFFFFC000  }
0xa4: {  	[tilespmem:s30], [sflag:$0x2] =	stream.indirect.gather [hbm4b:s4+s28], $0x80, s22, s28, $0xb8;
	[tilespmem:$0x1D000] =	vst v63  }
0xa5: {  	_ =	swait.ge [sflag:s31], $0x4000  }
0xa6: {  	[sflag:s31] =	ssyncset.done $0x0  }
0xa7: {  	[sflag:s31] =	ssyncadd.s32 $0xFFFFC000  }
0xa8: {  	[spmem:s1] =	stream.indirect.scatter.add.f32 [tilespmem:s29], [sflag:$0x3], $0x80, s16, s28, $0xb8;
	[tilespmem:$0x1D000] =	vst v63  }
0xa9: {  	_ =	swait.ge [sflag:s25], $0x4000  }
0xaa: {  	[sflag:s25] =	ssyncset.done $0x0  }
0xab: {  	s23 =	rddreg [dreg:$0x12];
	[sflag:s25] =	ssyncadd.s32 $0xFFFFC000  }
0xac: {  	[tilespmem:s29], [sflag:$0x1] =	stream.indirect.gather [hbm4b:s4+s28], $0x80, s23, s28, $0xb8;
	[tilespmem:$0x1D000] =	vst v63  }
0xad: {  	_ =	swait.ge [sflag:s0], $0x4000  }
0xae: {  	[sflag:s0] =	ssyncset.done $0x0  }
0xaf: {  	[sflag:s0] =	ssyncadd.s32 $0xFFFFC000  }
0xb0: {  	[spmem:s1] =	stream.indirect.scatter.add.f32 [tilespmem:s30], [sflag:$0x3], $0x80, s24, s28, $0xb8;
	[tilespmem:$0x1D000] =	vst v63  }
0xb1: {  	_ =	swait.ge [sflag:s25], $0x4000  }
0xb2: {  	[sflag:s25] =	ssyncset.done $0x0  }
0xb3: {  	[sflag:s25] =	ssyncadd.s32 $0xFFFFC000  }
0xb4: {  	[tilespmem:s30], [sflag:$0x2] =	stream.indirect.gather [hbm4b:s4+s28], $0x80, s5, s28, $0xb8;
	[tilespmem:$0x1D000] =	vst v63  }
0xb5: {  	_ =	swait.ge [sflag:s31], $0x4000  }
0xb6: {  	[sflag:s31] =	ssyncset.done $0x0  }
0xb7: {  	[sflag:s31] =	ssyncadd.s32 $0xFFFFC000  }
0xb8: {  	[spmem:s1] =	stream.indirect.scatter.add.f32 [tilespmem:s29], [sflag:$0x3], $0x80, s19, s28, $0xb8;
	[tilespmem:$0x1D000] =	vst v63  }
0xb9: {  	_ =	swait.ge [sflag:s25], $0x4000  }
0xba: {  	[sflag:s25] =	ssyncset.done $0x0  }
0xbb: {  	[sflag:s25] =	ssyncadd.s32 $0xFFFFC000  }
0xbc: {  	_ =	swait.ge [sflag:s0], $0x4000  }
0xbd: {  	[sflag:s0] =	ssyncset.done $0x0  }
0xbe: {  	[sflag:s0] =	ssyncadd.s32 $0xFFFFC000  }
0xbf: {  	[spmem:s1] =	stream.indirect.scatter.add.f32 [tilespmem:s30], [sflag:$0x3], $0x80, s20, s28, $0xb8;
	[tilespmem:$0x1D000] =	vst v63  }
0xc0: {  	s17 =	simm.s32 $0x200;
	_ =	swait.ge [sflag:s25], $0x4000  }
0xc1: {  	s23 =	simm.s32 $0x100;
	s22 =	rddreg [dreg:$0x5];
	[sflag:s25] =	ssyncset.done $0x0  }
.LBB2_2:
0xc2: {  	[sflag:s25] =	ssyncadd.s32 $0xFFFFC000;
	s22 =	sadd.s32 s23, s22  }
0xc3: {  	[tilespmem:s2], [sflag:$0x3] =	stream.linear.gather [hbm4b:s22+s2], $0x800, $0x38;
	[tilespmem:$0x1D000] =	vst v63  }
0xc4: {  	_ =	swait.ge [sflag:s25], $0x800  }
0xc5: {  	[sflag:s25] =	ssyncset.done $0x0  }
0xc6: {  	s22 =	sadd.s32 s23, s18;
	[sflag:s25] =	ssyncadd.s32 $0xFFFFF800  }
0xc7: {  	[tilespmem:s26], [sflag:$0x3] =	stream.linear.gather [hbm4b:s22+s2], $0x800, $0x38;
	[tilespmem:$0x1D000] =	vst v63  }
0xc8: {  	_ =	swait.ge [sflag:s25], $0x800  }
0xc9: {  	[sflag:s25] =	ssyncset.done $0x0  }
0xca: {  	[sflag:s25] =	ssyncadd.s32 $0xFFFFF800  }
0xcb: {  	[tilespmem:s29], [sflag:$0x1] =	stream.indirect.gather [hbm4b:s4+s28], $0x80, s2, s28, $0xb8;
	[tilespmem:$0x1D000] =	vst v63  }
0xcc: {  	_ = 	snop  }
0xcd: {  	[tilespmem:s30], [sflag:$0x2] =	stream.indirect.gather [hbm4b:s4+s28], $0x80, s28, s28, $0xb8;
	[tilespmem:$0x1D000] =	vst v63  }
0xce: {  	_ =	swait.ge [sflag:s31], $0x4000  }
0xcf: {  	[sflag:s31] =	ssyncset.done $0x0  }
0xd0: {  	[sflag:s31] =	ssyncadd.s32 $0xFFFFC000  }
0xd1: {  	[spmem:s1] =	stream.indirect.scatter.add.f32 [tilespmem:s29], [sflag:$0x3], $0x80, s26, s28, $0xb8;
	[tilespmem:$0x1D000] =	vst v63  }
0xd2: {  	_ =	swait.ge [sflag:s25], $0x4000  }
0xd3: {  	[sflag:s25] =	ssyncset.done $0x0  }
0xd4: {  	s22 =	rddreg [dreg:$0x6];
	[sflag:s25] =	ssyncadd.s32 $0xFFFFC000  }
0xd5: {  	[tilespmem:s29], [sflag:$0x1] =	stream.indirect.gather [hbm4b:s4+s28], $0x80, s22, s28, $0xb8;
	[tilespmem:$0x1D000] =	vst v63  }
0xd6: {  	_ =	swait.ge [sflag:s0], $0x4000  }
0xd7: {  	[sflag:s0] =	ssyncset.done $0x0  }
0xd8: {  	[sflag:s0] =	ssyncadd.s32 $0xFFFFC000  }
0xd9: {  	[spmem:s1] =	stream.indirect.scatter.add.f32 [tilespmem:s30], [sflag:$0x3], $0x80, s3, s28, $0xb8;
	[tilespmem:$0x1D000] =	vst v63  }
0xda: {  	_ =	swait.ge [sflag:s25], $0x4000  }
0xdb: {  	[sflag:s25] =	ssyncset.done $0x0  }
0xdc: {  	s22 =	rddreg [dreg:$0x7];
	[sflag:s25] =	ssyncadd.s32 $0xFFFFC000  }
0xdd: {  	[tilespmem:s30], [sflag:$0x2] =	stream.indirect.gather [hbm4b:s4+s28], $0x80, s22, s28, $0xb8;
	[tilespmem:$0x1D000] =	vst v63  }
0xde: {  	_ =	swait.ge [sflag:s31], $0x4000  }
0xdf: {  	[sflag:s31] =	ssyncset.done $0x0  }
0xe0: {  	[sflag:s31] =	ssyncadd.s32 $0xFFFFC000  }
0xe1: {  	[spmem:s1] =	stream.indirect.scatter.add.f32 [tilespmem:s29], [sflag:$0x3], $0x80, s6, s28, $0xb8;
	[tilespmem:$0x1D000] =	vst v63  }
0xe2: {  	_ =	swait.ge [sflag:s25], $0x4000  }
0xe3: {  	[sflag:s25] =	ssyncset.done $0x0  }
0xe4: {  	s22 =	rddreg [dreg:$0x8];
	[sflag:s25] =	ssyncadd.s32 $0xFFFFC000  }
0xe5: {  	[tilespmem:s29], [sflag:$0x1] =	stream.indirect.gather [hbm4b:s4+s28], $0x80, s22, s28, $0xb8;
	[tilespmem:$0x1D000] =	vst v63  }
0xe6: {  	_ =	swait.ge [sflag:s0], $0x4000  }
0xe7: {  	[sflag:s0] =	ssyncset.done $0x0  }
0xe8: {  	[sflag:s0] =	ssyncadd.s32 $0xFFFFC000  }
0xe9: {  	[spmem:s1] =	stream.indirect.scatter.add.f32 [tilespmem:s30], [sflag:$0x3], $0x80, s7, s28, $0xb8;
	[tilespmem:$0x1D000] =	vst v63  }
0xea: {  	_ =	swait.ge [sflag:s25], $0x4000  }
0xeb: {  	[sflag:s25] =	ssyncset.done $0x0  }
0xec: {  	s22 =	rddreg [dreg:$0x9];
	[sflag:s25] =	ssyncadd.s32 $0xFFFFC000  }
0xed: {  	[tilespmem:s30], [sflag:$0x2] =	stream.indirect.gather [hbm4b:s4+s28], $0x80, s22, s28, $0xb8;
	[tilespmem:$0x1D000] =	vst v63  }
0xee: {  	_ =	swait.ge [sflag:s31], $0x4000  }
0xef: {  	[sflag:s31] =	ssyncset.done $0x0  }
0xf0: {  	[sflag:s31] =	ssyncadd.s32 $0xFFFFC000  }
0xf1: {  	[spmem:s1] =	stream.indirect.scatter.add.f32 [tilespmem:s29], [sflag:$0x3], $0x80, s8, s28, $0xb8;
	[tilespmem:$0x1D000] =	vst v63  }
0xf2: {  	_ =	swait.ge [sflag:s25], $0x4000  }
0xf3: {  	[sflag:s25] =	ssyncset.done $0x0  }
0xf4: {  	s22 =	rddreg [dreg:$0xa];
	[sflag:s25] =	ssyncadd.s32 $0xFFFFC000  }
0xf5: {  	[tilespmem:s29], [sflag:$0x1] =	stream.indirect.gather [hbm4b:s4+s28], $0x80, s22, s28, $0xb8;
	[tilespmem:$0x1D000] =	vst v63  }
0xf6: {  	_ =	swait.ge [sflag:s0], $0x4000  }
0xf7: {  	[sflag:s0] =	ssyncset.done $0x0  }
0xf8: {  	[sflag:s0] =	ssyncadd.s32 $0xFFFFC000  }
0xf9: {  	[spmem:s1] =	stream.indirect.scatter.add.f32 [tilespmem:s30], [sflag:$0x3], $0x80, s9, s28, $0xb8;
	[tilespmem:$0x1D000] =	vst v63  }
0xfa: {  	_ =	swait.ge [sflag:s25], $0x4000  }
0xfb: {  	[sflag:s25] =	ssyncset.done $0x0  }
0xfc: {  	s22 =	rddreg [dreg:$0xb];
	[sflag:s25] =	ssyncadd.s32 $0xFFFFC000  }
0xfd: {  	[tilespmem:s30], [sflag:$0x2] =	stream.indirect.gather [hbm4b:s4+s28], $0x80, s22, s28, $0xb8;
	[tilespmem:$0x1D000] =	vst v63  }
0xfe: {  	_ =	swait.ge [sflag:s31], $0x4000  }
0xff: {  	[sflag:s31] =	ssyncset.done $0x0  }
0x100: {  	[sflag:s31] =	ssyncadd.s32 $0xFFFFC000  }
0x101: {  	[spmem:s1] =	stream.indirect.scatter.add.f32 [tilespmem:s29], [sflag:$0x3], $0x80, s10, s28, $0xb8;
	[tilespmem:$0x1D000] =	vst v63  }
0x102: {  	_ =	swait.ge [sflag:s25], $0x4000  }
0x103: {  	[sflag:s25] =	ssyncset.done $0x0  }
0x104: {  	s22 =	rddreg [dreg:$0xc];
	[sflag:s25] =	ssyncadd.s32 $0xFFFFC000  }
0x105: {  	[tilespmem:s29], [sflag:$0x1] =	stream.indirect.gather [hbm4b:s4+s28], $0x80, s22, s28, $0xb8;
	[tilespmem:$0x1D000] =	vst v63  }
0x106: {  	_ =	swait.ge [sflag:s0], $0x4000  }
0x107: {  	[sflag:s0] =	ssyncset.done $0x0  }
0x108: {  	[sflag:s0] =	ssyncadd.s32 $0xFFFFC000  }
0x109: {  	[spmem:s1] =	stream.indirect.scatter.add.f32 [tilespmem:s30], [sflag:$0x3], $0x80, s11, s28, $0xb8;
	[tilespmem:$0x1D000] =	vst v63  }
0x10a: {  	_ =	swait.ge [sflag:s25], $0x4000  }
0x10b: {  	[sflag:s25] =	ssyncset.done $0x0  }
0x10c: {  	s22 =	rddreg [dreg:$0xd];
	[sflag:s25] =	ssyncadd.s32 $0xFFFFC000  }
0x10d: {  	[tilespmem:s30], [sflag:$0x2] =	stream.indirect.gather [hbm4b:s4+s28], $0x80, s22, s28, $0xb8;
	[tilespmem:$0x1D000] =	vst v63  }
0x10e: {  	_ =	swait.ge [sflag:s31], $0x4000  }
0x10f: {  	[sflag:s31] =	ssyncset.done $0x0  }
0x110: {  	[sflag:s31] =	ssyncadd.s32 $0xFFFFC000  }
0x111: {  	[spmem:s1] =	stream.indirect.scatter.add.f32 [tilespmem:s29], [sflag:$0x3], $0x80, s12, s28, $0xb8;
	[tilespmem:$0x1D000] =	vst v63  }
0x112: {  	_ =	swait.ge [sflag:s25], $0x4000  }
0x113: {  	[sflag:s25] =	ssyncset.done $0x0  }
0x114: {  	s22 =	rddreg [dreg:$0xe];
	[sflag:s25] =	ssyncadd.s32 $0xFFFFC000  }
0x115: {  	[tilespmem:s29], [sflag:$0x1] =	stream.indirect.gather [hbm4b:s4+s28], $0x80, s22, s28, $0xb8;
	[tilespmem:$0x1D000] =	vst v63  }
0x116: {  	_ =	swait.ge [sflag:s0], $0x4000  }
0x117: {  	[sflag:s0] =	ssyncset.done $0x0  }
0x118: {  	[sflag:s0] =	ssyncadd.s32 $0xFFFFC000  }
0x119: {  	[spmem:s1] =	stream.indirect.scatter.add.f32 [tilespmem:s30], [sflag:$0x3], $0x80, s13, s28, $0xb8;
	[tilespmem:$0x1D000] =	vst v63  }
0x11a: {  	_ =	swait.ge [sflag:s25], $0x4000  }
0x11b: {  	[sflag:s25] =	ssyncset.done $0x0  }
0x11c: {  	s22 =	rddreg [dreg:$0xf];
	[sflag:s25] =	ssyncadd.s32 $0xFFFFC000  }
0x11d: {  	[tilespmem:s30], [sflag:$0x2] =	stream.indirect.gather [hbm4b:s4+s28], $0x80, s22, s28, $0xb8;
	[tilespmem:$0x1D000] =	vst v63  }
0x11e: {  	_ =	swait.ge [sflag:s31], $0x4000  }
0x11f: {  	[sflag:s31] =	ssyncset.done $0x0  }
0x120: {  	[sflag:s31] =	ssyncadd.s32 $0xFFFFC000  }
0x121: {  	[spmem:s1] =	stream.indirect.scatter.add.f32 [tilespmem:s29], [sflag:$0x3], $0x80, s14, s28, $0xb8;
	[tilespmem:$0x1D000] =	vst v63  }
0x122: {  	_ =	swait.ge [sflag:s25], $0x4000  }
0x123: {  	[sflag:s25] =	ssyncset.done $0x0  }
0x124: {  	s22 =	rddreg [dreg:$0x10];
	[sflag:s25] =	ssyncadd.s32 $0xFFFFC000  }
0x125: {  	[tilespmem:s29], [sflag:$0x1] =	stream.indirect.gather [hbm4b:s4+s28], $0x80, s22, s28, $0xb8;
	[tilespmem:$0x1D000] =	vst v63  }
0x126: {  	_ =	swait.ge [sflag:s0], $0x4000  }
0x127: {  	[sflag:s0] =	ssyncset.done $0x0  }
0x128: {  	[sflag:s0] =	ssyncadd.s32 $0xFFFFC000  }
0x129: {  	[spmem:s1] =	stream.indirect.scatter.add.f32 [tilespmem:s30], [sflag:$0x3], $0x80, s15, s28, $0xb8;
	[tilespmem:$0x1D000] =	vst v63  }
0x12a: {  	_ =	swait.ge [sflag:s25], $0x4000  }
0x12b: {  	[sflag:s25] =	ssyncset.done $0x0  }
0x12c: {  	s22 =	rddreg [dreg:$0x11];
	[sflag:s25] =	ssyncadd.s32 $0xFFFFC000  }
0x12d: {  	[tilespmem:s30], [sflag:$0x2] =	stream.indirect.gather [hbm4b:s4+s28], $0x80, s22, s28, $0xb8;
	[tilespmem:$0x1D000] =	vst v63  }
0x12e: {  	_ =	swait.ge [sflag:s31], $0x4000  }
0x12f: {  	[sflag:s31] =	ssyncset.done $0x0  }
0x130: {  	[sflag:s31] =	ssyncadd.s32 $0xFFFFC000  }
0x131: {  	[spmem:s1] =	stream.indirect.scatter.add.f32 [tilespmem:s29], [sflag:$0x3], $0x80, s16, s28, $0xb8;
	[tilespmem:$0x1D000] =	vst v63  }
0x132: {  	_ =	swait.ge [sflag:s25], $0x4000  }
0x133: {  	[sflag:s25] =	ssyncset.done $0x0  }
0x134: {  	s22 =	rddreg [dreg:$0x12];
	[sflag:s25] =	ssyncadd.s32 $0xFFFFC000  }
0x135: {  	[tilespmem:s29], [sflag:$0x1] =	stream.indirect.gather [hbm4b:s4+s28], $0x80, s22, s28, $0xb8;
	[tilespmem:$0x1D000] =	vst v63  }
0x136: {  	_ =	swait.ge [sflag:s0], $0x4000  }
0x137: {  	[sflag:s0] =	ssyncset.done $0x0  }
0x138: {  	[sflag:s0] =	ssyncadd.s32 $0xFFFFC000  }
0x139: {  	[spmem:s1] =	stream.indirect.scatter.add.f32 [tilespmem:s30], [sflag:$0x3], $0x80, s24, s28, $0xb8;
	[tilespmem:$0x1D000] =	vst v63  }
0x13a: {  	_ =	swait.ge [sflag:s25], $0x4000  }
0x13b: {  	[sflag:s25] =	ssyncset.done $0x0  }
0x13c: {  	[sflag:s25] =	ssyncadd.s32 $0xFFFFC000  }
0x13d: {  	[tilespmem:s30], [sflag:$0x2] =	stream.indirect.gather [hbm4b:s4+s28], $0x80, s5, s28, $0xb8;
	[tilespmem:$0x1D000] =	vst v63  }
0x13e: {  	_ =	swait.ge [sflag:s31], $0x4000  }
0x13f: {  	[sflag:s31] =	ssyncset.done $0x0  }
0x140: {  	[sflag:s31] =	ssyncadd.s32 $0xFFFFC000  }
0x141: {  	[spmem:s1] =	stream.indirect.scatter.add.f32 [tilespmem:s29], [sflag:$0x3], $0x80, s19, s28, $0xb8;
	[tilespmem:$0x1D000] =	vst v63  }
0x142: {  	_ =	swait.ge [sflag:s25], $0x4000  }
0x143: {  	[sflag:s25] =	ssyncset.done $0x0  }
0x144: {  	[sflag:s25] =	ssyncadd.s32 $0xFFFFC000  }
0x145: {  	p0 =	sne.s32 s17, $0x900;
	_ =	swait.ge [sflag:s0], $0x4000  }
.Ltmp0:
0x146: {  	[sflag:s0] =	ssyncset.done $0x0;
	(pc) =	sbr.rel @p0 .LBB2_2-.Ltmp0, $4  }
0x147: {  	[sflag:s0] =	ssyncadd.s32 $0xFFFFC000  }
0x148: {  	[spmem:s1] =	stream.indirect.scatter.add.f32 [tilespmem:s30], [sflag:$0x3], $0x80, s20, s28, $0xb8;
	[tilespmem:$0x1D000] =	vst v63  }
0x149: {  	s21 =	smov.u32 s17;
	s17 =	sadd.s32 $0x100, s17;
	_ =	swait.ge [sflag:s25], $0x4000  }
0x14a: {  	s23 =	smov.u32 s21;
	s22 =	rddreg [dreg:$0x5];
	[sflag:s25] =	ssyncset.done $0x0  }
0x14b: {  	[sflag:s25] =	ssyncadd.s32 $0xFFFFC000;
	s17 =	sadd.s32 s23, s22  }
0x14c: {  	[tilespmem:s2], [sflag:$0x3] =	stream.linear.gather [hbm4b:s17+s2], $0x800, $0x38;
	[tilespmem:$0x1D000] =	vst v63  }
0x14d: {  	_ =	swait.ge [sflag:s25], $0x800  }
0x14e: {  	[sflag:s25] =	ssyncset.done $0x0  }
0x14f: {  	s22 =	sadd.s32 s23, s18;
	[sflag:s25] =	ssyncadd.s32 $0xFFFFF800  }
0x150: {  	[tilespmem:s26], [sflag:$0x3] =	stream.linear.gather [hbm4b:s22+s2], $0x800, $0x38;
	[tilespmem:$0x1D000] =	vst v63  }
0x151: {  	_ =	swait.ge [sflag:s25], $0x800  }
0x152: {  	[sflag:s25] =	ssyncset.done $0x0  }
0x153: {  	[sflag:s25] =	ssyncadd.s32 $0xFFFFF800  }
0x154: {  	[tilespmem:s29], [sflag:$0x1] =	stream.indirect.gather [hbm4b:s4+s28], $0x80, s2, s28, $0xb8;
	[tilespmem:$0x1D000] =	vst v63  }
0x155: {  	_ = 	snop  }
0x156: {  	[tilespmem:s30], [sflag:$0x2] =	stream.indirect.gather [hbm4b:s4+s28], $0x80, s28, s28, $0xb8;
	[tilespmem:$0x1D000] =	vst v63  }
0x157: {  	_ =	swait.ge [sflag:s31], $0x4000  }
0x158: {  	[sflag:s31] =	ssyncset.done $0x0  }
0x159: {  	[sflag:s31] =	ssyncadd.s32 $0xFFFFC000  }
0x15a: {  	[spmem:s1] =	stream.indirect.scatter.add.f32 [tilespmem:s29], [sflag:$0x3], $0x80, s26, s28, $0xb8;
	[tilespmem:$0x1D000] =	vst v63  }
0x15b: {  	_ =	swait.ge [sflag:s25], $0x4000  }
0x15c: {  	[sflag:s25] =	ssyncset.done $0x0  }
0x15d: {  	s23 =	rddreg [dreg:$0x6];
	[sflag:s25] =	ssyncadd.s32 $0xFFFFC000  }
0x15e: {  	[tilespmem:s29], [sflag:$0x1] =	stream.indirect.gather [hbm4b:s4+s28], $0x80, s23, s28, $0xb8;
	[tilespmem:$0x1D000] =	vst v63  }
0x15f: {  	_ =	swait.ge [sflag:s0], $0x4000  }
0x160: {  	[sflag:s0] =	ssyncset.done $0x0  }
0x161: {  	[sflag:s0] =	ssyncadd.s32 $0xFFFFC000  }
0x162: {  	[spmem:s1] =	stream.indirect.scatter.add.f32 [tilespmem:s30], [sflag:$0x3], $0x80, s3, s28, $0xb8;
	[tilespmem:$0x1D000] =	vst v63  }
0x163: {  	_ =	swait.ge [sflag:s25], $0x4000  }
0x164: {  	[sflag:s25] =	ssyncset.done $0x0  }
0x165: {  	s21 =	rddreg [dreg:$0x7];
	[sflag:s25] =	ssyncadd.s32 $0xFFFFC000  }
0x166: {  	[tilespmem:s30], [sflag:$0x2] =	stream.indirect.gather [hbm4b:s4+s28], $0x80, s21, s28, $0xb8;
	[tilespmem:$0x1D000] =	vst v63  }
0x167: {  	_ =	swait.ge [sflag:s31], $0x4000  }
0x168: {  	[sflag:s31] =	ssyncset.done $0x0  }
0x169: {  	[sflag:s31] =	ssyncadd.s32 $0xFFFFC000  }
0x16a: {  	[spmem:s1] =	stream.indirect.scatter.add.f32 [tilespmem:s29], [sflag:$0x3], $0x80, s6, s28, $0xb8;
	[tilespmem:$0x1D000] =	vst v63  }
0x16b: {  	_ =	swait.ge [sflag:s25], $0x4000  }
0x16c: {  	[sflag:s25] =	ssyncset.done $0x0  }
0x16d: {  	s22 =	rddreg [dreg:$0x8];
	[sflag:s25] =	ssyncadd.s32 $0xFFFFC000  }
0x16e: {  	[tilespmem:s29], [sflag:$0x1] =	stream.indirect.gather [hbm4b:s4+s28], $0x80, s22, s28, $0xb8;
	[tilespmem:$0x1D000] =	vst v63  }
0x16f: {  	_ =	swait.ge [sflag:s0], $0x4000  }
0x170: {  	[sflag:s0] =	ssyncset.done $0x0  }
0x171: {  	[sflag:s0] =	ssyncadd.s32 $0xFFFFC000  }
0x172: {  	[spmem:s1] =	stream.indirect.scatter.add.f32 [tilespmem:s30], [sflag:$0x3], $0x80, s7, s28, $0xb8;
	[tilespmem:$0x1D000] =	vst v63  }
0x173: {  	_ =	swait.ge [sflag:s25], $0x4000  }
0x174: {  	[sflag:s25] =	ssyncset.done $0x0  }
0x175: {  	s23 =	rddreg [dreg:$0x9];
	[sflag:s25] =	ssyncadd.s32 $0xFFFFC000  }
0x176: {  	[tilespmem:s30], [sflag:$0x2] =	stream.indirect.gather [hbm4b:s4+s28], $0x80, s23, s28, $0xb8;
	[tilespmem:$0x1D000] =	vst v63  }
0x177: {  	_ =	swait.ge [sflag:s31], $0x4000  }
0x178: {  	[sflag:s31] =	ssyncset.done $0x0  }
0x179: {  	[sflag:s31] =	ssyncadd.s32 $0xFFFFC000  }
0x17a: {  	[spmem:s1] =	stream.indirect.scatter.add.f32 [tilespmem:s29], [sflag:$0x3], $0x80, s8, s28, $0xb8;
	[tilespmem:$0x1D000] =	vst v63  }
0x17b: {  	_ =	swait.ge [sflag:s25], $0x4000  }
0x17c: {  	[sflag:s25] =	ssyncset.done $0x0  }
0x17d: {  	s21 =	rddreg [dreg:$0xa];
	[sflag:s25] =	ssyncadd.s32 $0xFFFFC000  }
0x17e: {  	[tilespmem:s29], [sflag:$0x1] =	stream.indirect.gather [hbm4b:s4+s28], $0x80, s21, s28, $0xb8;
	[tilespmem:$0x1D000] =	vst v63  }
0x17f: {  	_ =	swait.ge [sflag:s0], $0x4000  }
0x180: {  	[sflag:s0] =	ssyncset.done $0x0  }
0x181: {  	[sflag:s0] =	ssyncadd.s32 $0xFFFFC000  }
0x182: {  	[spmem:s1] =	stream.indirect.scatter.add.f32 [tilespmem:s30], [sflag:$0x3], $0x80, s9, s28, $0xb8;
	[tilespmem:$0x1D000] =	vst v63  }
0x183: {  	_ =	swait.ge [sflag:s25], $0x4000  }
0x184: {  	[sflag:s25] =	ssyncset.done $0x0  }
0x185: {  	s22 =	rddreg [dreg:$0xb];
	[sflag:s25] =	ssyncadd.s32 $0xFFFFC000  }
0x186: {  	[tilespmem:s30], [sflag:$0x2] =	stream.indirect.gather [hbm4b:s4+s28], $0x80, s22, s28, $0xb8;
	[tilespmem:$0x1D000] =	vst v63  }
0x187: {  	_ =	swait.ge [sflag:s31], $0x4000  }
0x188: {  	[sflag:s31] =	ssyncset.done $0x0  }
0x189: {  	[sflag:s31] =	ssyncadd.s32 $0xFFFFC000  }
0x18a: {  	[spmem:s1] =	stream.indirect.scatter.add.f32 [tilespmem:s29], [sflag:$0x3], $0x80, s10, s28, $0xb8;
	[tilespmem:$0x1D000] =	vst v63  }
0x18b: {  	_ =	swait.ge [sflag:s25], $0x4000  }
0x18c: {  	[sflag:s25] =	ssyncset.done $0x0  }
0x18d: {  	s23 =	rddreg [dreg:$0xc];
	[sflag:s25] =	ssyncadd.s32 $0xFFFFC000  }
0x18e: {  	[tilespmem:s29], [sflag:$0x1] =	stream.indirect.gather [hbm4b:s4+s28], $0x80, s23, s28, $0xb8;
	[tilespmem:$0x1D000] =	vst v63  }
0x18f: {  	_ =	swait.ge [sflag:s0], $0x4000  }
0x190: {  	[sflag:s0] =	ssyncset.done $0x0  }
0x191: {  	[sflag:s0] =	ssyncadd.s32 $0xFFFFC000  }
0x192: {  	[spmem:s1] =	stream.indirect.scatter.add.f32 [tilespmem:s30], [sflag:$0x3], $0x80, s11, s28, $0xb8;
	[tilespmem:$0x1D000] =	vst v63  }
0x193: {  	_ =	swait.ge [sflag:s25], $0x4000  }
0x194: {  	[sflag:s25] =	ssyncset.done $0x0  }
0x195: {  	s21 =	rddreg [dreg:$0xd];
	[sflag:s25] =	ssyncadd.s32 $0xFFFFC000  }
0x196: {  	[tilespmem:s30], [sflag:$0x2] =	stream.indirect.gather [hbm4b:s4+s28], $0x80, s21, s28, $0xb8;
	[tilespmem:$0x1D000] =	vst v63  }
0x197: {  	_ =	swait.ge [sflag:s31], $0x4000  }
0x198: {  	[sflag:s31] =	ssyncset.done $0x0  }
0x199: {  	[sflag:s31] =	ssyncadd.s32 $0xFFFFC000  }
0x19a: {  	[spmem:s1] =	stream.indirect.scatter.add.f32 [tilespmem:s29], [sflag:$0x3], $0x80, s12, s28, $0xb8;
	[tilespmem:$0x1D000] =	vst v63  }
0x19b: {  	_ =	swait.ge [sflag:s25], $0x4000  }
0x19c: {  	[sflag:s25] =	ssyncset.done $0x0  }
0x19d: {  	s22 =	rddreg [dreg:$0xe];
	[sflag:s25] =	ssyncadd.s32 $0xFFFFC000  }
0x19e: {  	[tilespmem:s29], [sflag:$0x1] =	stream.indirect.gather [hbm4b:s4+s28], $0x80, s22, s28, $0xb8;
	[tilespmem:$0x1D000] =	vst v63  }
0x19f: {  	_ =	swait.ge [sflag:s0], $0x4000  }
0x1a0: {  	[sflag:s0] =	ssyncset.done $0x0  }
0x1a1: {  	[sflag:s0] =	ssyncadd.s32 $0xFFFFC000  }
0x1a2: {  	[spmem:s1] =	stream.indirect.scatter.add.f32 [tilespmem:s30], [sflag:$0x3], $0x80, s13, s28, $0xb8;
	[tilespmem:$0x1D000] =	vst v63  }
0x1a3: {  	_ =	swait.ge [sflag:s25], $0x4000  }
0x1a4: {  	[sflag:s25] =	ssyncset.done $0x0  }
0x1a5: {  	s23 =	rddreg [dreg:$0xf];
	[sflag:s25] =	ssyncadd.s32 $0xFFFFC000  }
0x1a6: {  	[tilespmem:s30], [sflag:$0x2] =	stream.indirect.gather [hbm4b:s4+s28], $0x80, s23, s28, $0xb8;
	[tilespmem:$0x1D000] =	vst v63  }
0x1a7: {  	_ =	swait.ge [sflag:s31], $0x4000  }
0x1a8: {  	[sflag:s31] =	ssyncset.done $0x0  }
0x1a9: {  	[sflag:s31] =	ssyncadd.s32 $0xFFFFC000  }
0x1aa: {  	[spmem:s1] =	stream.indirect.scatter.add.f32 [tilespmem:s29], [sflag:$0x3], $0x80, s14, s28, $0xb8;
	[tilespmem:$0x1D000] =	vst v63  }
0x1ab: {  	_ =	swait.ge [sflag:s25], $0x4000  }
0x1ac: {  	[sflag:s25] =	ssyncset.done $0x0  }
0x1ad: {  	s21 =	rddreg [dreg:$0x10];
	[sflag:s25] =	ssyncadd.s32 $0xFFFFC000  }
0x1ae: {  	[tilespmem:s29], [sflag:$0x1] =	stream.indirect.gather [hbm4b:s4+s28], $0x80, s21, s28, $0xb8;
	[tilespmem:$0x1D000] =	vst v63  }
0x1af: {  	_ =	swait.ge [sflag:s0], $0x4000  }
0x1b0: {  	[sflag:s0] =	ssyncset.done $0x0  }
0x1b1: {  	[sflag:s0] =	ssyncadd.s32 $0xFFFFC000  }
0x1b2: {  	[spmem:s1] =	stream.indirect.scatter.add.f32 [tilespmem:s30], [sflag:$0x3], $0x80, s15, s28, $0xb8;
	[tilespmem:$0x1D000] =	vst v63  }
0x1b3: {  	_ =	swait.ge [sflag:s25], $0x4000  }
0x1b4: {  	[sflag:s25] =	ssyncset.done $0x0  }
0x1b5: {  	s22 =	rddreg [dreg:$0x11];
	[sflag:s25] =	ssyncadd.s32 $0xFFFFC000  }
0x1b6: {  	[tilespmem:s30], [sflag:$0x2] =	stream.indirect.gather [hbm4b:s4+s28], $0x80, s22, s28, $0xb8;
	[tilespmem:$0x1D000] =	vst v63  }
0x1b7: {  	_ =	swait.ge [sflag:s31], $0x4000  }
0x1b8: {  	[sflag:s31] =	ssyncset.done $0x0  }
0x1b9: {  	[sflag:s31] =	ssyncadd.s32 $0xFFFFC000  }
0x1ba: {  	[spmem:s1] =	stream.indirect.scatter.add.f32 [tilespmem:s29], [sflag:$0x3], $0x80, s16, s28, $0xb8;
	[tilespmem:$0x1D000] =	vst v63  }
0x1bb: {  	_ =	swait.ge [sflag:s25], $0x4000  }
0x1bc: {  	[sflag:s25] =	ssyncset.done $0x0  }
0x1bd: {  	s23 =	rddreg [dreg:$0x12];
	[sflag:s25] =	ssyncadd.s32 $0xFFFFC000  }
0x1be: {  	[tilespmem:s29], [sflag:$0x1] =	stream.indirect.gather [hbm4b:s4+s28], $0x80, s23, s28, $0xb8;
	[tilespmem:$0x1D000] =	vst v63  }
0x1bf: {  	_ =	swait.ge [sflag:s0], $0x4000  }
0x1c0: {  	[sflag:s0] =	ssyncset.done $0x0  }
0x1c1: {  	[sflag:s0] =	ssyncadd.s32 $0xFFFFC000  }
0x1c2: {  	[spmem:s1] =	stream.indirect.scatter.add.f32 [tilespmem:s30], [sflag:$0x3], $0x80, s24, s28, $0xb8;
	[tilespmem:$0x1D000] =	vst v63  }
0x1c3: {  	_ =	swait.ge [sflag:s25], $0x4000  }
0x1c4: {  	[sflag:s25] =	ssyncset.done $0x0  }
0x1c5: {  	[sflag:s25] =	ssyncadd.s32 $0xFFFFC000  }
0x1c6: {  	[tilespmem:s30], [sflag:$0x2] =	stream.indirect.gather [hbm4b:s4+s28], $0x80, s5, s28, $0xb8;
	[tilespmem:$0x1D000] =	vst v63  }
0x1c7: {  	_ =	swait.ge [sflag:s31], $0x4000  }
0x1c8: {  	[sflag:s31] =	ssyncset.done $0x0  }
0x1c9: {  	[sflag:s31] =	ssyncadd.s32 $0xFFFFC000  }
0x1ca: {  	[spmem:s1] =	stream.indirect.scatter.add.f32 [tilespmem:s29], [sflag:$0x3], $0x80, s19, s28, $0xb8;
	[tilespmem:$0x1D000] =	vst v63  }
0x1cb: {  	_ =	swait.ge [sflag:s25], $0x4000  }
0x1cc: {  	[sflag:s25] =	ssyncset.done $0x0  }
0x1cd: {  	[sflag:s25] =	ssyncadd.s32 $0xFFFFC000  }
0x1ce: {  	_ =	swait.ge [sflag:s0], $0x4000  }
0x1cf: {  	[sflag:s0] =	ssyncset.done $0x0  }
0x1d0: {  	[sflag:s0] =	ssyncadd.s32 $0xFFFFC000  }
0x1d1: {  	[spmem:s1] =	stream.indirect.scatter.add.f32 [tilespmem:s30], [sflag:$0x3], $0x80, s20, s28, $0xb8;
	[tilespmem:$0x1D000] =	vst v63  }
0x1d2: {  	_ =	swait.ge [sflag:s25], $0x4000  }
0x1d3: {  	[sflag:s25] =	ssyncset.done $0x0  }
0x1d4: {  	[sflag:s25] =	ssyncadd.s32 $0xFFFFC000  }
0x1d5: {  	[bflag:$0x0] =	sbarrier.arrive $0xFFFF  }
0x1d6: {  	s21 =	rddreg [dreg:$0x1f]  }
0x1d7: {  	[tilespmem:s29], [sflag:$0x3] =	stream.linear.gather [spmem:s21], $0x4000, $0x38;
	[tilespmem:$0x1D000] =	vst v63  }
0x1d8: {  	_ =	swait.ge [sflag:s25], $0x4000  }
0x1d9: {  	[sflag:s25] =	ssyncset.done $0x0  }
0x1da: {  	s17 =	simm.s32 $0x0;
	s21 =	rddreg [dreg:$0x14];
	[sflag:s25] =	ssyncadd.s32 $0xFFFFC000  }
0x1db: {  	[hbm4b:s21+s17] =	stream.linear.scatter [tilespmem:s29], [sflag:$0x3], $0x4000, $0x38;
	[tilespmem:$0x1D000] =	vst v63  }
0x1dc: {  	_ =	swait.ge [sflag:s25], $0x4000  }
0x1dd: {  	s22 =	sld [smem:$0x7F9]  }
0x1de: {  	[sflag:s25] =	ssyncset.done $0x0  }
0x1df: {  	[sflag:s25] =	ssyncadd.s32 $0xFFFFC000  }
0x1e0: {  	[tilespmem:s29], [sflag:$0x3] =	stream.linear.gather [spmem:s22], $0x4000, $0x38;
	[tilespmem:$0x1D000] =	vst v63  }
0x1e1: {  	_ =	swait.ge [sflag:s25], $0x4000  }
0x1e2: {  	[sflag:s25] =	ssyncset.done $0x0  }
0x1e3: {  	s23 =	rddreg [dreg:$0x15];
	[sflag:s25] =	ssyncadd.s32 $0xFFFFC000  }
0x1e4: {  	[hbm4b:s23+s17] =	stream.linear.scatter [tilespmem:s29], [sflag:$0x3], $0x4000, $0x38;
	[tilespmem:$0x1D000] =	vst v63  }
0x1e5: {  	_ =	swait.ge [sflag:s25], $0x4000  }
0x1e6: {  	s22 =	sld [smem:$0x7FA]  }
0x1e7: {  	[sflag:s25] =	ssyncset.done $0x0  }
0x1e8: {  	[sflag:s25] =	ssyncadd.s32 $0xFFFFC000  }
0x1e9: {  	[tilespmem:s29], [sflag:$0x3] =	stream.linear.gather [spmem:s22], $0x4000, $0x38;
	[tilespmem:$0x1D000] =	vst v63  }
0x1ea: {  	_ =	swait.ge [sflag:s25], $0x4000  }
0x1eb: {  	[sflag:s25] =	ssyncset.done $0x0  }
0x1ec: {  	s23 =	rddreg [dreg:$0x16];
	[sflag:s25] =	ssyncadd.s32 $0xFFFFC000  }
0x1ed: {  	[hbm4b:s23+s17] =	stream.linear.scatter [tilespmem:s29], [sflag:$0x3], $0x4000, $0x38;
	[tilespmem:$0x1D000] =	vst v63  }
0x1ee: {  	_ =	swait.ge [sflag:s25], $0x4000  }
0x1ef: {  	s22 =	sld [smem:$0x7FB]  }
0x1f0: {  	[sflag:s25] =	ssyncset.done $0x0  }
0x1f1: {  	[sflag:s25] =	ssyncadd.s32 $0xFFFFC000  }
0x1f2: {  	[tilespmem:s29], [sflag:$0x3] =	stream.linear.gather [spmem:s22], $0x4000, $0x38;
	[tilespmem:$0x1D000] =	vst v63  }
0x1f3: {  	_ =	swait.ge [sflag:s25], $0x4000  }
0x1f4: {  	[sflag:s25] =	ssyncset.done $0x0  }
0x1f5: {  	s23 =	rddreg [dreg:$0x17];
	[sflag:s25] =	ssyncadd.s32 $0xFFFFC000  }
0x1f6: {  	[hbm4b:s23+s17] =	stream.linear.scatter [tilespmem:s29], [sflag:$0x3], $0x4000, $0x38;
	[tilespmem:$0x1D000] =	vst v63  }
0x1f7: {  	_ =	swait.ge [sflag:s25], $0x4000  }
0x1f8: {  	s22 =	sld [smem:$0x7FC]  }
0x1f9: {  	[sflag:s25] =	ssyncset.done $0x0  }
0x1fa: {  	[sflag:s25] =	ssyncadd.s32 $0xFFFFC000  }
0x1fb: {  	[tilespmem:s29], [sflag:$0x3] =	stream.linear.gather [spmem:s22], $0x4000, $0x38;
	[tilespmem:$0x1D000] =	vst v63  }
0x1fc: {  	_ =	swait.ge [sflag:s25], $0x4000  }
0x1fd: {  	[sflag:s25] =	ssyncset.done $0x0  }
0x1fe: {  	s23 =	rddreg [dreg:$0x18];
	[sflag:s25] =	ssyncadd.s32 $0xFFFFC000  }
0x1ff: {  	[hbm4b:s23+s17] =	stream.linear.scatter [tilespmem:s29], [sflag:$0x3], $0x4000, $0x38;
	[tilespmem:$0x1D000] =	vst v63  }
0x200: {  	_ =	swait.ge [sflag:s25], $0x4000  }
0x201: {  	[sflag:s25] =	ssyncset.done $0x0  }
0x202: {  	[sflag:s25] =	ssyncadd.s32 $0xFFFFC000  }
0x203: {  	[bflag:$0x0] =	sbarrier.arrive $0xFFFF  }
0x204: {  	s22 =	sld [smem:$0x7F8]  }
0x205: {  	s23 =	sld [smem:$0x7F7];
	_ =	sdelay $0x1  }
0x206: {  	s21 =	rddreg [dreg:$0x13]  }
0x207: {  	[spmem:s23], [sflag:s22] =	dma.local [hbm:s21], $0x2800  }
0x208: {  	_ =	swait.ge [sflag:s25], $0x2800  }
0x209: {  	[sflag:s25] =	ssyncset.done $0x0  }
0x20a: {  	s22 =	rddreg [dreg:$0x1e];
	[sflag:s25] =	ssyncadd.s32 $0xFFFFD800  }
0x20b: {  	[tilespmem:s29], [sflag:$0x3] =	stream.linear.gather [hbm4b:s22+s17], $0x4000, $0x38;
	[tilespmem:$0x1D000] =	vst v63  }
0x20c: {  	_ =	swait.ge [sflag:s25], $0x4000  }
0x20d: {  	[sflag:s25] =	ssyncset.done $0x0  }
0x20e: {  	[sflag:s25] =	ssyncadd.s32 $0xFFFFC000  }
0x20f: {  	s23 =	sadd.s32 $0x0, s18;
	[bflag:$0x0] =	sbarrier.arrive $0xFFFF  }
0x210: {  	[tilespmem:s26], [sflag:$0x3] =	stream.linear.gather [hbm4b:s23+s2], $0x800, $0x38;
	[tilespmem:$0x1D000] =	vst v63  }
0x211: {  	_ =	swait.ge [sflag:s25], $0x800  }
0x212: {  	[sflag:s25] =	ssyncset.done $0x0  }
0x213: {  	[sflag:s25] =	ssyncadd.s32 $0xFFFFF800  }
0x214: {  	[spmem:s1] =	stream.indirect.scatter.add.f32 [tilespmem:s29], [sflag:$0x3], $0x80, s26, s28, $0xb8;
	[tilespmem:$0x1D000] =	vst v63  }
0x215: {  	_ =	swait.ge [sflag:s25], $0x4000  }
0x216: {  	[sflag:s25] =	ssyncset.done $0x0  }
0x217: {  	[sflag:s25] =	ssyncadd.s32 $0xFFFFC000  }
0x218: {  	[spmem:s1] =	stream.indirect.scatter.add.f32 [tilespmem:s29], [sflag:$0x3], $0x80, s3, s28, $0xb8;
	[tilespmem:$0x1D000] =	vst v63  }
0x219: {  	_ =	swait.ge [sflag:s25], $0x4000  }
0x21a: {  	[sflag:s25] =	ssyncset.done $0x0  }
0x21b: {  	[sflag:s25] =	ssyncadd.s32 $0xFFFFC000  }
0x21c: {  	[spmem:s1] =	stream.indirect.scatter.add.f32 [tilespmem:s29], [sflag:$0x3], $0x80, s6, s28, $0xb8;
	[tilespmem:$0x1D000] =	vst v63  }
0x21d: {  	_ =	swait.ge [sflag:s25], $0x4000  }
0x21e: {  	[sflag:s25] =	ssyncset.done $0x0  }
0x21f: {  	[sflag:s25] =	ssyncadd.s32 $0xFFFFC000  }
0x220: {  	[spmem:s1] =	stream.indirect.scatter.add.f32 [tilespmem:s29], [sflag:$0x3], $0x80, s7, s28, $0xb8;
	[tilespmem:$0x1D000] =	vst v63  }
0x221: {  	_ =	swait.ge [sflag:s25], $0x4000  }
0x222: {  	[sflag:s25] =	ssyncset.done $0x0  }
0x223: {  	[sflag:s25] =	ssyncadd.s32 $0xFFFFC000  }
0x224: {  	[spmem:s1] =	stream.indirect.scatter.add.f32 [tilespmem:s29], [sflag:$0x3], $0x80, s8, s28, $0xb8;
	[tilespmem:$0x1D000] =	vst v63  }
0x225: {  	_ =	swait.ge [sflag:s25], $0x4000  }
0x226: {  	[sflag:s25] =	ssyncset.done $0x0  }
0x227: {  	[sflag:s25] =	ssyncadd.s32 $0xFFFFC000  }
0x228: {  	[spmem:s1] =	stream.indirect.scatter.add.f32 [tilespmem:s29], [sflag:$0x3], $0x80, s9, s28, $0xb8;
	[tilespmem:$0x1D000] =	vst v63  }
0x229: {  	_ =	swait.ge [sflag:s25], $0x4000  }
0x22a: {  	[sflag:s25] =	ssyncset.done $0x0  }
0x22b: {  	[sflag:s25] =	ssyncadd.s32 $0xFFFFC000  }
0x22c: {  	[spmem:s1] =	stream.indirect.scatter.add.f32 [tilespmem:s29], [sflag:$0x3], $0x80, s10, s28, $0xb8;
	[tilespmem:$0x1D000] =	vst v63  }
0x22d: {  	_ =	swait.ge [sflag:s25], $0x4000  }
0x22e: {  	[sflag:s25] =	ssyncset.done $0x0  }
0x22f: {  	[sflag:s25] =	ssyncadd.s32 $0xFFFFC000  }
0x230: {  	[spmem:s1] =	stream.indirect.scatter.add.f32 [tilespmem:s29], [sflag:$0x3], $0x80, s11, s28, $0xb8;
	[tilespmem:$0x1D000] =	vst v63  }
0x231: {  	_ =	swait.ge [sflag:s25], $0x4000  }
0x232: {  	[sflag:s25] =	ssyncset.done $0x0  }
0x233: {  	[sflag:s25] =	ssyncadd.s32 $0xFFFFC000  }
0x234: {  	[spmem:s1] =	stream.indirect.scatter.add.f32 [tilespmem:s29], [sflag:$0x3], $0x80, s12, s28, $0xb8;
	[tilespmem:$0x1D000] =	vst v63  }
0x235: {  	_ =	swait.ge [sflag:s25], $0x4000  }
0x236: {  	[sflag:s25] =	ssyncset.done $0x0  }
0x237: {  	[sflag:s25] =	ssyncadd.s32 $0xFFFFC000  }
0x238: {  	[spmem:s1] =	stream.indirect.scatter.add.f32 [tilespmem:s29], [sflag:$0x3], $0x80, s13, s28, $0xb8;
	[tilespmem:$0x1D000] =	vst v63  }
0x239: {  	_ =	swait.ge [sflag:s25], $0x4000  }
0x23a: {  	[sflag:s25] =	ssyncset.done $0x0  }
0x23b: {  	[sflag:s25] =	ssyncadd.s32 $0xFFFFC000  }
0x23c: {  	[spmem:s1] =	stream.indirect.scatter.add.f32 [tilespmem:s29], [sflag:$0x3], $0x80, s14, s28, $0xb8;
	[tilespmem:$0x1D000] =	vst v63  }
0x23d: {  	_ =	swait.ge [sflag:s25], $0x4000  }
0x23e: {  	[sflag:s25] =	ssyncset.done $0x0  }
0x23f: {  	[sflag:s25] =	ssyncadd.s32 $0xFFFFC000  }
0x240: {  	[spmem:s1] =	stream.indirect.scatter.add.f32 [tilespmem:s29], [sflag:$0x3], $0x80, s15, s28, $0xb8;
	[tilespmem:$0x1D000] =	vst v63  }
0x241: {  	_ =	swait.ge [sflag:s25], $0x4000  }
0x242: {  	[sflag:s25] =	ssyncset.done $0x0  }
0x243: {  	[sflag:s25] =	ssyncadd.s32 $0xFFFFC000  }
0x244: {  	[spmem:s1] =	stream.indirect.scatter.add.f32 [tilespmem:s29], [sflag:$0x3], $0x80, s16, s28, $0xb8;
	[tilespmem:$0x1D000] =	vst v63  }
0x245: {  	_ =	swait.ge [sflag:s25], $0x4000  }
0x246: {  	[sflag:s25] =	ssyncset.done $0x0  }
0x247: {  	[sflag:s25] =	ssyncadd.s32 $0xFFFFC000  }
0x248: {  	[spmem:s1] =	stream.indirect.scatter.add.f32 [tilespmem:s29], [sflag:$0x3], $0x80, s24, s28, $0xb8;
	[tilespmem:$0x1D000] =	vst v63  }
0x249: {  	_ =	swait.ge [sflag:s25], $0x4000  }
0x24a: {  	[sflag:s25] =	ssyncset.done $0x0  }
0x24b: {  	[sflag:s25] =	ssyncadd.s32 $0xFFFFC000  }
0x24c: {  	[spmem:s1] =	stream.indirect.scatter.add.f32 [tilespmem:s29], [sflag:$0x3], $0x80, s19, s28, $0xb8;
	[tilespmem:$0x1D000] =	vst v63  }
0x24d: {  	_ =	swait.ge [sflag:s25], $0x4000  }
0x24e: {  	[sflag:s25] =	ssyncset.done $0x0  }
0x24f: {  	[sflag:s25] =	ssyncadd.s32 $0xFFFFC000  }
0x250: {  	[spmem:s1] =	stream.indirect.scatter.add.f32 [tilespmem:s29], [sflag:$0x3], $0x80, s20, s28, $0xb8;
	[tilespmem:$0x1D000] =	vst v63  }
0x251: {  	_ =	swait.ge [sflag:s25], $0x4000  }
0x252: {  	s17 =	simm.s32 $0x100;
	s23 =	simm.s32 $0x200;
	[sflag:s25] =	ssyncset.done $0x0  }
.LBB2_4:
0x253: {  	s21 =	sadd.s32 s17, s18  }
0x254: {  	[sflag:s25] =	ssyncadd.s32 $0xFFFFC000;
	s17 =	smov.u32 s23;
	s22 =	sadd.s32 $0x100, s23  }
0x255: {  	[tilespmem:s26], [sflag:$0x3] =	stream.linear.gather [hbm4b:s21+s2], $0x800, $0x38;
	[tilespmem:$0x1D000] =	vst v63  }
0x256: {  	p0 =	sne.s32 s23, $0x900;
	_ =	swait.ge [sflag:s25], $0x800  }
0x257: {  	[sflag:s25] =	ssyncset.done $0x0  }
0x258: {  	[sflag:s25] =	ssyncadd.s32 $0xFFFFF800  }
0x259: {  	[spmem:s1] =	stream.indirect.scatter.add.f32 [tilespmem:s29], [sflag:$0x3], $0x80, s26, s28, $0xb8;
	[tilespmem:$0x1D000] =	vst v63  }
0x25a: {  	_ =	swait.ge [sflag:s25], $0x4000  }
0x25b: {  	[sflag:s25] =	ssyncset.done $0x0  }
0x25c: {  	[sflag:s25] =	ssyncadd.s32 $0xFFFFC000  }
0x25d: {  	[spmem:s1] =	stream.indirect.scatter.add.f32 [tilespmem:s29], [sflag:$0x3], $0x80, s3, s28, $0xb8;
	[tilespmem:$0x1D000] =	vst v63  }
0x25e: {  	_ =	swait.ge [sflag:s25], $0x4000  }
0x25f: {  	[sflag:s25] =	ssyncset.done $0x0  }
0x260: {  	[sflag:s25] =	ssyncadd.s32 $0xFFFFC000  }
0x261: {  	[spmem:s1] =	stream.indirect.scatter.add.f32 [tilespmem:s29], [sflag:$0x3], $0x80, s6, s28, $0xb8;
	[tilespmem:$0x1D000] =	vst v63  }
0x262: {  	_ =	swait.ge [sflag:s25], $0x4000  }
0x263: {  	[sflag:s25] =	ssyncset.done $0x0  }
0x264: {  	[sflag:s25] =	ssyncadd.s32 $0xFFFFC000  }
0x265: {  	[spmem:s1] =	stream.indirect.scatter.add.f32 [tilespmem:s29], [sflag:$0x3], $0x80, s7, s28, $0xb8;
	[tilespmem:$0x1D000] =	vst v63  }
0x266: {  	_ =	swait.ge [sflag:s25], $0x4000  }
0x267: {  	[sflag:s25] =	ssyncset.done $0x0  }
0x268: {  	[sflag:s25] =	ssyncadd.s32 $0xFFFFC000  }
0x269: {  	[spmem:s1] =	stream.indirect.scatter.add.f32 [tilespmem:s29], [sflag:$0x3], $0x80, s8, s28, $0xb8;
	[tilespmem:$0x1D000] =	vst v63  }
0x26a: {  	_ =	swait.ge [sflag:s25], $0x4000  }
0x26b: {  	[sflag:s25] =	ssyncset.done $0x0  }
0x26c: {  	[sflag:s25] =	ssyncadd.s32 $0xFFFFC000  }
0x26d: {  	[spmem:s1] =	stream.indirect.scatter.add.f32 [tilespmem:s29], [sflag:$0x3], $0x80, s9, s28, $0xb8;
	[tilespmem:$0x1D000] =	vst v63  }
0x26e: {  	_ =	swait.ge [sflag:s25], $0x4000  }
0x26f: {  	[sflag:s25] =	ssyncset.done $0x0  }
0x270: {  	[sflag:s25] =	ssyncadd.s32 $0xFFFFC000  }
0x271: {  	[spmem:s1] =	stream.indirect.scatter.add.f32 [tilespmem:s29], [sflag:$0x3], $0x80, s10, s28, $0xb8;
	[tilespmem:$0x1D000] =	vst v63  }
0x272: {  	_ =	swait.ge [sflag:s25], $0x4000  }
0x273: {  	[sflag:s25] =	ssyncset.done $0x0  }
0x274: {  	[sflag:s25] =	ssyncadd.s32 $0xFFFFC000  }
0x275: {  	[spmem:s1] =	stream.indirect.scatter.add.f32 [tilespmem:s29], [sflag:$0x3], $0x80, s11, s28, $0xb8;
	[tilespmem:$0x1D000] =	vst v63  }
0x276: {  	_ =	swait.ge [sflag:s25], $0x4000  }
0x277: {  	[sflag:s25] =	ssyncset.done $0x0  }
0x278: {  	[sflag:s25] =	ssyncadd.s32 $0xFFFFC000  }
0x279: {  	[spmem:s1] =	stream.indirect.scatter.add.f32 [tilespmem:s29], [sflag:$0x3], $0x80, s12, s28, $0xb8;
	[tilespmem:$0x1D000] =	vst v63  }
0x27a: {  	_ =	swait.ge [sflag:s25], $0x4000  }
0x27b: {  	[sflag:s25] =	ssyncset.done $0x0  }
0x27c: {  	[sflag:s25] =	ssyncadd.s32 $0xFFFFC000  }
0x27d: {  	[spmem:s1] =	stream.indirect.scatter.add.f32 [tilespmem:s29], [sflag:$0x3], $0x80, s13, s28, $0xb8;
	[tilespmem:$0x1D000] =	vst v63  }
0x27e: {  	_ =	swait.ge [sflag:s25], $0x4000  }
0x27f: {  	[sflag:s25] =	ssyncset.done $0x0  }
0x280: {  	[sflag:s25] =	ssyncadd.s32 $0xFFFFC000  }
0x281: {  	[spmem:s1] =	stream.indirect.scatter.add.f32 [tilespmem:s29], [sflag:$0x3], $0x80, s14, s28, $0xb8;
	[tilespmem:$0x1D000] =	vst v63  }
0x282: {  	_ =	swait.ge [sflag:s25], $0x4000  }
0x283: {  	[sflag:s25] =	ssyncset.done $0x0  }
0x284: {  	[sflag:s25] =	ssyncadd.s32 $0xFFFFC000  }
0x285: {  	[spmem:s1] =	stream.indirect.scatter.add.f32 [tilespmem:s29], [sflag:$0x3], $0x80, s15, s28, $0xb8;
	[tilespmem:$0x1D000] =	vst v63  }
0x286: {  	_ =	swait.ge [sflag:s25], $0x4000  }
0x287: {  	[sflag:s25] =	ssyncset.done $0x0  }
0x288: {  	[sflag:s25] =	ssyncadd.s32 $0xFFFFC000  }
0x289: {  	[spmem:s1] =	stream.indirect.scatter.add.f32 [tilespmem:s29], [sflag:$0x3], $0x80, s16, s28, $0xb8;
	[tilespmem:$0x1D000] =	vst v63  }
0x28a: {  	_ =	swait.ge [sflag:s25], $0x4000  }
0x28b: {  	[sflag:s25] =	ssyncset.done $0x0  }
0x28c: {  	[sflag:s25] =	ssyncadd.s32 $0xFFFFC000  }
0x28d: {  	[spmem:s1] =	stream.indirect.scatter.add.f32 [tilespmem:s29], [sflag:$0x3], $0x80, s24, s28, $0xb8;
	[tilespmem:$0x1D000] =	vst v63  }
0x28e: {  	_ =	swait.ge [sflag:s25], $0x4000  }
0x28f: {  	[sflag:s25] =	ssyncset.done $0x0  }
0x290: {  	[sflag:s25] =	ssyncadd.s32 $0xFFFFC000  }
0x291: {  	[spmem:s1] =	stream.indirect.scatter.add.f32 [tilespmem:s29], [sflag:$0x3], $0x80, s19, s28, $0xb8;
	[tilespmem:$0x1D000] =	vst v63  }
0x292: {  	_ =	swait.ge [sflag:s25], $0x4000  }
.Ltmp1:
0x293: {  	[sflag:s25] =	ssyncset.done $0x0;
	(pc) =	sbr.rel @p0 .LBB2_4-.Ltmp1, $4  }
0x294: {  	[sflag:s25] =	ssyncadd.s32 $0xFFFFC000  }
0x295: {  	[spmem:s1] =	stream.indirect.scatter.add.f32 [tilespmem:s29], [sflag:$0x3], $0x80, s20, s28, $0xb8;
	[tilespmem:$0x1D000] =	vst v63  }
0x296: {  	_ =	swait.ge [sflag:s25], $0x4000  }
0x297: {  	s23 =	smov.u32 s22;
	[sflag:s25] =	ssyncset.done $0x0  }
0x298: {  	s17 =	sadd.s32 s17, s18;
	[sflag:s25] =	ssyncadd.s32 $0xFFFFC000  }
0x299: {  	[tilespmem:s26], [sflag:$0x3] =	stream.linear.gather [hbm4b:s17+s2], $0x800, $0x38;
	[tilespmem:$0x1D000] =	vst v63  }
0x29a: {  	_ =	swait.ge [sflag:s25], $0x800  }
0x29b: {  	[sflag:s25] =	ssyncset.done $0x0  }
0x29c: {  	[sflag:s25] =	ssyncadd.s32 $0xFFFFF800  }
0x29d: {  	[spmem:s1] =	stream.indirect.scatter.add.f32 [tilespmem:s29], [sflag:$0x3], $0x80, s26, s28, $0xb8;
	[tilespmem:$0x1D000] =	vst v63  }
0x29e: {  	_ =	swait.ge [sflag:s25], $0x4000  }
0x29f: {  	[sflag:s25] =	ssyncset.done $0x0  }
0x2a0: {  	[sflag:s25] =	ssyncadd.s32 $0xFFFFC000  }
0x2a1: {  	[spmem:s1] =	stream.indirect.scatter.add.f32 [tilespmem:s29], [sflag:$0x3], $0x80, s3, s28, $0xb8;
	[tilespmem:$0x1D000] =	vst v63  }
0x2a2: {  	_ =	swait.ge [sflag:s25], $0x4000  }
0x2a3: {  	[sflag:s25] =	ssyncset.done $0x0  }
0x2a4: {  	[sflag:s25] =	ssyncadd.s32 $0xFFFFC000  }
0x2a5: {  	[spmem:s1] =	stream.indirect.scatter.add.f32 [tilespmem:s29], [sflag:$0x3], $0x80, s6, s28, $0xb8;
	[tilespmem:$0x1D000] =	vst v63  }
0x2a6: {  	_ =	swait.ge [sflag:s25], $0x4000  }
0x2a7: {  	[sflag:s25] =	ssyncset.done $0x0  }
0x2a8: {  	[sflag:s25] =	ssyncadd.s32 $0xFFFFC000  }
0x2a9: {  	[spmem:s1] =	stream.indirect.scatter.add.f32 [tilespmem:s29], [sflag:$0x3], $0x80, s7, s28, $0xb8;
	[tilespmem:$0x1D000] =	vst v63  }
0x2aa: {  	_ =	swait.ge [sflag:s25], $0x4000  }
0x2ab: {  	[sflag:s25] =	ssyncset.done $0x0  }
0x2ac: {  	[sflag:s25] =	ssyncadd.s32 $0xFFFFC000  }
0x2ad: {  	[spmem:s1] =	stream.indirect.scatter.add.f32 [tilespmem:s29], [sflag:$0x3], $0x80, s8, s28, $0xb8;
	[tilespmem:$0x1D000] =	vst v63  }
0x2ae: {  	_ =	swait.ge [sflag:s25], $0x4000  }
0x2af: {  	[sflag:s25] =	ssyncset.done $0x0  }
0x2b0: {  	[sflag:s25] =	ssyncadd.s32 $0xFFFFC000  }
0x2b1: {  	[spmem:s1] =	stream.indirect.scatter.add.f32 [tilespmem:s29], [sflag:$0x3], $0x80, s9, s28, $0xb8;
	[tilespmem:$0x1D000] =	vst v63  }
0x2b2: {  	_ =	swait.ge [sflag:s25], $0x4000  }
0x2b3: {  	[sflag:s25] =	ssyncset.done $0x0  }
0x2b4: {  	[sflag:s25] =	ssyncadd.s32 $0xFFFFC000  }
0x2b5: {  	[spmem:s1] =	stream.indirect.scatter.add.f32 [tilespmem:s29], [sflag:$0x3], $0x80, s10, s28, $0xb8;
	[tilespmem:$0x1D000] =	vst v63  }
0x2b6: {  	_ =	swait.ge [sflag:s25], $0x4000  }
0x2b7: {  	[sflag:s25] =	ssyncset.done $0x0  }
0x2b8: {  	[sflag:s25] =	ssyncadd.s32 $0xFFFFC000  }
0x2b9: {  	[spmem:s1] =	stream.indirect.scatter.add.f32 [tilespmem:s29], [sflag:$0x3], $0x80, s11, s28, $0xb8;
	[tilespmem:$0x1D000] =	vst v63  }
0x2ba: {  	_ =	swait.ge [sflag:s25], $0x4000  }
0x2bb: {  	[sflag:s25] =	ssyncset.done $0x0  }
0x2bc: {  	[sflag:s25] =	ssyncadd.s32 $0xFFFFC000  }
0x2bd: {  	[spmem:s1] =	stream.indirect.scatter.add.f32 [tilespmem:s29], [sflag:$0x3], $0x80, s12, s28, $0xb8;
	[tilespmem:$0x1D000] =	vst v63  }
0x2be: {  	_ =	swait.ge [sflag:s25], $0x4000  }
0x2bf: {  	[sflag:s25] =	ssyncset.done $0x0  }
0x2c0: {  	[sflag:s25] =	ssyncadd.s32 $0xFFFFC000  }
0x2c1: {  	[spmem:s1] =	stream.indirect.scatter.add.f32 [tilespmem:s29], [sflag:$0x3], $0x80, s13, s28, $0xb8;
	[tilespmem:$0x1D000] =	vst v63  }
0x2c2: {  	_ =	swait.ge [sflag:s25], $0x4000  }
0x2c3: {  	[sflag:s25] =	ssyncset.done $0x0  }
0x2c4: {  	[sflag:s25] =	ssyncadd.s32 $0xFFFFC000  }
0x2c5: {  	[spmem:s1] =	stream.indirect.scatter.add.f32 [tilespmem:s29], [sflag:$0x3], $0x80, s14, s28, $0xb8;
	[tilespmem:$0x1D000] =	vst v63  }
0x2c6: {  	_ =	swait.ge [sflag:s25], $0x4000  }
0x2c7: {  	[sflag:s25] =	ssyncset.done $0x0  }
0x2c8: {  	[sflag:s25] =	ssyncadd.s32 $0xFFFFC000  }
0x2c9: {  	[spmem:s1] =	stream.indirect.scatter.add.f32 [tilespmem:s29], [sflag:$0x3], $0x80, s15, s28, $0xb8;
	[tilespmem:$0x1D000] =	vst v63  }
0x2ca: {  	_ =	swait.ge [sflag:s25], $0x4000  }
0x2cb: {  	[sflag:s25] =	ssyncset.done $0x0  }
0x2cc: {  	[sflag:s25] =	ssyncadd.s32 $0xFFFFC000  }
0x2cd: {  	[spmem:s1] =	stream.indirect.scatter.add.f32 [tilespmem:s29], [sflag:$0x3], $0x80, s16, s28, $0xb8;
	[tilespmem:$0x1D000] =	vst v63  }
0x2ce: {  	_ =	swait.ge [sflag:s25], $0x4000  }
0x2cf: {  	[sflag:s25] =	ssyncset.done $0x0  }
0x2d0: {  	[sflag:s25] =	ssyncadd.s32 $0xFFFFC000  }
0x2d1: {  	[spmem:s1] =	stream.indirect.scatter.add.f32 [tilespmem:s29], [sflag:$0x3], $0x80, s24, s28, $0xb8;
	[tilespmem:$0x1D000] =	vst v63  }
0x2d2: {  	_ =	swait.ge [sflag:s25], $0x4000  }
0x2d3: {  	[sflag:s25] =	ssyncset.done $0x0  }
0x2d4: {  	[sflag:s25] =	ssyncadd.s32 $0xFFFFC000  }
0x2d5: {  	[spmem:s1] =	stream.indirect.scatter.add.f32 [tilespmem:s29], [sflag:$0x3], $0x80, s19, s28, $0xb8;
	[tilespmem:$0x1D000] =	vst v63  }
0x2d6: {  	_ =	swait.ge [sflag:s25], $0x4000  }
0x2d7: {  	[sflag:s25] =	ssyncset.done $0x0  }
0x2d8: {  	[sflag:s25] =	ssyncadd.s32 $0xFFFFC000  }
0x2d9: {  	[spmem:s1] =	stream.indirect.scatter.add.f32 [tilespmem:s29], [sflag:$0x3], $0x80, s20, s28, $0xb8;
	[tilespmem:$0x1D000] =	vst v63  }
0x2da: {  	_ =	swait.ge [sflag:s25], $0x4000  }
0x2db: {  	[sflag:s25] =	ssyncset.done $0x0  }
0x2dc: {  	[sflag:s25] =	ssyncadd.s32 $0xFFFFC000  }
0x2dd: {  	[bflag:$0x0] =	sbarrier.arrive $0xFFFF  }
0x2de: {  	s21 =	rddreg [dreg:$0x1f]  }
0x2df: {  	[tilespmem:s30], [sflag:$0x3] =	stream.linear.gather [spmem:s21], $0x4000, $0x38;
	[tilespmem:$0x1D000] =	vst v63  }
0x2e0: {  	_ =	swait.ge [sflag:s25], $0x4000  }
0x2e1: {  	[sflag:s25] =	ssyncset.done $0x0  }
0x2e2: {  	s22 =	rddreg [dreg:$0x19];
	[sflag:s25] =	ssyncadd.s32 $0xFFFFC000  }
0x2e3: {  	[hbm4b:s22+s2] =	stream.linear.scatter [tilespmem:s30], [sflag:$0x3], $0x4000, $0x38;
	[tilespmem:$0x1D000] =	vst v63  }
0x2e4: {  	_ =	swait.ge [sflag:s25], $0x4000  }
0x2e5: {  	s23 =	sld [smem:$0x7F9]  }
0x2e6: {  	[sflag:s25] =	ssyncset.done $0x0  }
0x2e7: {  	[sflag:s25] =	ssyncadd.s32 $0xFFFFC000  }
0x2e8: {  	[tilespmem:s30], [sflag:$0x3] =	stream.linear.gather [spmem:s23], $0x4000, $0x38;
	[tilespmem:$0x1D000] =	vst v63  }
0x2e9: {  	_ =	swait.ge [sflag:s25], $0x4000  }
0x2ea: {  	[sflag:s25] =	ssyncset.done $0x0  }
0x2eb: {  	s22 =	rddreg [dreg:$0x1a];
	[sflag:s25] =	ssyncadd.s32 $0xFFFFC000  }
0x2ec: {  	[hbm4b:s22+s2] =	stream.linear.scatter [tilespmem:s30], [sflag:$0x3], $0x4000, $0x38;
	[tilespmem:$0x1D000] =	vst v63  }
0x2ed: {  	_ =	swait.ge [sflag:s25], $0x4000  }
0x2ee: {  	s23 =	sld [smem:$0x7FA]  }
0x2ef: {  	[sflag:s25] =	ssyncset.done $0x0  }
0x2f0: {  	[sflag:s25] =	ssyncadd.s32 $0xFFFFC000  }
0x2f1: {  	[tilespmem:s30], [sflag:$0x3] =	stream.linear.gather [spmem:s23], $0x4000, $0x38;
	[tilespmem:$0x1D000] =	vst v63  }
0x2f2: {  	_ =	swait.ge [sflag:s25], $0x4000  }
0x2f3: {  	[sflag:s25] =	ssyncset.done $0x0  }
0x2f4: {  	s22 =	rddreg [dreg:$0x1b];
	[sflag:s25] =	ssyncadd.s32 $0xFFFFC000  }
0x2f5: {  	[hbm4b:s22+s2] =	stream.linear.scatter [tilespmem:s30], [sflag:$0x3], $0x4000, $0x38;
	[tilespmem:$0x1D000] =	vst v63  }
0x2f6: {  	_ =	swait.ge [sflag:s25], $0x4000  }
0x2f7: {  	s23 =	sld [smem:$0x7FB]  }
0x2f8: {  	[sflag:s25] =	ssyncset.done $0x0  }
0x2f9: {  	[sflag:s25] =	ssyncadd.s32 $0xFFFFC000  }
0x2fa: {  	[tilespmem:s30], [sflag:$0x3] =	stream.linear.gather [spmem:s23], $0x4000, $0x38;
	[tilespmem:$0x1D000] =	vst v63  }
0x2fb: {  	_ =	swait.ge [sflag:s25], $0x4000  }
0x2fc: {  	[sflag:s25] =	ssyncset.done $0x0  }
0x2fd: {  	s22 =	rddreg [dreg:$0x1c];
	[sflag:s25] =	ssyncadd.s32 $0xFFFFC000  }
0x2fe: {  	[hbm4b:s22+s2] =	stream.linear.scatter [tilespmem:s30], [sflag:$0x3], $0x4000, $0x38;
	[tilespmem:$0x1D000] =	vst v63  }
0x2ff: {  	_ =	swait.ge [sflag:s25], $0x4000  }
0x300: {  	s23 =	sld [smem:$0x7FC]  }
0x301: {  	[sflag:s25] =	ssyncset.done $0x0  }
0x302: {  	[sflag:s25] =	ssyncadd.s32 $0xFFFFC000  }
0x303: {  	[tilespmem:s30], [sflag:$0x3] =	stream.linear.gather [spmem:s23], $0x4000, $0x38;
	[tilespmem:$0x1D000] =	vst v63  }
0x304: {  	_ =	swait.ge [sflag:s25], $0x4000  }
0x305: {  	[sflag:s25] =	ssyncset.done $0x0  }
0x306: {  	s22 =	rddreg [dreg:$0x1d];
	[sflag:s25] =	ssyncadd.s32 $0xFFFFC000  }
0x307: {  	[hbm4b:s22+s2] =	stream.linear.scatter [tilespmem:s30], [sflag:$0x3], $0x4000, $0x38;
	[tilespmem:$0x1D000] =	vst v63  }
0x308: {  	_ =	swait.ge [sflag:s25], $0x4000  }
0x309: {  	s22 =	sld [smem:$0x7F6]  }
0x30a: {  	s23 =	sld [smem:$0x7FD];
	_ =	sdelay $0x1  }
0x30b: {  	s22 =	sadd.s32 $0x1, s22  }
0x30c: {  	p0 =	sne.s32 s22, s23  }
.Ltmp2:
0x30d: {  	_ = 	snop;
	(pc) =	sbr.rel @p0 .LBB2_1-.Ltmp2, $3  }
0x30e: {  	_ =	sdelay $0x1  }
0x30f: {  	[sflag:s25] =	ssyncset.done $0x0  }
0x310: {  	[sflag:s25] =	ssyncadd.s32 $0xFFFFC000  }
0x311: {  	_ =	sfence.sel $0x180000  }
0x312: {  	[bflag:$0x0] =	sbarrier.arrive $0xFFFF  }
0x313: {  	_ =	strace $0x90000047  }
0x314: {  	s0 =	stileid.u32;
	[bflag:$0x2] =	sbarrier.arrive $0xFFFF  }
0x315: {  	p0 =	sne.s32 s0, $0x0;
	s0 =	rddreg [dreg:$0x4]  }
0x316: {  	s0 =	sadd.s32 @!p0 $0x100000, s0  }
0x317: {  	[sflag:s0] =	ssyncadd.tile.s32 @!p0 $0x1;
	_ =	shalt  }
.Lfunc_end2:
_tile_overlayer_lowered:
.L_overlay_start_2:
0x318: {  	(tag) =	ssettag $0x2  }
0x319: {  	s0 =	rddreg [dreg:$0x0];
	s2 =	stileid.u32  }
0x31a: {  	s1 =	rddreg [dreg:$0x1];
	p0 =	sne.s32 s2, $0x0  }
0x31b: {  	s3 =	rddreg [dreg:$0x2];
	[bflag:$0x3] =	sbarrier.arrive $0xFFFF;
	s2 =	simm.s32 @!p0 $0x1C03  }
0x31c: {  	[timem:s3], [sflag:s2] =	dma.local @!p0 [hbm:s0], s1  }
0x31d: {  	s0 =	simm.s32 @!p0 $0x3  }
0x31e: {  	_ =	swait.ge @!p0 [sflag:s0], s1  }
0x31f: {  	s1 =	ssub.s32 @!p0 $0x0, s1;
	[sflag:s0] =	ssyncset.done @!p0 $0x0  }
0x320: {  	[sflag:s0] =	ssyncadd.s32 @!p0 s1  }
0x321: {  	[bflag:$0x3] =	sbarrier.arrive $0xFFFF  }
0x322: {  	_ =	shalt  }

// kernel: sc_edge_agg.3.cloned.1.call-start
scs
__scs_entry_jumppad:
0x0: {  	(pc) =	sbr.rel $0x88, $3  }
0x1: {  	(tag) =	ssettag $0x0;
	lr =	simm.s32 $0x1  }
0x2: {  	[smem:$0x3F77] =	sst lr;
	_ =	strace $0xD0000000  }
0x3: {  	_ = 	snop  }
0x4: {  	_ = 	snop  }
0x5: {  	_ = 	snop  }
0x6: {  	_ = 	snop  }
0x7: {  	_ = 	snop  }
__scs_overlays_trampoline_lowered:
0x8: {  	[smem:$0x3F86] =	sst s0  }
0x9: {  	[smem:$0x3F87] =	sst s1  }
0xa: {  	[smem:$0x3F88] =	sst s2  }
0xb: {  	[smem:$0x3F89] =	sst s3  }
0xc: {  	[smem:$0x3F8A] =	sst s4  }
0xd: {  	[smem:$0x3F8B] =	sst s5  }
0xe: {  	[smem:$0x3F8C] =	sst s6  }
0xf: {  	[smem:$0x3F8D] =	sst s7  }
0x10: {  	[smem:$0x3F8E] =	sst s8  }
0x11: {  	[smem:$0x3F8F] =	sst s9;
	s0 =	simm.s32 @!p0 $0x0  }
0x12: {  	s1 =	sld [smem:$0x3F75];
	s0 =	simm.s32 @p0 $0x1  }
0x13: {  	[smem:$0x3F90] =	sst s0;
	s0 =	simm.s32 @!p1 $0x0  }
0x14: {  	s2 =	sld [smem:$0x3F74];
	s0 =	simm.s32 @p1 $0x1  }
0x15: {  	[smem:$0x3F91] =	sst s0;
	s0 =	simm.s32 @!p2 $0x0  }
0x16: {  	s3 =	sld [smem:$0x3FDB];
	s0 =	simm.s32 @p2 $0x1  }
0x17: {  	s4 =	simm.s32 $0x1BF5;
	[smem:$0x3F93] =	sst s0  }
0x18: {  	s0 =	sld [smem:$0x3F76];
	_ =	swait.ge [sflag:s4], $0x0  }
0x19: {  	s7 =	sld [smem:$0x3F77]  }
0x1a: {  	s8 =	sadd.s32 $0xFFFFE003, lr  }
0x1b: {  	s9 =	sadd.s32 $0xFFFFFEF7, lr;
	s5 =	simm.s32 $0xFFFFFFFF;
	p2 =	slt.u32 s8, $0xFFFFF086  }
0x1c: {  	p1 =	slt.u32 s9, $0xF7A;
	s5 =	simm.s32 @!p2 $0x0  }
0x1d: {  	s5 =	simm.s32 @p1 $0x1;
	p0 =	seq.s32 s7, s2  }
0x1e: {  	s7 =	smul.u32 @!p0 $0xF7A, s2;
	p2 =	seq.s32 @!p0 s5, $0x0  }
0x1f: {  	s9 =	smul.u32 $0xF7A, s1;
	s8 =	simm.s32 @!p0 $0x1BF5;
	p2 =	por !p2, p0  }
0x20: {  	[sflag:s8] =	ssyncset.s32 @!p0 $0xFFFFF086;
	s6 =	sadd.s32 @!p0 s3, s7;
	s7 =	simm.s32 @!p0 $0x108  }
0x21: {  	s3 =	sadd.s32 s3, s9;
	s6 =	sadd.s32 @!p0 $0x88, s6;
	s7 =	simm.s32 @p2 $0x1082  }
0x22: {  	[simem:s7], [sflag:s8] =	dma.local @!p0 [hbm:s6], $0xF7A  }
0x23: {  	s9 =	sor.u32 $0xD0000000, s2;
	s6 =	simm.s32 $0x108;
	_ =	swait.ge @!p0 [sflag:s8], $0x0  }
0x24: {  	s3 =	sadd.s32 $0x88, s3;
	s6 =	simm.s32 @!p1 $0x1082;
	[sflag:s4] =	ssyncset.s32 $0xFFFFF086  }
0x25: {  	[simem:s6], [sflag:s4] =	dma.local [hbm:s3], $0xF7A  }
0x26: {  	[smem:$0x3F77] =	sst s1;
	(tag) =	ssettag s2;
	_ =	strace s9  }
0x27: {  	s1 =	sld [smem:$0x3F87]  }
0x28: {  	s2 =	sld [smem:$0x3F88]  }
0x29: {  	s4 =	sld [smem:$0x3F8A]  }
0x2a: {  	p0 =	seq.s32 s5, $0x0;
	s5 =	sld [smem:$0x3F8B]  }
0x2b: {  	s6 =	sld [smem:$0x3F8C]  }
0x2c: {  	s7 =	sld [smem:$0x3F8D]  }
0x2d: {  	s3 =	simm.s32 $0x108;
	s8 =	sld [smem:$0x3F8E]  }
0x2e: {  	s3 =	simm.s32 @!p0 $0x1082;
	s9 =	sld [smem:$0x3F8F]  }
0x2f: {  	lr =	sadd.s32 s0, s3;
	s0 =	sld [smem:$0x3F86]  }
0x30: {  	s3 =	sld [smem:$0x3F89]  }
0x31: {  	[smem:$0x3F92] =	sst s10  }
0x32: {  	s10 =	sld [smem:$0x3F90];
	_ =	sdelay $0x3  }
0x33: {  	p0 =	seq.s32 s10, $0x1;
	s10 =	sld [smem:$0x3F92];
	_ =	sdelay $0x3  }
0x34: {  	[smem:$0x3F92] =	sst s10  }
0x35: {  	s10 =	sld [smem:$0x3F91];
	_ =	sdelay $0x3  }
0x36: {  	p1 =	seq.s32 s10, $0x1;
	s10 =	sld [smem:$0x3F92];
	_ =	sdelay $0x3  }
0x37: {  	[smem:$0x3F92] =	sst s10  }
0x38: {  	s10 =	sld [smem:$0x3F93]  }
0x39: {  	_ = 	snop;
	(pc) =	sbr.ind lr, $3  }
0x3a: {  	_ = 	snop  }
0x3b: {  	_ = 	snop  }
0x3c: {  	p2 =	seq.s32 s10, $0x1;
	s10 =	sld [smem:$0x3F92]  }
0x3d: {  	_ =	shalt  }
0x3e: {  	_ =	shalt  }
0x3f: {  	_ =	shalt  }
0x40: {  	_ =	shalt  }
0x41: {  	_ =	shalt  }
0x42: {  	_ =	shalt  }
0x43: {  	_ =	shalt  }
0x44: {  	_ =	shalt  }
0x45: {  	_ =	shalt  }
0x46: {  	_ =	shalt  }
0x47: {  	_ =	shalt  }
0x48: {  	_ =	shalt  }
0x49: {  	_ =	shalt  }
0x4a: {  	_ =	shalt  }
0x4b: {  	_ =	shalt  }
0x4c: {  	_ =	shalt  }
0x4d: {  	_ =	shalt  }
0x4e: {  	_ =	shalt  }
0x4f: {  	_ =	shalt  }
0x50: {  	_ =	shalt  }
0x51: {  	_ =	shalt  }
0x52: {  	_ =	shalt  }
0x53: {  	_ =	shalt  }
0x54: {  	_ =	shalt  }
0x55: {  	_ =	shalt  }
0x56: {  	_ =	shalt  }
0x57: {  	_ =	shalt  }
0x58: {  	_ =	shalt  }
0x59: {  	_ =	shalt  }
0x5a: {  	_ =	shalt  }
0x5b: {  	_ =	shalt  }
0x5c: {  	_ =	shalt  }
0x5d: {  	_ =	shalt  }
0x5e: {  	_ =	shalt  }
0x5f: {  	_ =	shalt  }
0x60: {  	_ =	shalt  }
0x61: {  	_ =	shalt  }
0x62: {  	_ =	shalt  }
0x63: {  	_ =	shalt  }
0x64: {  	_ =	shalt  }
0x65: {  	_ =	shalt  }
0x66: {  	_ =	shalt  }
0x67: {  	_ =	shalt  }
0x68: {  	_ =	shalt  }
0x69: {  	_ =	shalt  }
0x6a: {  	_ =	shalt  }
0x6b: {  	_ =	shalt  }
0x6c: {  	_ =	shalt  }
0x6d: {  	_ =	shalt  }
0x6e: {  	_ =	shalt  }
0x6f: {  	_ =	shalt  }
0x70: {  	_ =	shalt  }
0x71: {  	_ =	shalt  }
0x72: {  	_ =	shalt  }
0x73: {  	_ =	shalt  }
0x74: {  	_ =	shalt  }
0x75: {  	_ =	shalt  }
0x76: {  	_ =	shalt  }
0x77: {  	_ =	shalt  }
0x78: {  	_ =	shalt  }
0x79: {  	_ =	shalt  }
0x7a: {  	_ =	shalt  }
0x7b: {  	_ =	shalt  }
0x7c: {  	_ =	shalt  }
0x7d: {  	_ =	shalt  }
0x7e: {  	_ =	shalt  }
0x7f: {  	_ =	shalt  }
0x80: {  	_ =	shalt  }
0x81: {  	_ =	shalt  }
0x82: {  	_ =	shalt  }
0x83: {  	_ =	shalt  }
0x84: {  	_ =	shalt  }
0x85: {  	_ =	shalt  }
0x86: {  	_ =	shalt  }
0x87: {  	_ =	shalt  }
.Lfunc_end0:
.L_simem_size_0:
called_computation.1_lowered:
.L_overlay_start_0:
0x88: {  	s2 =	sld [smem:$0x3FD9]  }
0x89: {  	s3 =	sld [smem:$0x3FFE];
	_ =	sdelay $0x1  }
0x8a: {  	s1 =	srdreg.scid  }
0x8b: {  	s0 =	sand.u32 $0x1, s1  }
0x8c: {  	s14 =	sshll.u32 s0, $0xA;
	s2 =	sadd.s32 s3, s2  }
0x8d: {  	s2 =	sadd.s32 s2, s14  }
0x8e: {  	[smem:$0x3F9E] =	sst s2  }
0x8f: {  	_ = 	snop  }
0x90: {  	s2 =	sld [smem:$0x3FD0];
	_ =	sdelay $0x2  }
0x91: {  	s15 =	simm.s32 $0xA;
	s4 =	simm.s32 $0x10  }
0x92: {  	[smem:s4], [sflag:s15] =	dma.local [hbm:s2], $0x1  }
0x93: {  	_ =	swait.eq [sflag:s15], $0x1  }
0x94: {  	[sflag:s15] =	ssyncset.done $0x0  }
0x95: {  	s16 =	sld [smem:$0x10];
	[sflag:s15] =	ssyncadd.s32 $0xFFFFFFFF  }
0x96: {  	s17 =	sld [smem:$0x11];
	(tm) =	ssettm $0x1  }
0x97: {  	s18 =	sld [smem:$0x3FFB];
	_ =	sdelay $0x3  }
0x98: {  	_ =	strace s18  }
0x99: {  	s4 =	sld [smem:$0x3FFC];
	_ =	sdelay $0x3  }
0x9a: {  	_ =	strace s4  }
0x9b: {  	s4 =	sld [smem:$0x3FFD];
	_ =	sdelay $0x3  }
0x9c: {  	_ =	strace s4  }
0x9d: {  	_ =	strace $0x8FFFFFFF  }
0x9e: {  	s19 =	sld [smem:$0x3FDB];
	_ =	sdelay $0x1  }
0x9f: {  	s5 =	simm.s32 $_scs_section_size  }
0xa0: {  	s6 =	simm.s32 $_size__tile_overlayer_lowered;
	s7 =	simm.s32 $_tile_overlayer_lowered  }
0xa1: {  	s22 =	simm.s32 $0x1BFF;
	s21 =	sshll.u32 s7, $0x1;
	s4 =	sadd.s32 s5, s19  }
0xa2: {  	s8 =	simm.s32 $0x0;
	s20 =	sshll.u32 s6, $0x1;
	s6 =	sadd.s32 s21, s4  }
0xa3: {  	[timem:s8], [sflag:s22] =	dma.local [hbm:s6], s20  }
0xa4: {  	_ =	swait.ge [sflag:s22], s20  }
0xa5: {  	s5 =	ssub.s32 $0x0, s20;
	[sflag:s22] =	ssyncset.done $0x0  }
0xa6: {  	[sflag:s22] =	ssyncadd.s32 s5;
	_ =	sdelay $0x1  }
0xa7: {  	s23 =	simm.s32 $0x1B8B  }
0xa8: {  	_ =	swait.ge [sflag:s23], $0x1  }
0xa9: {  	[sflag:s23] =	ssyncset.done $0x0  }
0xaa: {  	s25 =	simm.s32 $0x1B8E;
	s24 =	sld [smem:$0x3FFE];
	[sflag:s23] =	ssyncadd.s32 $0xFFFFFFFF  }
0xab: {  	s26 =	simm.s32 $execute0_lowered;
	[smem:$0x3FD2] =	sst s25  }
0xac: {  	s6 =	sshll.u32 s26, $0x1;
	_ =	strace $0x80000049;
	[dreg:$0x1] =	wrdreg $0xFFFFFFFF  }
0xad: {  	s28 =	simm.s32 $_size_execute0_lowered;
	s4 =	sadd.s32 s4, s6;
	[dreg:$0x0] =	wrdreg $0x0  }
0xae: {  	s6 =	sshll.u32 s28, $0x1;
	[dreg:$0x2] =	wrdreg s4  }
0xaf: {  	[dreg:$0x3] =	wrdreg s6  }
0xb0: {  	[dreg:$0x4] =	wrdreg $0xC0  }
0xb1: {  	_ =	task [dreg:s8], $0x5FFFF  }
0xb2: {  	[dreg:$0x1] =	wrdreg $0xFFFFFFFF  }
0xb3: {  	[dreg:$0x0] =	wrdreg $0x60  }
0xb4: {  	[dreg:$0x2] =	wrdreg s24  }
0xb5: {  	[dreg:$0x3] =	wrdreg s16  }
0xb6: {  	[dreg:$0x4] =	wrdreg s17  }
0xb7: {  	[dreg:$0x5] =	wrdreg $0x90000  }
0xb8: {  	[dreg:$0x6] =	wrdreg $0x9  }
0xb9: {  	_ =	task.clear_ibuf [dreg:s8], $0x7FFFF;
	_ =	strace $0x90000049  }
0xba: {  	s29 =	simm.s32 $0x9;
	_ =	strace $0x8000004B  }
0xbb: {  	_ =	swait.ge [sflag:s29], $0x1  }
0xbc: {  	[sflag:s29] =	ssyncadd.s32 $0xFFFFFFFF  }
0xbd: {  	_ =	strace $0x9000004B  }
0xbe: {  	_ =	sfence  }
0xbf: {  	s30 =	sld [smem:$0x0];
	_ =	sdelay $0x2  }
0xc0: {  	s31 =	sshll.u32 s1, $0xD;
	s1 =	sshrl.u32 s1, $0x2  }
0xc1: {  	s3 =	sand.u32 $0x4000, s31;
	s1 =	sadd.s32 s1, s30  }
0xc2: {  	s0 =	sor.u32 s3, s0;
	s1 =	sshll.u32 s1, $0x11  }
0xc3: {  	s0 =	sor.u32 s1, s0  }
0xc4: {  	s0 =	sadd.s32 $0x8F2B, s0  }
0xc5: {  	[sflag:s0] =	ssyncadd.remote.s32 $0x1  }
0xc6: {  	_ =	sfence.sel $0xFFFF  }
0xc7: {  	[dreg:$0x0] =	wrdreg $0xFFFFFFFF;
	(pc) =	sbr.abs _section_cstart, $3  }
0xc8: {  	[dreg:$0x1] =	wrdreg $0xFFFFFFFF  }
0xc9: {  	_ =	task.clear_ibuf [dreg:s8], $0x2FFFF;
	_ =	strace $0x9FFFFFFF  }
0xca: {  	(tm) =	ssettm $0x7FFFFFFF  }
0xcb: {  	_ =	shalt  }
tec
execute0_lowered:
.L_overlay_start_1:
0x0: {  	(tag) =	ssettag $0x1  }
0x1: {  	s0 =	rddreg [dreg:$0x0]  }
0x2: {  	s3 =	rddreg [dreg:$0x1]  }
0x3: {  	s5 =	rddreg [dreg:$0x2]  }
0x4: {  	s1 =	rddreg [dreg:$0x3];
	s2 =	simm.s32 $0x0;
	s6 =	srdreg.scid  }
0x5: {  	s13 =	stileid.u32;
	s28 =	simm.s32 $0x480;
	s29 =	simm.s32 $0xC00  }
0x6: {  	s30 =	simm.s32 $0x500;
	s31 =	simm.s32 $0xC80;
	[smem:$0x7FF] =	sst s2  }
0x7: {  	s4 =	sadd.s32 $0x8000, s0;
	s6 =	sand.u32 $0x1, s6;
	s8 =	smul.u32 $0x50000, s13  }
0x8: {  	s7 =	sadd.s32 $0x56200, s0;
	s0 =	sadd.s32 $0x58A00, s0;
	s12 =	smul.u32 $0x14000, s13  }
0x9: {  	s11 =	sshll.u32 s13, $0x6;
	s19 =	smul.u32 $0x5000, s13;
	s13 =	simm.s32 $0x880  }
0xa: {  	_ =	strace $0x8000004A;
	[dreg:$0x13] =	wrdreg s7;
	s10 =	smul.u32 $0x140000, s6  }
0xb: {  	s15 =	ssub.s32 $0x2, s6;
	s16 =	sor.u32 $0x1C03, s11;
	s6 =	smul.u32 $0x50000, s6  }
0xc: {  	s11 =	simm.s32 $0x100;
	[dreg:$0x8] =	wrdreg s13;
	s13 =	simm.s32 $0xF00  }
0xd: {  	s9 =	sshrl.u32 s15, $0x1;
	s8 =	sshrl.u32 s8, $0x2;
	[dreg:$0x15] =	wrdreg s16  }
0xe: {  	s18 =	sadd.s32 $0x4000, s12;
	s22 =	sadd.s32 $0x8000, s12;
	s25 =	sadd.s32 $0xC000, s12  }
0xf: {  	[dreg:$0x7] =	wrdreg s11;
	s16 =	simm.s32 $0x180;
	s11 =	simm.s32 $0xE80  }
0x10: {  	s7 =	ssub.s32 s15, s9;
	s15 =	sadd.s32 s8, s1;
	s17 =	sadd.s32 s12, s10  }
0x11: {  	s20 =	sadd.s32 s10, s18;
	s9 =	sadd.s32 s18, s1;
	[dreg:$0x9] =	wrdreg s16  }
0x12: {  	s23 =	sadd.s32 s10, s22;
	s24 =	sadd.s32 s22, s1;
	[dreg:$0x17] =	wrdreg s9  }
0x13: {  	s6 =	sadd.s32 s19, s6;
	s26 =	sadd.s32 s25, s1;
	[dreg:$0x19] =	wrdreg s24  }
0x14: {  	s12 =	sadd.s32 $0x10000, s12;
	s18 =	simm.s32 $0x200;
	[dreg:$0x1b] =	wrdreg s26  }
0x15: {  	s19 =	simm.s32 $0x980;
	s22 =	simm.s32 $0xA00;
	[dreg:$0xb] =	wrdreg s18  }
0x16: {  	s16 =	simm.s32 $0x0;
	s8 =	sshrl.u32 s17, $0x3;
	[dreg:$0xc] =	wrdreg s19  }
0x17: {  	s21 =	sshrl.u32 s20, $0x3;
	s6 =	sshrl.u32 s6, $0x3;
	[dreg:$0xe] =	wrdreg s22  }
0x18: {  	s14 =	sadd.s32 s12, s1;
	s17 =	simm.s32 $0x900;
	[dreg:$0x14] =	wrdreg s15  }
0x19: {  	s20 =	smax.u32 s7, $0x1;
	s18 =	simm.s32 $0x3;
	[dreg:$0x1d] =	wrdreg s14  }
0x1a: {  	s19 =	simm.s32 $0x800;
	s24 =	simm.s32 $0xA80;
	[dreg:$0xa] =	wrdreg s17  }
0x1b: {  	s22 =	simm.s32 $0x5000;
	s26 =	simm.s32 $0xB00;
	[dreg:$0x1f] =	wrdreg s20  }
0x1c: {  	s7 =	simm.s32 $0xD80;
	s8 =	sadd.s32 s0, s8;
	[dreg:$0x10] =	wrdreg s24  }
0x1d: {  	s5 =	sadd.s32 s6, s5;
	s3 =	sadd.s32 s6, s3;
	[dreg:$0x12] =	wrdreg s26  }
0x1e: {  	s20 =	simm.s32 $0x80;
	s24 =	simm.s32 $0x2;
	[dreg:$0x16] =	wrdreg s8  }
0x1f: {  	s26 =	simm.s32 $0xB80;
	s14 =	simm.s32 $0xF80;
	[dreg:$0x5] =	wrdreg s5  }
0x20: {  	s8 =	sadd.s32 s0, s21;
	[dreg:$0x6] =	wrdreg s3;
	s5 =	sadd.s32 s10, s12  }
0x21: {  	s21 =	simm.s32 $0x280;
	s3 =	simm.s32 $0xD00;
	s12 =	simm.s32 $0x780  }
0x22: {  	[dreg:$0x18] =	wrdreg s8;
	s8 =	sshrl.u32 s23, $0x3;
	s5 =	sshrl.u32 s5, $0x3  }
0x23: {  	[dreg:$0xd] =	wrdreg s21;
	s23 =	simm.s32 $0x300;
	s21 =	simm.s32 $0x1000  }
0x24: {  	s8 =	sadd.s32 s0, s8;
	[dreg:$0xf] =	wrdreg s23;
	s23 =	simm.s32 $0x1  }
0x25: {  	[dreg:$0x1a] =	wrdreg s8;
	s8 =	sadd.s32 s10, s25;
	s25 =	simm.s32 $0x380  }
0x26: {  	s10 =	simm.s32 $0x700;
	s8 =	sshrl.u32 s8, $0x3;
	[dreg:$0x11] =	wrdreg s25  }
0x27: {  	s25 =	simm.s32 $0x400;
	s9 =	sadd.s32 s0, s8;
	s0 =	sadd.s32 s0, s5  }
0x28: {  	s5 =	simm.s32 $0x600;
	s8 =	simm.s32 $0x680;
	[dreg:$0x1c] =	wrdreg s9  }
0x29: {  	[dreg:$0x1e] =	wrdreg s0;
	s0 =	simm.s32 $0x580;
	s9 =	simm.s32 $0xE00  }
.LBB2_1:
0x2a: {  	[smem:$0x7FD] =	sst s16  }
0x2b: {  	s16 =	rddreg [dreg:$0x13]  }
0x2c: {  	s6 =	sshrl.u32 s15, $0x3;
	s17 =	rddreg [dreg:$0x15]  }
0x2d: {  	[spmem:s6], [sflag:s17] =	dma.local [hbm:s16], $0x2800  }
0x2e: {  	_ =	swait.ge [sflag:s18], $0x2800  }
0x2f: {  	[sflag:s18] =	ssyncset.done $0x0  }
0x30: {  	[sflag:s18] =	ssyncadd.s32 $0xFFFFD800  }
0x31: {  	[bflag:$0x0] =	sbarrier.arrive $0xFFFF  }
0x32: {  	s16 =	rddreg [dreg:$0x6]  }
0x33: {  	s6 =	sadd.s32 $0x0, s16  }
0x34: {  	[tilespmem:s2], [sflag:$0x3] =	stream.linear.gather [hbm4b:s6+s2], $0x800, $0x38;
	[tilespmem:$0x1D000] =	vst v63  }
0x35: {  	_ =	swait.ge [sflag:s18], $0x800  }
0x36: {  	s17 =	rddreg [dreg:$0x5];
	[sflag:s18] =	ssyncset.done $0x0  }
0x37: {  	[sflag:s18] =	ssyncadd.s32 $0xFFFFF800;
	s6 =	sadd.s32 $0x0, s17  }
0x38: {  	[tilespmem:s19], [sflag:$0x3] =	stream.linear.gather [hbm4b:s6+s2], $0x800, $0x38;
	[tilespmem:$0x1D000] =	vst v63  }
0x39: {  	_ =	swait.ge [sflag:s18], $0x800  }
0x3a: {  	[sflag:s18] =	ssyncset.done $0x0  }
0x3b: {  	[sflag:s18] =	ssyncadd.s32 $0xFFFFF800  }
0x3c: {  	[tilespmem:s21], [sflag:$0x1] =	stream.indirect.gather [hbm4b:s4+s20], $0x80, s2, s20, $0xb8;
	[tilespmem:$0x1D000] =	vst v63  }
0x3d: {  	_ = 	snop  }
0x3e: {  	[tilespmem:s22], [sflag:$0x2] =	stream.indirect.gather [hbm4b:s4+s20], $0x80, s20, s20, $0xb8;
	[tilespmem:$0x1D000] =	vst v63  }
0x3f: {  	_ =	swait.ge [sflag:s23], $0x4000  }
0x40: {  	[sflag:s23] =	ssyncset.done $0x0  }
0x41: {  	[sflag:s23] =	ssyncadd.s32 $0xFFFFC000  }
0x42: {  	[spmem:s1] =	stream.indirect.scatter.add.f32 [tilespmem:s21], [sflag:$0x3], $0x80, s19, s20, $0xb8;
	[tilespmem:$0x1D000] =	vst v63  }
0x43: {  	_ =	swait.ge [sflag:s18], $0x4000  }
0x44: {  	[sflag:s18] =	ssyncset.done $0x0  }
0x45: {  	s15 =	rddreg [dreg:$0x7];
	[sflag:s18] =	ssyncadd.s32 $0xFFFFC000  }
0x46: {  	[tilespmem:s21], [sflag:$0x1] =	stream.indirect.gather [hbm4b:s4+s20], $0x80, s15, s20, $0xb8;
	[tilespmem:$0x1D000] =	vst v63  }
0x47: {  	_ =	swait.ge [sflag:s24], $0x4000  }
0x48: {  	[sflag:s24] =	ssyncset.done $0x0  }
0x49: {  	s16 =	rddreg [dreg:$0x8];
	[sflag:s24] =	ssyncadd.s32 $0xFFFFC000  }
0x4a: {  	[spmem:s1] =	stream.indirect.scatter.add.f32 [tilespmem:s22], [sflag:$0x3], $0x80, s16, s20, $0xb8;
	[tilespmem:$0x1D000] =	vst v63  }
0x4b: {  	_ =	swait.ge [sflag:s18], $0x4000  }
0x4c: {  	[sflag:s18] =	ssyncset.done $0x0  }
0x4d: {  	s17 =	rddreg [dreg:$0x9];
	[sflag:s18] =	ssyncadd.s32 $0xFFFFC000  }
0x4e: {  	[tilespmem:s22], [sflag:$0x2] =	stream.indirect.gather [hbm4b:s4+s20], $0x80, s17, s20, $0xb8;
	[tilespmem:$0x1D000] =	vst v63  }
0x4f: {  	_ =	swait.ge [sflag:s23], $0x4000  }
0x50: {  	[sflag:s23] =	ssyncset.done $0x0  }
0x51: {  	s15 =	rddreg [dreg:$0xa];
	[sflag:s23] =	ssyncadd.s32 $0xFFFFC000  }
0x52: {  	[spmem:s1] =	stream.indirect.scatter.add.f32 [tilespmem:s21], [sflag:$0x3], $0x80, s15, s20, $0xb8;
	[tilespmem:$0x1D000] =	vst v63  }
0x53: {  	_ =	swait.ge [sflag:s18], $0x4000  }
0x54: {  	[sflag:s18] =	ssyncset.done $0x0  }
0x55: {  	s16 =	rddreg [dreg:$0xb];
	[sflag:s18] =	ssyncadd.s32 $0xFFFFC000  }
0x56: {  	[tilespmem:s21], [sflag:$0x1] =	stream.indirect.gather [hbm4b:s4+s20], $0x80, s16, s20, $0xb8;
	[tilespmem:$0x1D000] =	vst v63  }
0x57: {  	_ =	swait.ge [sflag:s24], $0x4000  }
0x58: {  	[sflag:s24] =	ssyncset.done $0x0  }
0x59: {  	s17 =	rddreg [dreg:$0xc];
	[sflag:s24] =	ssyncadd.s32 $0xFFFFC000  }
0x5a: {  	[spmem:s1] =	stream.indirect.scatter.add.f32 [tilespmem:s22], [sflag:$0x3], $0x80, s17, s20, $0xb8;
	[tilespmem:$0x1D000] =	vst v63  }
0x5b: {  	_ =	swait.ge [sflag:s18], $0x4000  }
0x5c: {  	[sflag:s18] =	ssyncset.done $0x0  }
0x5d: {  	s15 =	rddreg [dreg:$0xd];
	[sflag:s18] =	ssyncadd.s32 $0xFFFFC000  }
0x5e: {  	[tilespmem:s22], [sflag:$0x2] =	stream.indirect.gather [hbm4b:s4+s20], $0x80, s15, s20, $0xb8;
	[tilespmem:$0x1D000] =	vst v63  }
0x5f: {  	_ =	swait.ge [sflag:s23], $0x4000  }
0x60: {  	[sflag:s23] =	ssyncset.done $0x0  }
0x61: {  	s16 =	rddreg [dreg:$0xe];
	[sflag:s23] =	ssyncadd.s32 $0xFFFFC000  }
0x62: {  	[spmem:s1] =	stream.indirect.scatter.add.f32 [tilespmem:s21], [sflag:$0x3], $0x80, s16, s20, $0xb8;
	[tilespmem:$0x1D000] =	vst v63  }
0x63: {  	_ =	swait.ge [sflag:s18], $0x4000  }
0x64: {  	[sflag:s18] =	ssyncset.done $0x0  }
0x65: {  	s17 =	rddreg [dreg:$0xf];
	[sflag:s18] =	ssyncadd.s32 $0xFFFFC000  }
0x66: {  	[tilespmem:s21], [sflag:$0x1] =	stream.indirect.gather [hbm4b:s4+s20], $0x80, s17, s20, $0xb8;
	[tilespmem:$0x1D000] =	vst v63  }
0x67: {  	_ =	swait.ge [sflag:s24], $0x4000  }
0x68: {  	[sflag:s24] =	ssyncset.done $0x0  }
0x69: {  	s15 =	rddreg [dreg:$0x10];
	[sflag:s24] =	ssyncadd.s32 $0xFFFFC000  }
0x6a: {  	[spmem:s1] =	stream.indirect.scatter.add.f32 [tilespmem:s22], [sflag:$0x3], $0x80, s15, s20, $0xb8;
	[tilespmem:$0x1D000] =	vst v63  }
0x6b: {  	_ =	swait.ge [sflag:s18], $0x4000  }
0x6c: {  	[sflag:s18] =	ssyncset.done $0x0  }
0x6d: {  	s16 =	rddreg [dreg:$0x11];
	[sflag:s18] =	ssyncadd.s32 $0xFFFFC000  }
0x6e: {  	[tilespmem:s22], [sflag:$0x2] =	stream.indirect.gather [hbm4b:s4+s20], $0x80, s16, s20, $0xb8;
	[tilespmem:$0x1D000] =	vst v63  }
0x6f: {  	_ =	swait.ge [sflag:s23], $0x4000  }
0x70: {  	[sflag:s23] =	ssyncset.done $0x0  }
0x71: {  	s17 =	rddreg [dreg:$0x12];
	[sflag:s23] =	ssyncadd.s32 $0xFFFFC000  }
0x72: {  	[spmem:s1] =	stream.indirect.scatter.add.f32 [tilespmem:s21], [sflag:$0x3], $0x80, s17, s20, $0xb8;
	[tilespmem:$0x1D000] =	vst v63  }
0x73: {  	_ =	swait.ge [sflag:s18], $0x4000  }
0x74: {  	[sflag:s18] =	ssyncset.done $0x0  }
0x75: {  	[sflag:s18] =	ssyncadd.s32 $0xFFFFC000  }
0x76: {  	[tilespmem:s21], [sflag:$0x1] =	stream.indirect.gather [hbm4b:s4+s20], $0x80, s25, s20, $0xb8;
	[tilespmem:$0x1D000] =	vst v63  }
0x77: {  	_ =	swait.ge [sflag:s24], $0x4000  }
0x78: {  	[sflag:s24] =	ssyncset.done $0x0  }
0x79: {  	[sflag:s24] =	ssyncadd.s32 $0xFFFFC000  }
0x7a: {  	[spmem:s1] =	stream.indirect.scatter.add.f32 [tilespmem:s22], [sflag:$0x3], $0x80, s26, s20, $0xb8;
	[tilespmem:$0x1D000] =	vst v63  }
0x7b: {  	_ =	swait.ge [sflag:s18], $0x4000  }
0x7c: {  	[sflag:s18] =	ssyncset.done $0x0  }
0x7d: {  	[sflag:s18] =	ssyncadd.s32 $0xFFFFC000  }
0x7e: {  	[tilespmem:s22], [sflag:$0x2] =	stream.indirect.gather [hbm4b:s4+s20], $0x80, s28, s20, $0xb8;
	[tilespmem:$0x1D000] =	vst v63  }
0x7f: {  	_ =	swait.ge [sflag:s23], $0x4000  }
0x80: {  	[sflag:s23] =	ssyncset.done $0x0  }
0x81: {  	[sflag:s23] =	ssyncadd.s32 $0xFFFFC000  }
0x82: {  	[spmem:s1] =	stream.indirect.scatter.add.f32 [tilespmem:s21], [sflag:$0x3], $0x80, s29, s20, $0xb8;
	[tilespmem:$0x1D000] =	vst v63  }
0x83: {  	_ =	swait.ge [sflag:s18], $0x4000  }
0x84: {  	[sflag:s18] =	ssyncset.done $0x0  }
0x85: {  	[sflag:s18] =	ssyncadd.s32 $0xFFFFC000  }
0x86: {  	[tilespmem:s21], [sflag:$0x1] =	stream.indirect.gather [hbm4b:s4+s20], $0x80, s30, s20, $0xb8;
	[tilespmem:$0x1D000] =	vst v63  }
0x87: {  	_ =	swait.ge [sflag:s24], $0x4000  }
0x88: {  	[sflag:s24] =	ssyncset.done $0x0  }
0x89: {  	[sflag:s24] =	ssyncadd.s32 $0xFFFFC000  }
0x8a: {  	[spmem:s1] =	stream.indirect.scatter.add.f32 [tilespmem:s22], [sflag:$0x3], $0x80, s31, s20, $0xb8;
	[tilespmem:$0x1D000] =	vst v63  }
0x8b: {  	_ =	swait.ge [sflag:s18], $0x4000  }
0x8c: {  	[sflag:s18] =	ssyncset.done $0x0  }
0x8d: {  	[sflag:s18] =	ssyncadd.s32 $0xFFFFC000  }
0x8e: {  	[tilespmem:s22], [sflag:$0x2] =	stream.indirect.gather [hbm4b:s4+s20], $0x80, s0, s20, $0xb8;
	[tilespmem:$0x1D000] =	vst v63  }
0x8f: {  	_ =	swait.ge [sflag:s23], $0x4000  }
0x90: {  	[sflag:s23] =	ssyncset.done $0x0  }
0x91: {  	[sflag:s23] =	ssyncadd.s32 $0xFFFFC000  }
0x92: {  	[spmem:s1] =	stream.indirect.scatter.add.f32 [tilespmem:s21], [sflag:$0x3], $0x80, s3, s20, $0xb8;
	[tilespmem:$0x1D000] =	vst v63  }
0x93: {  	_ =	swait.ge [sflag:s18], $0x4000  }
0x94: {  	[sflag:s18] =	ssyncset.done $0x0  }
0x95: {  	[sflag:s18] =	ssyncadd.s32 $0xFFFFC000  }
0x96: {  	[tilespmem:s21], [sflag:$0x1] =	stream.indirect.gather [hbm4b:s4+s20], $0x80, s5, s20, $0xb8;
	[tilespmem:$0x1D000] =	vst v63  }
0x97: {  	_ =	swait.ge [sflag:s24], $0x4000  }
0x98: {  	[sflag:s24] =	ssyncset.done $0x0  }
0x99: {  	[sflag:s24] =	ssyncadd.s32 $0xFFFFC000  }
0x9a: {  	[spmem:s1] =	stream.indirect.scatter.add.f32 [tilespmem:s22], [sflag:$0x3], $0x80, s7, s20, $0xb8;
	[tilespmem:$0x1D000] =	vst v63  }
0x9b: {  	_ =	swait.ge [sflag:s18], $0x4000  }
0x9c: {  	[sflag:s18] =	ssyncset.done $0x0  }
0x9d: {  	[sflag:s18] =	ssyncadd.s32 $0xFFFFC000  }
0x9e: {  	[tilespmem:s22], [sflag:$0x2] =	stream.indirect.gather [hbm4b:s4+s20], $0x80, s8, s20, $0xb8;
	[tilespmem:$0x1D000] =	vst v63  }
0x9f: {  	_ =	swait.ge [sflag:s23], $0x4000  }
0xa0: {  	[sflag:s23] =	ssyncset.done $0x0  }
0xa1: {  	[sflag:s23] =	ssyncadd.s32 $0xFFFFC000  }
0xa2: {  	[spmem:s1] =	stream.indirect.scatter.add.f32 [tilespmem:s21], [sflag:$0x3], $0x80, s9, s20, $0xb8;
	[tilespmem:$0x1D000] =	vst v63  }
0xa3: {  	_ =	swait.ge [sflag:s18], $0x4000  }
0xa4: {  	[sflag:s18] =	ssyncset.done $0x0  }
0xa5: {  	[sflag:s18] =	ssyncadd.s32 $0xFFFFC000  }
0xa6: {  	[tilespmem:s21], [sflag:$0x1] =	stream.indirect.gather [hbm4b:s4+s20], $0x80, s10, s20, $0xb8;
	[tilespmem:$0x1D000] =	vst v63  }
0xa7: {  	_ =	swait.ge [sflag:s24], $0x4000  }
0xa8: {  	[sflag:s24] =	ssyncset.done $0x0  }
0xa9: {  	[sflag:s24] =	ssyncadd.s32 $0xFFFFC000  }
0xaa: {  	[spmem:s1] =	stream.indirect.scatter.add.f32 [tilespmem:s22], [sflag:$0x3], $0x80, s11, s20, $0xb8;
	[tilespmem:$0x1D000] =	vst v63  }
0xab: {  	_ =	swait.ge [sflag:s18], $0x4000  }
0xac: {  	[sflag:s18] =	ssyncset.done $0x0  }
0xad: {  	[sflag:s18] =	ssyncadd.s32 $0xFFFFC000  }
0xae: {  	[tilespmem:s22], [sflag:$0x2] =	stream.indirect.gather [hbm4b:s4+s20], $0x80, s12, s20, $0xb8;
	[tilespmem:$0x1D000] =	vst v63  }
0xaf: {  	_ =	swait.ge [sflag:s23], $0x4000  }
0xb0: {  	[sflag:s23] =	ssyncset.done $0x0  }
0xb1: {  	[sflag:s23] =	ssyncadd.s32 $0xFFFFC000  }
0xb2: {  	[spmem:s1] =	stream.indirect.scatter.add.f32 [tilespmem:s21], [sflag:$0x3], $0x80, s13, s20, $0xb8;
	[tilespmem:$0x1D000] =	vst v63  }
0xb3: {  	_ =	swait.ge [sflag:s18], $0x4000  }
0xb4: {  	[sflag:s18] =	ssyncset.done $0x0  }
0xb5: {  	[sflag:s18] =	ssyncadd.s32 $0xFFFFC000  }
0xb6: {  	_ =	swait.ge [sflag:s24], $0x4000  }
0xb7: {  	[sflag:s24] =	ssyncset.done $0x0  }
0xb8: {  	[sflag:s24] =	ssyncadd.s32 $0xFFFFC000  }
0xb9: {  	[spmem:s1] =	stream.indirect.scatter.add.f32 [tilespmem:s22], [sflag:$0x3], $0x80, s14, s20, $0xb8;
	[tilespmem:$0x1D000] =	vst v63  }
0xba: {  	s16 =	simm.s32 $0x100;
	_ =	swait.ge [sflag:s18], $0x4000  }
0xbb: {  	s17 =	simm.s32 $0x200;
	s6 =	rddreg [dreg:$0x6];
	[sflag:s18] =	ssyncset.done $0x0  }
.LBB2_2:
0xbc: {  	[sflag:s18] =	ssyncadd.s32 $0xFFFFC000;
	s6 =	sadd.s32 s16, s6  }
0xbd: {  	[tilespmem:s2], [sflag:$0x3] =	stream.linear.gather [hbm4b:s6+s2], $0x800, $0x38;
	[tilespmem:$0x1D000] =	vst v63  }
0xbe: {  	_ =	swait.ge [sflag:s18], $0x800  }
0xbf: {  	s6 =	rddreg [dreg:$0x5];
	[sflag:s18] =	ssyncset.done $0x0  }
0xc0: {  	[sflag:s18] =	ssyncadd.s32 $0xFFFFF800;
	s6 =	sadd.s32 s16, s6  }
0xc1: {  	[tilespmem:s19], [sflag:$0x3] =	stream.linear.gather [hbm4b:s6+s2], $0x800, $0x38;
	[tilespmem:$0x1D000] =	vst v63  }
0xc2: {  	_ =	swait.ge [sflag:s18], $0x800  }
0xc3: {  	[sflag:s18] =	ssyncset.done $0x0  }
0xc4: {  	[sflag:s18] =	ssyncadd.s32 $0xFFFFF800  }
0xc5: {  	[tilespmem:s21], [sflag:$0x1] =	stream.indirect.gather [hbm4b:s4+s20], $0x80, s2, s20, $0xb8;
	[tilespmem:$0x1D000] =	vst v63  }
0xc6: {  	_ = 	snop  }
0xc7: {  	[tilespmem:s22], [sflag:$0x2] =	stream.indirect.gather [hbm4b:s4+s20], $0x80, s20, s20, $0xb8;
	[tilespmem:$0x1D000] =	vst v63  }
0xc8: {  	_ =	swait.ge [sflag:s23], $0x4000  }
0xc9: {  	[sflag:s23] =	ssyncset.done $0x0  }
0xca: {  	[sflag:s23] =	ssyncadd.s32 $0xFFFFC000  }
0xcb: {  	[spmem:s1] =	stream.indirect.scatter.add.f32 [tilespmem:s21], [sflag:$0x3], $0x80, s19, s20, $0xb8;
	[tilespmem:$0x1D000] =	vst v63  }
0xcc: {  	_ =	swait.ge [sflag:s18], $0x4000  }
0xcd: {  	s15 =	smov.u32 s17;
	[sflag:s18] =	ssyncset.done $0x0  }
0xce: {  	s16 =	smov.u32 s15;
	s15 =	rddreg [dreg:$0x7];
	[sflag:s18] =	ssyncadd.s32 $0xFFFFC000  }
0xcf: {  	[tilespmem:s21], [sflag:$0x1] =	stream.indirect.gather [hbm4b:s4+s20], $0x80, s15, s20, $0xb8;
	[tilespmem:$0x1D000] =	vst v63  }
0xd0: {  	_ =	swait.ge [sflag:s24], $0x4000  }
0xd1: {  	[sflag:s24] =	ssyncset.done $0x0  }
0xd2: {  	s15 =	rddreg [dreg:$0x8];
	[sflag:s24] =	ssyncadd.s32 $0xFFFFC000  }
0xd3: {  	[spmem:s1] =	stream.indirect.scatter.add.f32 [tilespmem:s22], [sflag:$0x3], $0x80, s15, s20, $0xb8;
	[tilespmem:$0x1D000] =	vst v63  }
0xd4: {  	_ =	swait.ge [sflag:s18], $0x4000  }
0xd5: {  	[sflag:s18] =	ssyncset.done $0x0  }
0xd6: {  	s15 =	rddreg [dreg:$0x9];
	[sflag:s18] =	ssyncadd.s32 $0xFFFFC000  }
0xd7: {  	[tilespmem:s22], [sflag:$0x2] =	stream.indirect.gather [hbm4b:s4+s20], $0x80, s15, s20, $0xb8;
	[tilespmem:$0x1D000] =	vst v63  }
0xd8: {  	_ =	swait.ge [sflag:s23], $0x4000  }
0xd9: {  	[sflag:s23] =	ssyncset.done $0x0  }
0xda: {  	s15 =	rddreg [dreg:$0xa];
	[sflag:s23] =	ssyncadd.s32 $0xFFFFC000  }
0xdb: {  	[spmem:s1] =	stream.indirect.scatter.add.f32 [tilespmem:s21], [sflag:$0x3], $0x80, s15, s20, $0xb8;
	[tilespmem:$0x1D000] =	vst v63  }
0xdc: {  	_ =	swait.ge [sflag:s18], $0x4000  }
0xdd: {  	[sflag:s18] =	ssyncset.done $0x0  }
0xde: {  	s15 =	rddreg [dreg:$0xb];
	[sflag:s18] =	ssyncadd.s32 $0xFFFFC000  }
0xdf: {  	[tilespmem:s21], [sflag:$0x1] =	stream.indirect.gather [hbm4b:s4+s20], $0x80, s15, s20, $0xb8;
	[tilespmem:$0x1D000] =	vst v63  }
0xe0: {  	_ =	swait.ge [sflag:s24], $0x4000  }
0xe1: {  	[sflag:s24] =	ssyncset.done $0x0  }
0xe2: {  	s15 =	rddreg [dreg:$0xc];
	[sflag:s24] =	ssyncadd.s32 $0xFFFFC000  }
0xe3: {  	[spmem:s1] =	stream.indirect.scatter.add.f32 [tilespmem:s22], [sflag:$0x3], $0x80, s15, s20, $0xb8;
	[tilespmem:$0x1D000] =	vst v63  }
0xe4: {  	_ =	swait.ge [sflag:s18], $0x4000  }
0xe5: {  	[sflag:s18] =	ssyncset.done $0x0  }
0xe6: {  	s15 =	rddreg [dreg:$0xd];
	[sflag:s18] =	ssyncadd.s32 $0xFFFFC000  }
0xe7: {  	[tilespmem:s22], [sflag:$0x2] =	stream.indirect.gather [hbm4b:s4+s20], $0x80, s15, s20, $0xb8;
	[tilespmem:$0x1D000] =	vst v63  }
0xe8: {  	_ =	swait.ge [sflag:s23], $0x4000  }
0xe9: {  	[sflag:s23] =	ssyncset.done $0x0  }
0xea: {  	s15 =	rddreg [dreg:$0xe];
	[sflag:s23] =	ssyncadd.s32 $0xFFFFC000  }
0xeb: {  	[spmem:s1] =	stream.indirect.scatter.add.f32 [tilespmem:s21], [sflag:$0x3], $0x80, s15, s20, $0xb8;
	[tilespmem:$0x1D000] =	vst v63  }
0xec: {  	_ =	swait.ge [sflag:s18], $0x4000  }
0xed: {  	[sflag:s18] =	ssyncset.done $0x0  }
0xee: {  	s15 =	rddreg [dreg:$0xf];
	[sflag:s18] =	ssyncadd.s32 $0xFFFFC000  }
0xef: {  	[tilespmem:s21], [sflag:$0x1] =	stream.indirect.gather [hbm4b:s4+s20], $0x80, s15, s20, $0xb8;
	[tilespmem:$0x1D000] =	vst v63  }
0xf0: {  	_ =	swait.ge [sflag:s24], $0x4000  }
0xf1: {  	[sflag:s24] =	ssyncset.done $0x0  }
0xf2: {  	s15 =	rddreg [dreg:$0x10];
	[sflag:s24] =	ssyncadd.s32 $0xFFFFC000  }
0xf3: {  	[spmem:s1] =	stream.indirect.scatter.add.f32 [tilespmem:s22], [sflag:$0x3], $0x80, s15, s20, $0xb8;
	[tilespmem:$0x1D000] =	vst v63  }
0xf4: {  	_ =	swait.ge [sflag:s18], $0x4000  }
0xf5: {  	[sflag:s18] =	ssyncset.done $0x0  }
0xf6: {  	s15 =	rddreg [dreg:$0x11];
	[sflag:s18] =	ssyncadd.s32 $0xFFFFC000  }
0xf7: {  	[tilespmem:s22], [sflag:$0x2] =	stream.indirect.gather [hbm4b:s4+s20], $0x80, s15, s20, $0xb8;
	[tilespmem:$0x1D000] =	vst v63  }
0xf8: {  	_ =	swait.ge [sflag:s23], $0x4000  }
0xf9: {  	[sflag:s23] =	ssyncset.done $0x0  }
0xfa: {  	s15 =	rddreg [dreg:$0x12];
	[sflag:s23] =	ssyncadd.s32 $0xFFFFC000  }
0xfb: {  	[spmem:s1] =	stream.indirect.scatter.add.f32 [tilespmem:s21], [sflag:$0x3], $0x80, s15, s20, $0xb8;
	[tilespmem:$0x1D000] =	vst v63  }
0xfc: {  	_ =	swait.ge [sflag:s18], $0x4000  }
0xfd: {  	[sflag:s18] =	ssyncset.done $0x0  }
0xfe: {  	[sflag:s18] =	ssyncadd.s32 $0xFFFFC000  }
0xff: {  	[tilespmem:s21], [sflag:$0x1] =	stream.indirect.gather [hbm4b:s4+s20], $0x80, s25, s20, $0xb8;
	[tilespmem:$0x1D000] =	vst v63  }
0x100: {  	_ =	swait.ge [sflag:s24], $0x4000  }
0x101: {  	[sflag:s24] =	ssyncset.done $0x0  }
0x102: {  	[sflag:s24] =	ssyncadd.s32 $0xFFFFC000  }
0x103: {  	[spmem:s1] =	stream.indirect.scatter.add.f32 [tilespmem:s22], [sflag:$0x3], $0x80, s26, s20, $0xb8;
	[tilespmem:$0x1D000] =	vst v63  }
0x104: {  	_ =	swait.ge [sflag:s18], $0x4000  }
0x105: {  	[sflag:s18] =	ssyncset.done $0x0  }
0x106: {  	[sflag:s18] =	ssyncadd.s32 $0xFFFFC000  }
0x107: {  	[tilespmem:s22], [sflag:$0x2] =	stream.indirect.gather [hbm4b:s4+s20], $0x80, s28, s20, $0xb8;
	[tilespmem:$0x1D000] =	vst v63  }
0x108: {  	_ =	swait.ge [sflag:s23], $0x4000  }
0x109: {  	[sflag:s23] =	ssyncset.done $0x0  }
0x10a: {  	[sflag:s23] =	ssyncadd.s32 $0xFFFFC000  }
0x10b: {  	[spmem:s1] =	stream.indirect.scatter.add.f32 [tilespmem:s21], [sflag:$0x3], $0x80, s29, s20, $0xb8;
	[tilespmem:$0x1D000] =	vst v63  }
0x10c: {  	_ =	swait.ge [sflag:s18], $0x4000  }
0x10d: {  	[sflag:s18] =	ssyncset.done $0x0  }
0x10e: {  	[sflag:s18] =	ssyncadd.s32 $0xFFFFC000  }
0x10f: {  	[tilespmem:s21], [sflag:$0x1] =	stream.indirect.gather [hbm4b:s4+s20], $0x80, s30, s20, $0xb8;
	[tilespmem:$0x1D000] =	vst v63  }
0x110: {  	_ =	swait.ge [sflag:s24], $0x4000  }
0x111: {  	[sflag:s24] =	ssyncset.done $0x0  }
0x112: {  	[sflag:s24] =	ssyncadd.s32 $0xFFFFC000  }
0x113: {  	[spmem:s1] =	stream.indirect.scatter.add.f32 [tilespmem:s22], [sflag:$0x3], $0x80, s31, s20, $0xb8;
	[tilespmem:$0x1D000] =	vst v63  }
0x114: {  	_ =	swait.ge [sflag:s18], $0x4000  }
0x115: {  	[sflag:s18] =	ssyncset.done $0x0  }
0x116: {  	[sflag:s18] =	ssyncadd.s32 $0xFFFFC000  }
0x117: {  	[tilespmem:s22], [sflag:$0x2] =	stream.indirect.gather [hbm4b:s4+s20], $0x80, s0, s20, $0xb8;
	[tilespmem:$0x1D000] =	vst v63  }
0x118: {  	_ =	swait.ge [sflag:s23], $0x4000  }
0x119: {  	[sflag:s23] =	ssyncset.done $0x0  }
0x11a: {  	[sflag:s23] =	ssyncadd.s32 $0xFFFFC000  }
0x11b: {  	[spmem:s1] =	stream.indirect.scatter.add.f32 [tilespmem:s21], [sflag:$0x3], $0x80, s3, s20, $0xb8;
	[tilespmem:$0x1D000] =	vst v63  }
0x11c: {  	_ =	swait.ge [sflag:s18], $0x4000  }
0x11d: {  	[sflag:s18] =	ssyncset.done $0x0  }
0x11e: {  	[sflag:s18] =	ssyncadd.s32 $0xFFFFC000  }
0x11f: {  	[tilespmem:s21], [sflag:$0x1] =	stream.indirect.gather [hbm4b:s4+s20], $0x80, s5, s20, $0xb8;
	[tilespmem:$0x1D000] =	vst v63  }
0x120: {  	_ =	swait.ge [sflag:s24], $0x4000  }
0x121: {  	[sflag:s24] =	ssyncset.done $0x0  }
0x122: {  	[sflag:s24] =	ssyncadd.s32 $0xFFFFC000  }
0x123: {  	[spmem:s1] =	stream.indirect.scatter.add.f32 [tilespmem:s22], [sflag:$0x3], $0x80, s7, s20, $0xb8;
	[tilespmem:$0x1D000] =	vst v63  }
0x124: {  	_ =	swait.ge [sflag:s18], $0x4000  }
0x125: {  	[sflag:s18] =	ssyncset.done $0x0  }
0x126: {  	[sflag:s18] =	ssyncadd.s32 $0xFFFFC000  }
0x127: {  	[tilespmem:s22], [sflag:$0x2] =	stream.indirect.gather [hbm4b:s4+s20], $0x80, s8, s20, $0xb8;
	[tilespmem:$0x1D000] =	vst v63  }
0x128: {  	_ =	swait.ge [sflag:s23], $0x4000  }
0x129: {  	[sflag:s23] =	ssyncset.done $0x0  }
0x12a: {  	[sflag:s23] =	ssyncadd.s32 $0xFFFFC000  }
0x12b: {  	[spmem:s1] =	stream.indirect.scatter.add.f32 [tilespmem:s21], [sflag:$0x3], $0x80, s9, s20, $0xb8;
	[tilespmem:$0x1D000] =	vst v63  }
0x12c: {  	_ =	swait.ge [sflag:s18], $0x4000  }
0x12d: {  	[sflag:s18] =	ssyncset.done $0x0  }
0x12e: {  	[sflag:s18] =	ssyncadd.s32 $0xFFFFC000  }
0x12f: {  	[tilespmem:s21], [sflag:$0x1] =	stream.indirect.gather [hbm4b:s4+s20], $0x80, s10, s20, $0xb8;
	[tilespmem:$0x1D000] =	vst v63  }
0x130: {  	_ =	swait.ge [sflag:s24], $0x4000  }
0x131: {  	[sflag:s24] =	ssyncset.done $0x0  }
0x132: {  	[sflag:s24] =	ssyncadd.s32 $0xFFFFC000  }
0x133: {  	[spmem:s1] =	stream.indirect.scatter.add.f32 [tilespmem:s22], [sflag:$0x3], $0x80, s11, s20, $0xb8;
	[tilespmem:$0x1D000] =	vst v63  }
0x134: {  	_ =	swait.ge [sflag:s18], $0x4000  }
0x135: {  	[sflag:s18] =	ssyncset.done $0x0  }
0x136: {  	[sflag:s18] =	ssyncadd.s32 $0xFFFFC000  }
0x137: {  	[tilespmem:s22], [sflag:$0x2] =	stream.indirect.gather [hbm4b:s4+s20], $0x80, s12, s20, $0xb8;
	[tilespmem:$0x1D000] =	vst v63  }
0x138: {  	_ =	swait.ge [sflag:s23], $0x4000  }
0x139: {  	[sflag:s23] =	ssyncset.done $0x0  }
0x13a: {  	[sflag:s23] =	ssyncadd.s32 $0xFFFFC000  }
0x13b: {  	[spmem:s1] =	stream.indirect.scatter.add.f32 [tilespmem:s21], [sflag:$0x3], $0x80, s13, s20, $0xb8;
	[tilespmem:$0x1D000] =	vst v63  }
0x13c: {  	_ =	swait.ge [sflag:s18], $0x4000  }
0x13d: {  	[sflag:s18] =	ssyncset.done $0x0  }
0x13e: {  	[sflag:s18] =	ssyncadd.s32 $0xFFFFC000  }
0x13f: {  	p0 =	sne.s32 s17, $0x900;
	_ =	swait.ge [sflag:s24], $0x4000  }
.Ltmp0:
0x140: {  	[sflag:s24] =	ssyncset.done $0x0;
	(pc) =	sbr.rel @p0 .LBB2_2-.Ltmp0, $4  }
0x141: {  	[sflag:s24] =	ssyncadd.s32 $0xFFFFC000  }
0x142: {  	[spmem:s1] =	stream.indirect.scatter.add.f32 [tilespmem:s22], [sflag:$0x3], $0x80, s14, s20, $0xb8;
	[tilespmem:$0x1D000] =	vst v63  }
0x143: {  	_ =	swait.ge [sflag:s18], $0x4000  }
0x144: {  	s17 =	sadd.s32 $0x100, s17;
	s6 =	rddreg [dreg:$0x6];
	[sflag:s18] =	ssyncset.done $0x0  }
0x145: {  	[sflag:s18] =	ssyncadd.s32 $0xFFFFC000;
	s6 =	sadd.s32 s16, s6  }
0x146: {  	[tilespmem:s2], [sflag:$0x3] =	stream.linear.gather [hbm4b:s6+s2], $0x800, $0x38;
	[tilespmem:$0x1D000] =	vst v63  }
0x147: {  	_ =	swait.ge [sflag:s18], $0x800  }
0x148: {  	s15 =	rddreg [dreg:$0x5];
	[sflag:s18] =	ssyncset.done $0x0  }
0x149: {  	s6 =	sadd.s32 s16, s15;
	[sflag:s18] =	ssyncadd.s32 $0xFFFFF800  }
0x14a: {  	[tilespmem:s19], [sflag:$0x3] =	stream.linear.gather [hbm4b:s6+s2], $0x800, $0x38;
	[tilespmem:$0x1D000] =	vst v63  }
0x14b: {  	_ =	swait.ge [sflag:s18], $0x800  }
0x14c: {  	[sflag:s18] =	ssyncset.done $0x0  }
0x14d: {  	[sflag:s18] =	ssyncadd.s32 $0xFFFFF800  }
0x14e: {  	[tilespmem:s21], [sflag:$0x1] =	stream.indirect.gather [hbm4b:s4+s20], $0x80, s2, s20, $0xb8;
	[tilespmem:$0x1D000] =	vst v63  }
0x14f: {  	_ = 	snop  }
0x150: {  	[tilespmem:s22], [sflag:$0x2] =	stream.indirect.gather [hbm4b:s4+s20], $0x80, s20, s20, $0xb8;
	[tilespmem:$0x1D000] =	vst v63  }
0x151: {  	_ =	swait.ge [sflag:s23], $0x4000  }
0x152: {  	[sflag:s23] =	ssyncset.done $0x0  }
0x153: {  	[sflag:s23] =	ssyncadd.s32 $0xFFFFC000  }
0x154: {  	[spmem:s1] =	stream.indirect.scatter.add.f32 [tilespmem:s21], [sflag:$0x3], $0x80, s19, s20, $0xb8;
	[tilespmem:$0x1D000] =	vst v63  }
0x155: {  	_ =	swait.ge [sflag:s18], $0x4000  }
0x156: {  	[sflag:s18] =	ssyncset.done $0x0  }
0x157: {  	s17 =	rddreg [dreg:$0x7];
	[sflag:s18] =	ssyncadd.s32 $0xFFFFC000  }
0x158: {  	[tilespmem:s21], [sflag:$0x1] =	stream.indirect.gather [hbm4b:s4+s20], $0x80, s17, s20, $0xb8;
	[tilespmem:$0x1D000] =	vst v63  }
0x159: {  	_ =	swait.ge [sflag:s24], $0x4000  }
0x15a: {  	[sflag:s24] =	ssyncset.done $0x0  }
0x15b: {  	s15 =	rddreg [dreg:$0x8];
	[sflag:s24] =	ssyncadd.s32 $0xFFFFC000  }
0x15c: {  	[spmem:s1] =	stream.indirect.scatter.add.f32 [tilespmem:s22], [sflag:$0x3], $0x80, s15, s20, $0xb8;
	[tilespmem:$0x1D000] =	vst v63  }
0x15d: {  	_ =	swait.ge [sflag:s18], $0x4000  }
0x15e: {  	[sflag:s18] =	ssyncset.done $0x0  }
0x15f: {  	s16 =	rddreg [dreg:$0x9];
	[sflag:s18] =	ssyncadd.s32 $0xFFFFC000  }
0x160: {  	[tilespmem:s22], [sflag:$0x2] =	stream.indirect.gather [hbm4b:s4+s20], $0x80, s16, s20, $0xb8;
	[tilespmem:$0x1D000] =	vst v63  }
0x161: {  	_ =	swait.ge [sflag:s23], $0x4000  }
0x162: {  	[sflag:s23] =	ssyncset.done $0x0  }
0x163: {  	s17 =	rddreg [dreg:$0xa];
	[sflag:s23] =	ssyncadd.s32 $0xFFFFC000  }
0x164: {  	[spmem:s1] =	stream.indirect.scatter.add.f32 [tilespmem:s21], [sflag:$0x3], $0x80, s17, s20, $0xb8;
	[tilespmem:$0x1D000] =	vst v63  }
0x165: {  	_ =	swait.ge [sflag:s18], $0x4000  }
0x166: {  	[sflag:s18] =	ssyncset.done $0x0  }
0x167: {  	s15 =	rddreg [dreg:$0xb];
	[sflag:s18] =	ssyncadd.s32 $0xFFFFC000  }
0x168: {  	[tilespmem:s21], [sflag:$0x1] =	stream.indirect.gather [hbm4b:s4+s20], $0x80, s15, s20, $0xb8;
	[tilespmem:$0x1D000] =	vst v63  }
0x169: {  	_ =	swait.ge [sflag:s24], $0x4000  }
0x16a: {  	[sflag:s24] =	ssyncset.done $0x0  }
0x16b: {  	s16 =	rddreg [dreg:$0xc];
	[sflag:s24] =	ssyncadd.s32 $0xFFFFC000  }
0x16c: {  	[spmem:s1] =	stream.indirect.scatter.add.f32 [tilespmem:s22], [sflag:$0x3], $0x80, s16, s20, $0xb8;
	[tilespmem:$0x1D000] =	vst v63  }
0x16d: {  	_ =	swait.ge [sflag:s18], $0x4000  }
0x16e: {  	[sflag:s18] =	ssyncset.done $0x0  }
0x16f: {  	s17 =	rddreg [dreg:$0xd];
	[sflag:s18] =	ssyncadd.s32 $0xFFFFC000  }
0x170: {  	[tilespmem:s22], [sflag:$0x2] =	stream.indirect.gather [hbm4b:s4+s20], $0x80, s17, s20, $0xb8;
	[tilespmem:$0x1D000] =	vst v63  }
0x171: {  	_ =	swait.ge [sflag:s23], $0x4000  }
0x172: {  	[sflag:s23] =	ssyncset.done $0x0  }
0x173: {  	s15 =	rddreg [dreg:$0xe];
	[sflag:s23] =	ssyncadd.s32 $0xFFFFC000  }
0x174: {  	[spmem:s1] =	stream.indirect.scatter.add.f32 [tilespmem:s21], [sflag:$0x3], $0x80, s15, s20, $0xb8;
	[tilespmem:$0x1D000] =	vst v63  }
0x175: {  	_ =	swait.ge [sflag:s18], $0x4000  }
0x176: {  	[sflag:s18] =	ssyncset.done $0x0  }
0x177: {  	s16 =	rddreg [dreg:$0xf];
	[sflag:s18] =	ssyncadd.s32 $0xFFFFC000  }
0x178: {  	[tilespmem:s21], [sflag:$0x1] =	stream.indirect.gather [hbm4b:s4+s20], $0x80, s16, s20, $0xb8;
	[tilespmem:$0x1D000] =	vst v63  }
0x179: {  	_ =	swait.ge [sflag:s24], $0x4000  }
0x17a: {  	[sflag:s24] =	ssyncset.done $0x0  }
0x17b: {  	s17 =	rddreg [dreg:$0x10];
	[sflag:s24] =	ssyncadd.s32 $0xFFFFC000  }
0x17c: {  	[spmem:s1] =	stream.indirect.scatter.add.f32 [tilespmem:s22], [sflag:$0x3], $0x80, s17, s20, $0xb8;
	[tilespmem:$0x1D000] =	vst v63  }
0x17d: {  	_ =	swait.ge [sflag:s18], $0x4000  }
0x17e: {  	[sflag:s18] =	ssyncset.done $0x0  }
0x17f: {  	s15 =	rddreg [dreg:$0x11];
	[sflag:s18] =	ssyncadd.s32 $0xFFFFC000  }
0x180: {  	[tilespmem:s22], [sflag:$0x2] =	stream.indirect.gather [hbm4b:s4+s20], $0x80, s15, s20, $0xb8;
	[tilespmem:$0x1D000] =	vst v63  }
0x181: {  	_ =	swait.ge [sflag:s23], $0x4000  }
0x182: {  	[sflag:s23] =	ssyncset.done $0x0  }
0x183: {  	s16 =	rddreg [dreg:$0x12];
	[sflag:s23] =	ssyncadd.s32 $0xFFFFC000  }
0x184: {  	[spmem:s1] =	stream.indirect.scatter.add.f32 [tilespmem:s21], [sflag:$0x3], $0x80, s16, s20, $0xb8;
	[tilespmem:$0x1D000] =	vst v63  }
0x185: {  	_ =	swait.ge [sflag:s18], $0x4000  }
0x186: {  	[sflag:s18] =	ssyncset.done $0x0  }
0x187: {  	[sflag:s18] =	ssyncadd.s32 $0xFFFFC000  }
0x188: {  	[tilespmem:s21], [sflag:$0x1] =	stream.indirect.gather [hbm4b:s4+s20], $0x80, s25, s20, $0xb8;
	[tilespmem:$0x1D000] =	vst v63  }
0x189: {  	_ =	swait.ge [sflag:s24], $0x4000  }
0x18a: {  	[sflag:s24] =	ssyncset.done $0x0  }
0x18b: {  	[sflag:s24] =	ssyncadd.s32 $0xFFFFC000  }
0x18c: {  	[spmem:s1] =	stream.indirect.scatter.add.f32 [tilespmem:s22], [sflag:$0x3], $0x80, s26, s20, $0xb8;
	[tilespmem:$0x1D000] =	vst v63  }
0x18d: {  	_ =	swait.ge [sflag:s18], $0x4000  }
0x18e: {  	[sflag:s18] =	ssyncset.done $0x0  }
0x18f: {  	[sflag:s18] =	ssyncadd.s32 $0xFFFFC000  }
0x190: {  	[tilespmem:s22], [sflag:$0x2] =	stream.indirect.gather [hbm4b:s4+s20], $0x80, s28, s20, $0xb8;
	[tilespmem:$0x1D000] =	vst v63  }
0x191: {  	_ =	swait.ge [sflag:s23], $0x4000  }
0x192: {  	[sflag:s23] =	ssyncset.done $0x0  }
0x193: {  	[sflag:s23] =	ssyncadd.s32 $0xFFFFC000  }
0x194: {  	[spmem:s1] =	stream.indirect.scatter.add.f32 [tilespmem:s21], [sflag:$0x3], $0x80, s29, s20, $0xb8;
	[tilespmem:$0x1D000] =	vst v63  }
0x195: {  	_ =	swait.ge [sflag:s18], $0x4000  }
0x196: {  	[sflag:s18] =	ssyncset.done $0x0  }
0x197: {  	[sflag:s18] =	ssyncadd.s32 $0xFFFFC000  }
0x198: {  	[tilespmem:s21], [sflag:$0x1] =	stream.indirect.gather [hbm4b:s4+s20], $0x80, s30, s20, $0xb8;
	[tilespmem:$0x1D000] =	vst v63  }
0x199: {  	_ =	swait.ge [sflag:s24], $0x4000  }
0x19a: {  	[sflag:s24] =	ssyncset.done $0x0  }
0x19b: {  	[sflag:s24] =	ssyncadd.s32 $0xFFFFC000  }
0x19c: {  	[spmem:s1] =	stream.indirect.scatter.add.f32 [tilespmem:s22], [sflag:$0x3], $0x80, s31, s20, $0xb8;
	[tilespmem:$0x1D000] =	vst v63  }
0x19d: {  	_ =	swait.ge [sflag:s18], $0x4000  }
0x19e: {  	[sflag:s18] =	ssyncset.done $0x0  }
0x19f: {  	[sflag:s18] =	ssyncadd.s32 $0xFFFFC000  }
0x1a0: {  	[tilespmem:s22], [sflag:$0x2] =	stream.indirect.gather [hbm4b:s4+s20], $0x80, s0, s20, $0xb8;
	[tilespmem:$0x1D000] =	vst v63  }
0x1a1: {  	_ =	swait.ge [sflag:s23], $0x4000  }
0x1a2: {  	[sflag:s23] =	ssyncset.done $0x0  }
0x1a3: {  	[sflag:s23] =	ssyncadd.s32 $0xFFFFC000  }
0x1a4: {  	[spmem:s1] =	stream.indirect.scatter.add.f32 [tilespmem:s21], [sflag:$0x3], $0x80, s3, s20, $0xb8;
	[tilespmem:$0x1D000] =	vst v63  }
0x1a5: {  	_ =	swait.ge [sflag:s18], $0x4000  }
0x1a6: {  	[sflag:s18] =	ssyncset.done $0x0  }
0x1a7: {  	[sflag:s18] =	ssyncadd.s32 $0xFFFFC000  }
0x1a8: {  	[tilespmem:s21], [sflag:$0x1] =	stream.indirect.gather [hbm4b:s4+s20], $0x80, s5, s20, $0xb8;
	[tilespmem:$0x1D000] =	vst v63  }
0x1a9: {  	_ =	swait.ge [sflag:s24], $0x4000  }
0x1aa: {  	[sflag:s24] =	ssyncset.done $0x0  }
0x1ab: {  	[sflag:s24] =	ssyncadd.s32 $0xFFFFC000  }
0x1ac: {  	[spmem:s1] =	stream.indirect.scatter.add.f32 [tilespmem:s22], [sflag:$0x3], $0x80, s7, s20, $0xb8;
	[tilespmem:$0x1D000] =	vst v63  }
0x1ad: {  	_ =	swait.ge [sflag:s18], $0x4000  }
0x1ae: {  	[sflag:s18] =	ssyncset.done $0x0  }
0x1af: {  	[sflag:s18] =	ssyncadd.s32 $0xFFFFC000  }
0x1b0: {  	[tilespmem:s22], [sflag:$0x2] =	stream.indirect.gather [hbm4b:s4+s20], $0x80, s8, s20, $0xb8;
	[tilespmem:$0x1D000] =	vst v63  }
0x1b1: {  	_ =	swait.ge [sflag:s23], $0x4000  }
0x1b2: {  	[sflag:s23] =	ssyncset.done $0x0  }
0x1b3: {  	[sflag:s23] =	ssyncadd.s32 $0xFFFFC000  }
0x1b4: {  	[spmem:s1] =	stream.indirect.scatter.add.f32 [tilespmem:s21], [sflag:$0x3], $0x80, s9, s20, $0xb8;
	[tilespmem:$0x1D000] =	vst v63  }
0x1b5: {  	_ =	swait.ge [sflag:s18], $0x4000  }
0x1b6: {  	[sflag:s18] =	ssyncset.done $0x0  }
0x1b7: {  	[sflag:s18] =	ssyncadd.s32 $0xFFFFC000  }
0x1b8: {  	[tilespmem:s21], [sflag:$0x1] =	stream.indirect.gather [hbm4b:s4+s20], $0x80, s10, s20, $0xb8;
	[tilespmem:$0x1D000] =	vst v63  }
0x1b9: {  	_ =	swait.ge [sflag:s24], $0x4000  }
0x1ba: {  	[sflag:s24] =	ssyncset.done $0x0  }
0x1bb: {  	[sflag:s24] =	ssyncadd.s32 $0xFFFFC000  }
0x1bc: {  	[spmem:s1] =	stream.indirect.scatter.add.f32 [tilespmem:s22], [sflag:$0x3], $0x80, s11, s20, $0xb8;
	[tilespmem:$0x1D000] =	vst v63  }
0x1bd: {  	_ =	swait.ge [sflag:s18], $0x4000  }
0x1be: {  	[sflag:s18] =	ssyncset.done $0x0  }
0x1bf: {  	[sflag:s18] =	ssyncadd.s32 $0xFFFFC000  }
0x1c0: {  	[tilespmem:s22], [sflag:$0x2] =	stream.indirect.gather [hbm4b:s4+s20], $0x80, s12, s20, $0xb8;
	[tilespmem:$0x1D000] =	vst v63  }
0x1c1: {  	_ =	swait.ge [sflag:s23], $0x4000  }
0x1c2: {  	[sflag:s23] =	ssyncset.done $0x0  }
0x1c3: {  	[sflag:s23] =	ssyncadd.s32 $0xFFFFC000  }
0x1c4: {  	[spmem:s1] =	stream.indirect.scatter.add.f32 [tilespmem:s21], [sflag:$0x3], $0x80, s13, s20, $0xb8;
	[tilespmem:$0x1D000] =	vst v63  }
0x1c5: {  	_ =	swait.ge [sflag:s18], $0x4000  }
0x1c6: {  	[sflag:s18] =	ssyncset.done $0x0  }
0x1c7: {  	[sflag:s18] =	ssyncadd.s32 $0xFFFFC000  }
0x1c8: {  	_ =	swait.ge [sflag:s24], $0x4000  }
0x1c9: {  	[sflag:s24] =	ssyncset.done $0x0  }
0x1ca: {  	[sflag:s24] =	ssyncadd.s32 $0xFFFFC000  }
0x1cb: {  	[spmem:s1] =	stream.indirect.scatter.add.f32 [tilespmem:s22], [sflag:$0x3], $0x80, s14, s20, $0xb8;
	[tilespmem:$0x1D000] =	vst v63  }
0x1cc: {  	_ =	swait.ge [sflag:s18], $0x4000  }
0x1cd: {  	[sflag:s18] =	ssyncset.done $0x0  }
0x1ce: {  	[sflag:s18] =	ssyncadd.s32 $0xFFFFC000  }
0x1cf: {  	[bflag:$0x0] =	sbarrier.arrive $0xFFFF  }
0x1d0: {  	s15 =	rddreg [dreg:$0x14]  }
0x1d1: {  	[tilespmem:s21], [sflag:$0x3] =	stream.linear.gather [spmem:s15], $0x4000, $0x38;
	[tilespmem:$0x1D000] =	vst v63  }
0x1d2: {  	_ =	swait.ge [sflag:s18], $0x4000  }
0x1d3: {  	[sflag:s18] =	ssyncset.done $0x0  }
0x1d4: {  	s17 =	rddreg [dreg:$0x16];
	[sflag:s18] =	ssyncadd.s32 $0xFFFFC000  }
0x1d5: {  	[hbm4b:s17+s2] =	stream.linear.scatter [tilespmem:s21], [sflag:$0x3], $0x4000, $0x38;
	[tilespmem:$0x1D000] =	vst v63  }
0x1d6: {  	_ =	swait.ge [sflag:s18], $0x4000  }
0x1d7: {  	[sflag:s18] =	ssyncset.done $0x0  }
0x1d8: {  	s16 =	rddreg [dreg:$0x17];
	[sflag:s18] =	ssyncadd.s32 $0xFFFFC000  }
0x1d9: {  	[tilespmem:s21], [sflag:$0x3] =	stream.linear.gather [spmem:s16], $0x4000, $0x38;
	[tilespmem:$0x1D000] =	vst v63  }
0x1da: {  	_ =	swait.ge [sflag:s18], $0x4000  }
0x1db: {  	[sflag:s18] =	ssyncset.done $0x0  }
0x1dc: {  	s17 =	rddreg [dreg:$0x18];
	[sflag:s18] =	ssyncadd.s32 $0xFFFFC000  }
0x1dd: {  	[hbm4b:s17+s2] =	stream.linear.scatter [tilespmem:s21], [sflag:$0x3], $0x4000, $0x38;
	[tilespmem:$0x1D000] =	vst v63  }
0x1de: {  	_ =	swait.ge [sflag:s18], $0x4000  }
0x1df: {  	[sflag:s18] =	ssyncset.done $0x0  }
0x1e0: {  	s16 =	rddreg [dreg:$0x19];
	[sflag:s18] =	ssyncadd.s32 $0xFFFFC000  }
0x1e1: {  	[tilespmem:s21], [sflag:$0x3] =	stream.linear.gather [spmem:s16], $0x4000, $0x38;
	[tilespmem:$0x1D000] =	vst v63  }
0x1e2: {  	_ =	swait.ge [sflag:s18], $0x4000  }
0x1e3: {  	[sflag:s18] =	ssyncset.done $0x0  }
0x1e4: {  	s17 =	rddreg [dreg:$0x1a];
	[sflag:s18] =	ssyncadd.s32 $0xFFFFC000  }
0x1e5: {  	[hbm4b:s17+s2] =	stream.linear.scatter [tilespmem:s21], [sflag:$0x3], $0x4000, $0x38;
	[tilespmem:$0x1D000] =	vst v63  }
0x1e6: {  	_ =	swait.ge [sflag:s18], $0x4000  }
0x1e7: {  	[sflag:s18] =	ssyncset.done $0x0  }
0x1e8: {  	s16 =	rddreg [dreg:$0x1b];
	[sflag:s18] =	ssyncadd.s32 $0xFFFFC000  }
0x1e9: {  	[tilespmem:s21], [sflag:$0x3] =	stream.linear.gather [spmem:s16], $0x4000, $0x38;
	[tilespmem:$0x1D000] =	vst v63  }
0x1ea: {  	_ =	swait.ge [sflag:s18], $0x4000  }
0x1eb: {  	[sflag:s18] =	ssyncset.done $0x0  }
0x1ec: {  	s17 =	rddreg [dreg:$0x1c];
	[sflag:s18] =	ssyncadd.s32 $0xFFFFC000  }
0x1ed: {  	[hbm4b:s17+s2] =	stream.linear.scatter [tilespmem:s21], [sflag:$0x3], $0x4000, $0x38;
	[tilespmem:$0x1D000] =	vst v63  }
0x1ee: {  	_ =	swait.ge [sflag:s18], $0x4000  }
0x1ef: {  	[sflag:s18] =	ssyncset.done $0x0  }
0x1f0: {  	s16 =	rddreg [dreg:$0x1d];
	[sflag:s18] =	ssyncadd.s32 $0xFFFFC000  }
0x1f1: {  	[tilespmem:s21], [sflag:$0x3] =	stream.linear.gather [spmem:s16], $0x4000, $0x38;
	[tilespmem:$0x1D000] =	vst v63  }
0x1f2: {  	_ =	swait.ge [sflag:s18], $0x4000  }
0x1f3: {  	[sflag:s18] =	ssyncset.done $0x0  }
0x1f4: {  	s17 =	rddreg [dreg:$0x1e];
	[sflag:s18] =	ssyncadd.s32 $0xFFFFC000  }
0x1f5: {  	[hbm4b:s17+s2] =	stream.linear.scatter [tilespmem:s21], [sflag:$0x3], $0x4000, $0x38;
	[tilespmem:$0x1D000] =	vst v63  }
0x1f6: {  	_ =	swait.ge [sflag:s18], $0x4000  }
0x1f7: {  	s6 =	sld [smem:$0x7FD];
	_ =	sdelay $0x2  }
0x1f8: {  	s17 =	rddreg [dreg:$0x1f];
	s16 =	sadd.s32 $0x1, s6  }
0x1f9: {  	p0 =	sne.s32 s16, s17  }
.Ltmp1:
0x1fa: {  	_ = 	snop;
	(pc) =	sbr.rel @p0 .LBB2_1-.Ltmp1, $3  }
0x1fb: {  	_ =	sdelay $0x1  }
0x1fc: {  	[sflag:s18] =	ssyncset.done $0x0  }
0x1fd: {  	[sflag:s18] =	ssyncadd.s32 $0xFFFFC000  }
0x1fe: {  	_ =	sfence.sel $0x180000  }
0x1ff: {  	[bflag:$0x0] =	sbarrier.arrive $0xFFFF  }
0x200: {  	_ =	strace $0x9000004A  }
0x201: {  	s0 =	stileid.u32;
	[bflag:$0x2] =	sbarrier.arrive $0xFFFF  }
0x202: {  	p0 =	sne.s32 s0, $0x0;
	s0 =	rddreg [dreg:$0x4]  }
0x203: {  	s0 =	sadd.s32 @!p0 $0x100000, s0  }
0x204: {  	[sflag:s0] =	ssyncadd.tile.s32 @!p0 $0x1;
	_ =	shalt  }
.Lfunc_end2:
_tile_overlayer_lowered:
.L_overlay_start_2:
0x205: {  	(tag) =	ssettag $0x2  }
0x206: {  	s0 =	rddreg [dreg:$0x0];
	s2 =	stileid.u32  }
0x207: {  	s1 =	rddreg [dreg:$0x1];
	p0 =	sne.s32 s2, $0x0  }
0x208: {  	s3 =	rddreg [dreg:$0x2];
	[bflag:$0x3] =	sbarrier.arrive $0xFFFF;
	s2 =	simm.s32 @!p0 $0x1C03  }
0x209: {  	[timem:s3], [sflag:s2] =	dma.local @!p0 [hbm:s0], s1  }
0x20a: {  	s0 =	simm.s32 @!p0 $0x3  }
0x20b: {  	_ =	swait.ge @!p0 [sflag:s0], s1  }
0x20c: {  	s1 =	ssub.s32 @!p0 $0x0, s1;
	[sflag:s0] =	ssyncset.done @!p0 $0x0  }
0x20d: {  	[sflag:s0] =	ssyncadd.s32 @!p0 s1  }
0x20e: {  	[bflag:$0x3] =	sbarrier.arrive $0xFFFF  }
0x20f: {  	_ =	shalt  }

</sc_bundles>
